<compile_context>
chip_gen: v7x
topology: tpu7x:2x2x1
jax: 0.10.2.dev20260603
libtpu: 0.0.44.dev20260713+nightly
codegen_flags: <defaults>
</compile_context>

<pallas_src>
import jax
import jax.numpy as jnp
from jax import lax
from jax.experimental import pallas as pl
from jax.experimental.pallas import tpu as pltpu
from jax.experimental.pallas import tpu_sc as plsc

N = 10000
E = 320000
D = 128

NC = 2
NS = 16
NW = NC * NS
CHUNK = 128
K = (-(-E // (NW * CHUNK)) + 7) // 8 * 8
EPT = K * CHUNK
E_PAD = NW * EPT
ROWS_PER_TILE = 640
NPAD = NS * ROWS_PER_TILE
F32 = jnp.float32
I32 = jnp.int32


def _segsum_call(with_deg):
    mesh = plsc.VectorSubcoreMesh(core_axis_name="c", subcore_axis_name="s")
    out_type = [jax.ShapeDtypeStruct((NC * NPAD, D), F32)]
    scratch = [
        pltpu.VMEM((2, CHUNK), I32),
        pltpu.VMEM((K, CHUNK), I32),
        pltpu.VMEM((2, CHUNK, D), F32),
        pltpu.VMEM_SHARED((NPAD, D), F32),
        pltpu.SemaphoreType.DMA((2,)),
        pltpu.SemaphoreType.DMA((2,)),
    ]
    if with_deg:
        out_type.append(jax.ShapeDtypeStruct((NC * NPAD, D), F32))

    def body(rows_hbm, src_hbm, dst_hbm, zrows_hbm, orows_hbm, agg_out, *rest):
        if with_deg:
            deg_out, src_v, dst_all, rows_v, agg_sh, sem_g, sem_s = rest
        else:
            src_v, dst_all, rows_v, agg_sh, sem_g, sem_s = rest
        c = lax.axis_index("c")
        s = lax.axis_index("s")
        wid = s * NC + c

        pltpu.sync_copy(dst_hbm.at[pl.ds(wid * K, K)], dst_all)

        def fill(t, _):
            pltpu.sync_copy(rows_v.at[1],
                            agg_sh.at[pl.ds(s * ROWS_PER_TILE + t * CHUNK, CHUNK)])
            return 0

        def wb(out):
            def step(t, _):
                r0 = s * ROWS_PER_TILE + t * CHUNK
                pltpu.sync_copy(agg_sh.at[pl.ds(r0, CHUNK)],
                                out.at[pl.ds(c * NPAD + r0, CHUNK)])
                return 0
            lax.fori_loop(0, ROWS_PER_TILE // CHUNK, step, 0)

        pltpu.sync_copy(zrows_hbm, rows_v.at[1])
        lax.fori_loop(0, ROWS_PER_TILE // CHUNK, fill, 0)

        if with_deg:
            pltpu.sync_copy(orows_hbm, rows_v.at[0])
            plsc.subcore_barrier()

            def deg_group(g, _):
                for i in range(8):
                    pltpu.async_copy(rows_v.at[0],
                                     agg_sh.at[dst_all.at[g * 8 + i]],
                                     sem_s.at[0], add=True)
                for i in range(8):
                    pltpu.make_async_copy(rows_v.at[0],
                                          agg_sh.at[dst_all.at[0]],
                                          sem_s.at[0]).wait()
                return 0
            lax.fori_loop(0, K // 8, deg_group, 0)
            plsc.subcore_barrier()
            wb(deg_out)
            lax.fori_loop(0, ROWS_PER_TILE // CHUNK, fill, 0)

        plsc.subcore_barrier()

        pltpu.sync_copy(src_hbm.at[pl.ds(wid * K, 1)], src_v.at[pl.ds(0, 1)])
        pltpu.async_copy(rows_hbm.at[src_v.at[0]], rows_v.at[0], sem_g.at[0])

        def chunk_body(j, _):
            b = lax.rem(j, 2)
            nb = lax.rem(j + 1, 2)

            @pl.when(j + 1 < K)
            def _():
                pltpu.sync_copy(src_hbm.at[pl.ds(wid * K + j + 1, 1)],
                                src_v.at[pl.ds(nb, 1)])

                @pl.when(j >= 1)
                def _():
                    pltpu.make_async_copy(rows_v.at[nb],
                                          agg_sh.at[dst_all.at[0]],
                                          sem_s.at[nb]).wait()
                pltpu.async_copy(rows_hbm.at[src_v.at[nb]], rows_v.at[nb],
                                 sem_g.at[nb])
            pltpu.make_async_copy(rows_hbm.at[src_v.at[b]], rows_v.at[b],
                                  sem_g.at[b]).wait()
            pltpu.async_copy(rows_v.at[b], agg_sh.at[dst_all.at[j]],
                             sem_s.at[b], add=True)
            return 0
        lax.fori_loop(0, K, chunk_body, 0)
        pltpu.make_async_copy(rows_v.at[0], agg_sh.at[dst_all.at[0]],
                              sem_s.at[0]).wait()
        pltpu.make_async_copy(rows_v.at[1], agg_sh.at[dst_all.at[0]],
                              sem_s.at[1]).wait()
        plsc.subcore_barrier()
        wb(agg_out)

    return pl.kernel(body, out_type=out_type, mesh=mesh, scratch_types=scratch)


def _dense_call(relu):
    BLK = 1024
    grid = NPAD // BLK
    half = NPAD // BLK

    def body(agg0_ref, agg1_ref, deg0_ref, deg1_ref, x_ref, wl_ref, wr_ref,
             b_ref, out_ref):
        agg = agg0_ref[...] + agg1_ref[...]
        deg = deg0_ref[:, :1] + deg1_ref[:, :1]
        mean = agg / jnp.maximum(deg, 1.0)
        h = (jnp.dot(mean, wl_ref[...], preferred_element_type=F32)
             + jnp.dot(x_ref[...], wr_ref[...], preferred_element_type=F32)
             + b_ref[...])
        out_ref[...] = jnp.maximum(h, 0.0) if relu else h

    return pl.pallas_call(
        body,
        grid=(grid,),
        in_specs=[
            pl.BlockSpec((BLK, D), lambda i: (i, 0)),
            pl.BlockSpec((BLK, D), lambda i: (half + i, 0)),
            pl.BlockSpec((BLK, D), lambda i: (i, 0)),
            pl.BlockSpec((BLK, D), lambda i: (half + i, 0)),
            pl.BlockSpec((BLK, D), lambda i: (i, 0)),
            pl.BlockSpec((D, D), lambda i: (0, 0)),
            pl.BlockSpec((D, D), lambda i: (0, 0)),
            pl.BlockSpec((1, D), lambda i: (0, 0)),
        ],
        out_specs=pl.BlockSpec((BLK, D), lambda i: (i, 0)),
        out_shape=jax.ShapeDtypeStruct((NPAD, D), F32),
    )


def _decode_call():
    mesh = plsc.VectorSubcoreMesh(core_axis_name="c", subcore_axis_name="s")
    scratch = [
        pltpu.VMEM((K, CHUNK), I32),
        pltpu.VMEM((K, CHUNK), I32),
        pltpu.VMEM((2, CHUNK, D), F32),
        pltpu.VMEM((2, CHUNK, D), F32),
        pltpu.VMEM((2, CHUNK, 16), F32),
        pltpu.SemaphoreType.DMA((2,)),
        pltpu.SemaphoreType.DMA((2,)),
        pltpu.SemaphoreType.DMA((2,)),
    ]

    def body(z_hbm, src_hbm, dst_hbm, out_hbm, src_all, dst_all, srows, drows,
             acc_v, sems, semd, semw):
        c = lax.axis_index("c")
        s = lax.axis_index("s")
        wid = s * NC + c

        pltpu.sync_copy(src_hbm.at[pl.ds(wid * K, K)], src_all)
        pltpu.sync_copy(dst_hbm.at[pl.ds(wid * K, K)], dst_all)

        pltpu.async_copy(z_hbm.at[src_all.at[0]], srows.at[0], sems.at[0])
        pltpu.async_copy(z_hbm.at[dst_all.at[0]], drows.at[0], semd.at[0])

        def chunk_body(j, _):
            b = lax.rem(j, 2)
            nb = lax.rem(j + 1, 2)

            @pl.when(j + 1 < K)
            def _():
                pltpu.async_copy(z_hbm.at[src_all.at[j + 1]], srows.at[nb],
                                 sems.at[nb])
                pltpu.async_copy(z_hbm.at[dst_all.at[j + 1]], drows.at[nb],
                                 semd.at[nb])
            pltpu.make_async_copy(z_hbm.at[src_all.at[j]], srows.at[b],
                                  sems.at[b]).wait()
            pltpu.make_async_copy(z_hbm.at[dst_all.at[j]], drows.at[b],
                                  semd.at[b]).wait()

            @pl.when(j >= 2)
            def _():
                pltpu.make_async_copy(acc_v.at[b], out_hbm.at[pl.ds(0, CHUNK)],
                                      semw.at[b]).wait()

            @plsc.parallel_loop(0, CHUNK, unroll=8)
            def _(e):
                a = jnp.zeros((16,), F32)
                for k in range(D // 16):
                    a = a + (srows[b, e, pl.ds(k * 16, 16)]
                             * drows[b, e, pl.ds(k * 16, 16)])
                acc_v[b, e, pl.ds(0, 16)] = a
            pltpu.async_copy(acc_v.at[b],
                             out_hbm.at[pl.ds((wid * K + j) * CHUNK, CHUNK)],
                             semw.at[b])
            return 0
        lax.fori_loop(0, K, chunk_body, 0)
        pltpu.make_async_copy(acc_v.at[0], out_hbm.at[pl.ds(0, CHUNK)],
                              semw.at[0]).wait()
        pltpu.make_async_copy(acc_v.at[1], out_hbm.at[pl.ds(0, CHUNK)],
                              semw.at[1]).wait()

    return pl.kernel(body, out_type=jax.ShapeDtypeStruct((E_PAD, 16), F32),
                     mesh=mesh, scratch_types=scratch)


def _rowsum_call():
    BLKE = 4096
    grid = E_PAD // BLKE

    def body(a_ref, out_ref):
        out_ref[...] = jnp.sum(a_ref[...], axis=1)

    return pl.pallas_call(
        body,
        grid=(grid,),
        in_specs=[pl.BlockSpec((BLKE, 16), lambda i: (i, 0))],
        out_specs=pl.BlockSpec((BLKE,), lambda i: (i,)),
        out_shape=jax.ShapeDtypeStruct((E_PAD,), F32),
    )


def kernel(x, edge_index, W1_l, b1_l, W1_r, W2_l, b2_l, W2_r):
    src = edge_index[0]
    dst = edge_index[1]
    ept_real = E // NW
    padn = EPT - ept_real
    pad_dst = jnp.broadcast_to(jnp.arange(N, N + padn, dtype=I32), (NW, padn))
    pad_src = jnp.zeros((NW, padn), I32)
    src_p = jnp.concatenate([src.reshape(NW, ept_real), pad_src],
                            axis=1).reshape(NW * K, CHUNK)
    dst_p = jnp.concatenate([dst.reshape(NW, ept_real), pad_dst],
                            axis=1).reshape(NW * K, CHUNK)
    x_p = jnp.zeros((NPAD, D), F32).at[:N].set(x)
    zrows = jnp.zeros((CHUNK, D), F32)
    orows = jnp.ones((CHUNK, D), F32)

    agg1, deg = _segsum_call(True)(x_p, src_p, dst_p, zrows, orows)
    h = _dense_call(True)(agg1, agg1, deg, deg, x_p,
                          W1_l.T, W1_r.T, b1_l[None, :])
    (agg2,) = _segsum_call(False)(h, src_p, dst_p, zrows, orows)
    z = _dense_call(False)(agg2, agg2, deg, deg, h,
                           W2_l.T, W2_r.T, b2_l[None, :])
    partial = _decode_call()(z, src_p, dst_p)
    dots = _rowsum_call()(partial)
    return dots.reshape(NW, EPT)[:, :ept_real].reshape(E)

# --- scband reference (transcript-rebuilt; emitter-appended) ---
"""Pipeline reference for scband-link-predictor-81243601371376 (READ-ONLY COPY).

The authoritative reference and input builder live on the scoring server;
editing this copy changes nothing except your own understanding.
"""

import jax, jax.numpy as jnp
import numpy as np

N = 10000
E = 320000
D_IN = 128
D_HID = 128
D_OUT = 128


def _sage_conv(x, edge_index, W_l, b_l, W_r, n_nodes):
    # PyG SAGEConv with mean aggregation:
    #   out = lin_l(mean_{j in N(i)} x_j) + lin_r(x_i)
    src = edge_index[0]
    dst = edge_index[1]
    msgs = x[src]  # gather source-node features per edge
    agg = jax.ops.segment_sum(msgs, dst, num_segments=n_nodes)
    deg = jax.ops.segment_sum(jnp.ones((edge_index.shape[1],), dtype=x.dtype), dst, num_segments=n_nodes)
    mean = agg / jnp.maximum(deg, 1.0)[:, None]
    return mean @ W_l.T + b_l + x @ W_r.T


def setup_inputs(seed: int = 0) -> dict:
    key = jax.random.key(seed)
    ks = jax.random.split(key, 8)
    x = jax.random.normal(ks[0], (N, D_IN), dtype=jnp.float32)
    edge_index = jax.random.randint(ks[1], (2, E), 0, N, dtype=jnp.int32)
    s1 = 1.0 / np.sqrt(D_IN)
    s2 = 1.0 / np.sqrt(D_HID)
    W1_l = jax.random.uniform(ks[2], (D_HID, D_IN), jnp.float32, -s1, s1)
    b1_l = jnp.zeros((D_HID,), dtype=jnp.float32)
    W1_r = jax.random.uniform(ks[3], (D_HID, D_IN), jnp.float32, -s1, s1)
    W2_l = jax.random.uniform(ks[4], (D_OUT, D_HID), jnp.float32, -s2, s2)
    b2_l = jnp.zeros((D_OUT,), dtype=jnp.float32)
    W2_r = jax.random.uniform(ks[5], (D_OUT, D_HID), jnp.float32, -s2, s2)
    return {"x": x, "edge_index": edge_index, "W1_l": W1_l, "b1_l": b1_l, "W1_r": W1_r, "W2_l": W2_l, "b2_l": b2_l, "W2_r": W2_r}


def reference(x, edge_index, W1_l, b1_l, W1_r, W2_l, b2_l, W2_r):
    # encode: two SAGE convs with relu in between
    h = jax.nn.relu(_sage_conv(x, edge_index, W1_l, b1_l, W1_r, N))
    z = _sage_conv(h, edge_index, W2_l, b2_l, W2_r, N)
    # decode: per-edge dot product of endpoint embeddings
    src_emb = z[edge_index[0]]
    dst_emb = z[edge_index[1]]
    return (src_emb * dst_emb).sum(axis=1)

if __name__ == "__main__":
    import jax
    _d = setup_inputs()
    print(jax.jit(kernel)(*tuple(_d.values())))

</pallas_src>

<mosaic_0001>
#map = affine_map<(d0, d1) -> (0, 0)>
module attributes {stable_mosaic.version = 14 : i64} {
  func.func @body(%arg0: i32, %arg1: i32, %arg2: memref<10240x128xf32, #tpu.memory_space<hbm>>, %arg3: memref<2560x128xi32, #tpu.memory_space<hbm>>, %arg4: memref<2560x128xi32, #tpu.memory_space<hbm>>, %arg5: memref<327680x16xf32, #tpu.memory_space<hbm>>, %arg6: memref<80x128xi32, #tpu.memory_space<vmem>>, %arg7: memref<80x128xi32, #tpu.memory_space<vmem>>, %arg8: memref<2x128x128xf32, #tpu.memory_space<vmem>>, %arg9: memref<2x128x128xf32, #tpu.memory_space<vmem>>, %arg10: memref<2x128x16xf32, #tpu.memory_space<vmem>>, %arg11: memref<2x!tpu.dma_semaphore, #tpu.memory_space<semaphore_mem>>, %arg12: memref<2x!tpu.dma_semaphore, #tpu.memory_space<semaphore_mem>>, %arg13: memref<2x!tpu.dma_semaphore, #tpu.memory_space<semaphore_mem>>) attributes {dimension_semantics = [#tpu.dimension_semantics<core_parallel>, #tpu.dimension_semantics<subcore_parallel>], iteration_bounds = array<i64: 2, 16>, scalar_prefetch = 0 : i64, scratch_operands = 8 : i64, tpu.core_type = #tpu.core_type<sc_vector_subcore>, window_params = [{transform_indices = #map}, {transform_indices = #map}, {transform_indices = #map}, {transform_indices = #map}]} {
    %mul3A = arith.constant 2 : i32
    %mul3A_0 = arith.muli %arg1, %mul3A : i32
    %add3A = arith.addi %mul3A_0, %arg0 : i32
    %mul3A_1 = arith.constant 80 : i32
    %mul3A_2 = arith.muli %add3A, %mul3A_1 : i32
    "tpu.region"() ({
      %run_scoped3A = tpu.sem_alloc : memref<!tpu.dma_semaphore, #tpu.memory_space<semaphore_mem>>
      %dma_start3A_75 = arith.constant 0 : i32
      %dma_start3A_76 = tpu.memref_slice %arg3[%mul3A_2, %dma_start3A_75] : memref<2560x128xi32, #tpu.memory_space<hbm>> -> memref<80x128xi32, #tpu.memory_space<hbm>>
      %dma_start3A_77 = arith.constant 0 : i32
      %dma_start3A_78 = tpu.memref_slice %arg3[%mul3A_2, %dma_start3A_77] : memref<2560x128xi32, #tpu.memory_space<hbm>> -> memref<80x128xi32, #tpu.memory_space<hbm>>
      tpu.enqueue_dma source(%dma_start3A_78 : memref<80x128xi32, #tpu.memory_space<hbm>>) target(%arg6 : memref<80x128xi32, #tpu.memory_space<vmem>>) target_semaphore(%run_scoped3A : memref<!tpu.dma_semaphore, #tpu.memory_space<semaphore_mem>>)
      %dma_wait3A_79 = arith.constant 0 : i32
      %dma_wait3A_80 = tpu.memref_slice %arg3[%mul3A_2, %dma_wait3A_79] : memref<2560x128xi32, #tpu.memory_space<hbm>> -> memref<80x128xi32, #tpu.memory_space<hbm>>
      %dma_wait3A_81 = arith.constant 0 : i32
      %dma_wait3A_82 = tpu.memref_slice %arg3[%mul3A_2, %dma_wait3A_81] : memref<2560x128xi32, #tpu.memory_space<hbm>> -> memref<80x128xi32, #tpu.memory_space<hbm>>
      tpu.wait_dma2 semaphore(%run_scoped3A : memref<!tpu.dma_semaphore, #tpu.memory_space<semaphore_mem>>) src(%dma_wait3A_82 : memref<80x128xi32, #tpu.memory_space<hbm>>) dst(%arg6 : memref<80x128xi32, #tpu.memory_space<vmem>>)
      tpu.yield
    }) : () -> ()
    %mul3A_3 = arith.constant 80 : i32
    %mul3A_4 = arith.muli %add3A, %mul3A_3 : i32
    "tpu.region"() ({
      %run_scoped3A = tpu.sem_alloc : memref<!tpu.dma_semaphore, #tpu.memory_space<semaphore_mem>>
      %dma_start3A_75 = arith.constant 0 : i32
      %dma_start3A_76 = tpu.memref_slice %arg4[%mul3A_4, %dma_start3A_75] : memref<2560x128xi32, #tpu.memory_space<hbm>> -> memref<80x128xi32, #tpu.memory_space<hbm>>
      %dma_start3A_77 = arith.constant 0 : i32
      %dma_start3A_78 = tpu.memref_slice %arg4[%mul3A_4, %dma_start3A_77] : memref<2560x128xi32, #tpu.memory_space<hbm>> -> memref<80x128xi32, #tpu.memory_space<hbm>>
      tpu.enqueue_dma source(%dma_start3A_78 : memref<80x128xi32, #tpu.memory_space<hbm>>) target(%arg7 : memref<80x128xi32, #tpu.memory_space<vmem>>) target_semaphore(%run_scoped3A : memref<!tpu.dma_semaphore, #tpu.memory_space<semaphore_mem>>)
      %dma_wait3A_79 = arith.constant 0 : i32
      %dma_wait3A_80 = tpu.memref_slice %arg4[%mul3A_4, %dma_wait3A_79] : memref<2560x128xi32, #tpu.memory_space<hbm>> -> memref<80x128xi32, #tpu.memory_space<hbm>>
      %dma_wait3A_81 = arith.constant 0 : i32
      %dma_wait3A_82 = tpu.memref_slice %arg4[%mul3A_4, %dma_wait3A_81] : memref<2560x128xi32, #tpu.memory_space<hbm>> -> memref<80x128xi32, #tpu.memory_space<hbm>>
      tpu.wait_dma2 semaphore(%run_scoped3A : memref<!tpu.dma_semaphore, #tpu.memory_space<semaphore_mem>>) src(%dma_wait3A_82 : memref<80x128xi32, #tpu.memory_space<hbm>>) dst(%arg7 : memref<80x128xi32, #tpu.memory_space<vmem>>)
      tpu.yield
    }) : () -> ()
    %dma_start3A = arith.constant 0 : i32
    %dma_start3A_5 = arith.constant 0 : i32
    %dma_start3A_6 = arith.constant 0 : i32
    %dma_start3A_7 = arith.constant 0 : i32
    %dma_start3A_8 = arith.constant 0 : i32
    %dma_start3A_9 = tpu.memref_slice %arg8[%dma_start3A_5, %dma_start3A_7, %dma_start3A_8] : memref<2x128x128xf32, #tpu.memory_space<vmem>> -> memref<1x128x128xf32, #tpu.memory_space<vmem>>
    %dma_start3A_10 = tpu.memref_squeeze %dma_start3A_9 : memref<1x128x128xf32, #tpu.memory_space<vmem>> -> memref<128x128xf32, #tpu.memory_space<vmem>>
    %dma_start3A_11 = arith.constant 0 : i32
    %dma_start3A_12 = tpu.memref_slice %arg6[%dma_start3A, %dma_start3A_11] : memref<80x128xi32, #tpu.memory_space<vmem>> -> memref<1x128xi32, #tpu.memory_space<vmem>>
    %dma_start3A_13 = tpu.memref_squeeze %dma_start3A_12 : memref<1x128xi32, #tpu.memory_space<vmem>> -> memref<128xi32, #tpu.memory_space<vmem>>
    %dma_start3A_14 = arith.constant 0 : i32
    %dma_start3A_15 = arith.constant 0 : i32
    %dma_start3A_16 = tpu.memref_slice %arg2[%dma_start3A_14, %dma_start3A_15] : memref<10240x128xf32, #tpu.memory_space<hbm>> -> memref<10240x128xf32, #tpu.memory_space<hbm>>
    %dma_start3A_17 = tpu.memref_slice %arg11[%dma_start3A_6] : memref<2x!tpu.dma_semaphore, #tpu.memory_space<semaphore_mem>> -> memref<1x!tpu.dma_semaphore, #tpu.memory_space<semaphore_mem>>
    %dma_start3A_18 = tpu.memref_squeeze %dma_start3A_17 : memref<1x!tpu.dma_semaphore, #tpu.memory_space<semaphore_mem>> -> memref<!tpu.dma_semaphore, #tpu.memory_space<semaphore_mem>>
    tpu.enqueue_indirect_dma source(%dma_start3A_16 : memref<10240x128xf32, #tpu.memory_space<hbm>>) target(%dma_start3A_10 : memref<128x128xf32, #tpu.memory_space<vmem>>) offsets(%dma_start3A_13 : memref<128xi32, #tpu.memory_space<vmem>>) semaphore(%dma_start3A_18 : memref<!tpu.dma_semaphore, #tpu.memory_space<semaphore_mem>>)
    %dma_start3A_19 = arith.constant 0 : i32
    %dma_start3A_20 = arith.constant 0 : i32
    %dma_start3A_21 = arith.constant 0 : i32
    %dma_start3A_22 = arith.constant 0 : i32
    %dma_start3A_23 = arith.constant 0 : i32
    %dma_start3A_24 = tpu.memref_slice %arg9[%dma_start3A_20, %dma_start3A_22, %dma_start3A_23] : memref<2x128x128xf32, #tpu.memory_space<vmem>> -> memref<1x128x128xf32, #tpu.memory_space<vmem>>
    %dma_start3A_25 = tpu.memref_squeeze %dma_start3A_24 : memref<1x128x128xf32, #tpu.memory_space<vmem>> -> memref<128x128xf32, #tpu.memory_space<vmem>>
    %dma_start3A_26 = arith.constant 0 : i32
    %dma_start3A_27 = tpu.memref_slice %arg7[%dma_start3A_19, %dma_start3A_26] : memref<80x128xi32, #tpu.memory_space<vmem>> -> memref<1x128xi32, #tpu.memory_space<vmem>>
    %dma_start3A_28 = tpu.memref_squeeze %dma_start3A_27 : memref<1x128xi32, #tpu.memory_space<vmem>> -> memref<128xi32, #tpu.memory_space<vmem>>
    %dma_start3A_29 = arith.constant 0 : i32
    %dma_start3A_30 = arith.constant 0 : i32
    %dma_start3A_31 = tpu.memref_slice %arg2[%dma_start3A_29, %dma_start3A_30] : memref<10240x128xf32, #tpu.memory_space<hbm>> -> memref<10240x128xf32, #tpu.memory_space<hbm>>
    %dma_start3A_32 = tpu.memref_slice %arg12[%dma_start3A_21] : memref<2x!tpu.dma_semaphore, #tpu.memory_space<semaphore_mem>> -> memref<1x!tpu.dma_semaphore, #tpu.memory_space<semaphore_mem>>
    %dma_start3A_33 = tpu.memref_squeeze %dma_start3A_32 : memref<1x!tpu.dma_semaphore, #tpu.memory_space<semaphore_mem>> -> memref<!tpu.dma_semaphore, #tpu.memory_space<semaphore_mem>>
    tpu.enqueue_indirect_dma source(%dma_start3A_31 : memref<10240x128xf32, #tpu.memory_space<hbm>>) target(%dma_start3A_25 : memref<128x128xf32, #tpu.memory_space<vmem>>) offsets(%dma_start3A_28 : memref<128xi32, #tpu.memory_space<vmem>>) semaphore(%dma_start3A_33 : memref<!tpu.dma_semaphore, #tpu.memory_space<semaphore_mem>>)
    %scan3A = arith.constant 0 : i32
    %scan3A_34 = arith.constant 0 : i32
    %scan3A_35 = arith.constant 80 : i32
    %scan3A_36 = arith.addi %scan3A_34, %scan3A_35 : i32
    %scan3A_37 = arith.constant 1 : i32
    %scan3A_38 = scf.for %scan3A_75 = %scan3A_34 to %scan3A_36 step %scan3A_37 iter_args(%scan3A_76 = %scan3A) -> (i32)  : i32 {
      %rem3A = arith.constant 2 : i32
      %rem3A_77 = arith.remsi %scan3A_75, %rem3A : i32
      %add3A_78 = arith.constant 1 : i32
      %add3A_79 = arith.addi %scan3A_75, %add3A_78 : i32
      %rem3A_80 = arith.constant 2 : i32
      %rem3A_81 = arith.remsi %add3A_79, %rem3A_80 : i32
      %add3A_82 = arith.constant 1 : i32
      %add3A_83 = arith.addi %scan3A_75, %add3A_82 : i32
      %lt3A = arith.constant 80 : i32
      %lt3A_84 = arith.cmpi slt, %add3A_83, %lt3A : i32
      %convert_element_type3A = arith.extui %lt3A_84 : i1 to i32
      %cond3A = arith.constant 0 : i32
      %cond3A_85 = arith.cmpi ne, %convert_element_type3A, %cond3A : i32
      scf.if %cond3A_85 {
        %add3A_136 = arith.constant 1 : i32
        %add3A_137 = arith.addi %scan3A_75, %add3A_136 : i32
        %dma_start3A_138 = arith.constant 0 : i32
        %dma_start3A_139 = arith.constant 0 : i32
        %dma_start3A_140 = tpu.memref_slice %arg8[%rem3A_81, %dma_start3A_138, %dma_start3A_139] : memref<2x128x128xf32, #tpu.memory_space<vmem>> -> memref<1x128x128xf32, #tpu.memory_space<vmem>>
        %dma_start3A_141 = tpu.memref_squeeze %dma_start3A_140 : memref<1x128x128xf32, #tpu.memory_space<vmem>> -> memref<128x128xf32, #tpu.memory_space<vmem>>
        %dma_start3A_142 = arith.constant 0 : i32
        %dma_start3A_143 = tpu.memref_slice %arg6[%add3A_137, %dma_start3A_142] : memref<80x128xi32, #tpu.memory_space<vmem>> -> memref<1x128xi32, #tpu.memory_space<vmem>>
        %dma_start3A_144 = tpu.memref_squeeze %dma_start3A_143 : memref<1x128xi32, #tpu.memory_space<vmem>> -> memref<128xi32, #tpu.memory_space<vmem>>
        %dma_start3A_145 = arith.constant 0 : i32
        %dma_start3A_146 = arith.constant 0 : i32
        %dma_start3A_147 = tpu.memref_slice %arg2[%dma_start3A_145, %dma_start3A_146] : memref<10240x128xf32, #tpu.memory_space<hbm>> -> memref<10240x128xf32, #tpu.memory_space<hbm>>
        %dma_start3A_148 = tpu.memref_slice %arg11[%rem3A_81] : memref<2x!tpu.dma_semaphore, #tpu.memory_space<semaphore_mem>> -> memref<1x!tpu.dma_semaphore, #tpu.memory_space<semaphore_mem>>
        %dma_start3A_149 = tpu.memref_squeeze %dma_start3A_148 : memref<1x!tpu.dma_semaphore, #tpu.memory_space<semaphore_mem>> -> memref<!tpu.dma_semaphore, #tpu.memory_space<semaphore_mem>>
        tpu.enqueue_indirect_dma source(%dma_start3A_147 : memref<10240x128xf32, #tpu.memory_space<hbm>>) target(%dma_start3A_141 : memref<128x128xf32, #tpu.memory_space<vmem>>) offsets(%dma_start3A_144 : memref<128xi32, #tpu.memory_space<vmem>>) semaphore(%dma_start3A_149 : memref<!tpu.dma_semaphore, #tpu.memory_space<semaphore_mem>>)
        %add3A_150 = arith.constant 1 : i32
        %add3A_151 = arith.addi %scan3A_75, %add3A_150 : i32
        %dma_start3A_152 = arith.constant 0 : i32
        %dma_start3A_153 = arith.constant 0 : i32
        %dma_start3A_154 = tpu.memref_slice %arg9[%rem3A_81, %dma_start3A_152, %dma_start3A_153] : memref<2x128x128xf32, #tpu.memory_space<vmem>> -> memref<1x128x128xf32, #tpu.memory_space<vmem>>
        %dma_start3A_155 = tpu.memref_squeeze %dma_start3A_154 : memref<1x128x128xf32, #tpu.memory_space<vmem>> -> memref<128x128xf32, #tpu.memory_space<vmem>>
        %dma_start3A_156 = arith.constant 0 : i32
        %dma_start3A_157 = tpu.memref_slice %arg7[%add3A_151, %dma_start3A_156] : memref<80x128xi32, #tpu.memory_space<vmem>> -> memref<1x128xi32, #tpu.memory_space<vmem>>
        %dma_start3A_158 = tpu.memref_squeeze %dma_start3A_157 : memref<1x128xi32, #tpu.memory_space<vmem>> -> memref<128xi32, #tpu.memory_space<vmem>>
        %dma_start3A_159 = arith.constant 0 : i32
        %dma_start3A_160 = arith.constant 0 : i32
        %dma_start3A_161 = tpu.memref_slice %arg2[%dma_start3A_159, %dma_start3A_160] : memref<10240x128xf32, #tpu.memory_space<hbm>> -> memref<10240x128xf32, #tpu.memory_space<hbm>>
        %dma_start3A_162 = tpu.memref_slice %arg12[%rem3A_81] : memref<2x!tpu.dma_semaphore, #tpu.memory_space<semaphore_mem>> -> memref<1x!tpu.dma_semaphore, #tpu.memory_space<semaphore_mem>>
        %dma_start3A_163 = tpu.memref_squeeze %dma_start3A_162 : memref<1x!tpu.dma_semaphore, #tpu.memory_space<semaphore_mem>> -> memref<!tpu.dma_semaphore, #tpu.memory_space<semaphore_mem>>
        tpu.enqueue_indirect_dma source(%dma_start3A_161 : memref<10240x128xf32, #tpu.memory_space<hbm>>) target(%dma_start3A_155 : memref<128x128xf32, #tpu.memory_space<vmem>>) offsets(%dma_start3A_158 : memref<128xi32, #tpu.memory_space<vmem>>) semaphore(%dma_start3A_163 : memref<!tpu.dma_semaphore, #tpu.memory_space<semaphore_mem>>)
      } else {
      }
      %dma_wait3A_86 = arith.constant 0 : i32
      %dma_wait3A_87 = arith.constant 0 : i32
      %dma_wait3A_88 = tpu.memref_slice %arg8[%rem3A_77, %dma_wait3A_86, %dma_wait3A_87] : memref<2x128x128xf32, #tpu.memory_space<vmem>> -> memref<1x128x128xf32, #tpu.memory_space<vmem>>
      %dma_wait3A_89 = tpu.memref_squeeze %dma_wait3A_88 : memref<1x128x128xf32, #tpu.memory_space<vmem>> -> memref<128x128xf32, #tpu.memory_space<vmem>>
      %dma_wait3A_90 = arith.constant 0 : i32
      %dma_wait3A_91 = tpu.memref_slice %arg6[%scan3A_75, %dma_wait3A_90] : memref<80x128xi32, #tpu.memory_space<vmem>> -> memref<1x128xi32, #tpu.memory_space<vmem>>
      %dma_wait3A_92 = tpu.memref_squeeze %dma_wait3A_91 : memref<1x128xi32, #tpu.memory_space<vmem>> -> memref<128xi32, #tpu.memory_space<vmem>>
      %dma_wait3A_93 = arith.constant 0 : i32
      %dma_wait3A_94 = arith.constant 0 : i32
      %dma_wait3A_95 = tpu.memref_slice %arg2[%dma_wait3A_93, %dma_wait3A_94] : memref<10240x128xf32, #tpu.memory_space<hbm>> -> memref<10240x128xf32, #tpu.memory_space<hbm>>
      %dma_wait3A_96 = tpu.memref_slice %arg11[%rem3A_77] : memref<2x!tpu.dma_semaphore, #tpu.memory_space<semaphore_mem>> -> memref<1x!tpu.dma_semaphore, #tpu.memory_space<semaphore_mem>>
      %dma_wait3A_97 = tpu.memref_squeeze %dma_wait3A_96 : memref<1x!tpu.dma_semaphore, #tpu.memory_space<semaphore_mem>> -> memref<!tpu.dma_semaphore, #tpu.memory_space<semaphore_mem>>
      tpu.wait_indirect_dma semaphore(%dma_wait3A_97 : memref<!tpu.dma_semaphore, #tpu.memory_space<semaphore_mem>>) src(%dma_wait3A_95 : memref<10240x128xf32, #tpu.memory_space<hbm>>) dst(%dma_wait3A_89 : memref<128x128xf32, #tpu.memory_space<vmem>>)
      %dma_wait3A_98 = arith.constant 0 : i32
      %dma_wait3A_99 = arith.constant 0 : i32
      %dma_wait3A_100 = tpu.memref_slice %arg9[%rem3A_77, %dma_wait3A_98, %dma_wait3A_99] : memref<2x128x128xf32, #tpu.memory_space<vmem>> -> memref<1x128x128xf32, #tpu.memory_space<vmem>>
      %dma_wait3A_101 = tpu.memref_squeeze %dma_wait3A_100 : memref<1x128x128xf32, #tpu.memory_space<vmem>> -> memref<128x128xf32, #tpu.memory_space<vmem>>
      %dma_wait3A_102 = arith.constant 0 : i32
      %dma_wait3A_103 = tpu.memref_slice %arg7[%scan3A_75, %dma_wait3A_102] : memref<80x128xi32, #tpu.memory_space<vmem>> -> memref<1x128xi32, #tpu.memory_space<vmem>>
      %dma_wait3A_104 = tpu.memref_squeeze %dma_wait3A_103 : memref<1x128xi32, #tpu.memory_space<vmem>> -> memref<128xi32, #tpu.memory_space<vmem>>
      %dma_wait3A_105 = arith.constant 0 : i32
      %dma_wait3A_106 = arith.constant 0 : i32
      %dma_wait3A_107 = tpu.memref_slice %arg2[%dma_wait3A_105, %dma_wait3A_106] : memref<10240x128xf32, #tpu.memory_space<hbm>> -> memref<10240x128xf32, #tpu.memory_space<hbm>>
      %dma_wait3A_108 = tpu.memref_slice %arg12[%rem3A_77] : memref<2x!tpu.dma_semaphore, #tpu.memory_space<semaphore_mem>> -> memref<1x!tpu.dma_semaphore, #tpu.memory_space<semaphore_mem>>
      %dma_wait3A_109 = tpu.memref_squeeze %dma_wait3A_108 : memref<1x!tpu.dma_semaphore, #tpu.memory_space<semaphore_mem>> -> memref<!tpu.dma_semaphore, #tpu.memory_space<semaphore_mem>>
      tpu.wait_indirect_dma semaphore(%dma_wait3A_109 : memref<!tpu.dma_semaphore, #tpu.memory_space<semaphore_mem>>) src(%dma_wait3A_107 : memref<10240x128xf32, #tpu.memory_space<hbm>>) dst(%dma_wait3A_101 : memref<128x128xf32, #tpu.memory_space<vmem>>)
      %ge3A = arith.constant 2 : i32
      %ge3A_110 = arith.cmpi sge, %scan3A_75, %ge3A : i32
      %convert_element_type3A_111 = arith.extui %ge3A_110 : i1 to i32
      %cond3A_112 = arith.constant 0 : i32
      %cond3A_113 = arith.cmpi ne, %convert_element_type3A_111, %cond3A_112 : i32
      scf.if %cond3A_113 {
        %dma_wait3A_136 = arith.constant 0 : i32
        %dma_wait3A_137 = arith.constant 0 : i32
        %dma_wait3A_138 = tpu.memref_slice %arg10[%rem3A_77, %dma_wait3A_136, %dma_wait3A_137] : memref<2x128x16xf32, #tpu.memory_space<vmem>> -> memref<1x128x16xf32, #tpu.memory_space<vmem>>
        %dma_wait3A_139 = tpu.memref_squeeze %dma_wait3A_138 : memref<1x128x16xf32, #tpu.memory_space<vmem>> -> memref<128x16xf32, #tpu.memory_space<vmem>>
        %dma_wait3A_140 = arith.constant 0 : i32
        %dma_wait3A_141 = arith.constant 0 : i32
        %dma_wait3A_142 = tpu.memref_slice %arg5[%dma_wait3A_140, %dma_wait3A_141] : memref<327680x16xf32, #tpu.memory_space<hbm>> -> memref<128x16xf32, #tpu.memory_space<hbm>>
        %dma_wait3A_143 = tpu.memref_slice %arg13[%rem3A_77] : memref<2x!tpu.dma_semaphore, #tpu.memory_space<semaphore_mem>> -> memref<1x!tpu.dma_semaphore, #tpu.memory_space<semaphore_mem>>
        %dma_wait3A_144 = tpu.memref_squeeze %dma_wait3A_143 : memref<1x!tpu.dma_semaphore, #tpu.memory_space<semaphore_mem>> -> memref<!tpu.dma_semaphore, #tpu.memory_space<semaphore_mem>>
        %dma_wait3A_145 = arith.constant 0 : i32
        %dma_wait3A_146 = arith.constant 0 : i32
        %dma_wait3A_147 = tpu.memref_slice %arg5[%dma_wait3A_145, %dma_wait3A_146] : memref<327680x16xf32, #tpu.memory_space<hbm>> -> memref<128x16xf32, #tpu.memory_space<hbm>>
        %dma_wait3A_148 = arith.constant 0 : i32
        %dma_wait3A_149 = arith.constant 0 : i32
        %dma_wait3A_150 = tpu.memref_slice %arg10[%rem3A_77, %dma_wait3A_148, %dma_wait3A_149] : memref<2x128x16xf32, #tpu.memory_space<vmem>> -> memref<1x128x16xf32, #tpu.memory_space<vmem>>
        %dma_wait3A_151 = tpu.memref_squeeze %dma_wait3A_150 : memref<1x128x16xf32, #tpu.memory_space<vmem>> -> memref<128x16xf32, #tpu.memory_space<vmem>>
        tpu.wait_dma2 semaphore(%dma_wait3A_144 : memref<!tpu.dma_semaphore, #tpu.memory_space<semaphore_mem>>) src(%dma_wait3A_151 : memref<128x16xf32, #tpu.memory_space<vmem>>) dst(%dma_wait3A_147 : memref<128x16xf32, #tpu.memory_space<hbm>>)
      } else {
      }
      %parallel_loop3A = arith.constant 0 : i32
      %parallel_loop3A_114 = arith.constant 128 : i32
      %parallel_loop3A_115 = arith.constant 1 : i32
      scf.for %parallel_loop3A_136 = %parallel_loop3A to %parallel_loop3A_114 step %parallel_loop3A_115  : i32 {
        %parallel_loop3A_137 = arith.constant 0.000000e+00 : f32
        %parallel_loop3A_138 = vector.broadcast %parallel_loop3A_137 : f32 to vector<16xf32>
        %parallel_loop3A_139 = arith.index_cast %rem3A_77 : i32 to index
        %parallel_loop3A_140 = arith.index_cast %parallel_loop3A_136 : i32 to index
        %parallel_loop3A_141 = arith.constant 0 : index
        %parallel_loop3A_142 = tpu.vector_load %arg8[%parallel_loop3A_139, %parallel_loop3A_140, %parallel_loop3A_141] {strides = array<i32>} : memref<2x128x128xf32, #tpu.memory_space<vmem>>, vector<1x1x16xf32>,
        %parallel_loop3A_143 = vector.shape_cast %parallel_loop3A_142 : vector<1x1x16xf32> to vector<16xf32>
        %parallel_loop3A_144 = arith.index_cast %rem3A_77 : i32 to index
        %parallel_loop3A_145 = arith.index_cast %parallel_loop3A_136 : i32 to index
        %parallel_loop3A_146 = arith.constant 0 : index
        %parallel_loop3A_147 = tpu.vector_load %arg9[%parallel_loop3A_144, %parallel_loop3A_145, %parallel_loop3A_146] {strides = array<i32>} : memref<2x128x128xf32, #tpu.memory_space<vmem>>, vector<1x1x16xf32>,
        %parallel_loop3A_148 = vector.shape_cast %parallel_loop3A_147 : vector<1x1x16xf32> to vector<16xf32>
        %parallel_loop3A_149 = arith.mulf %parallel_loop3A_143, %parallel_loop3A_148 : vector<16xf32>
        %parallel_loop3A_150 = arith.addf %parallel_loop3A_138, %parallel_loop3A_149 : vector<16xf32>
        %parallel_loop3A_151 = arith.index_cast %rem3A_77 : i32 to index
        %parallel_loop3A_152 = arith.index_cast %parallel_loop3A_136 : i32 to index
        %parallel_loop3A_153 = arith.constant 16 : index
        %parallel_loop3A_154 = tpu.vector_load %arg8[%parallel_loop3A_151, %parallel_loop3A_152, %parallel_loop3A_153] {strides = array<i32>} : memref<2x128x128xf32, #tpu.memory_space<vmem>>, vector<1x1x16xf32>,
        %parallel_loop3A_155 = vector.shape_cast %parallel_loop3A_154 : vector<1x1x16xf32> to vector<16xf32>
        %parallel_loop3A_156 = arith.index_cast %rem3A_77 : i32 to index
        %parallel_loop3A_157 = arith.index_cast %parallel_loop3A_136 : i32 to index
        %parallel_loop3A_158 = arith.constant 16 : index
        %parallel_loop3A_159 = tpu.vector_load %arg9[%parallel_loop3A_156, %parallel_loop3A_157, %parallel_loop3A_158] {strides = array<i32>} : memref<2x128x128xf32, #tpu.memory_space<vmem>>, vector<1x1x16xf32>,
        %parallel_loop3A_160 = vector.shape_cast %parallel_loop3A_159 : vector<1x1x16xf32> to vector<16xf32>
        %parallel_loop3A_161 = arith.mulf %parallel_loop3A_155, %parallel_loop3A_160 : vector<16xf32>
        %parallel_loop3A_162 = arith.addf %parallel_loop3A_150, %parallel_loop3A_161 : vector<16xf32>
        %parallel_loop3A_163 = arith.index_cast %rem3A_77 : i32 to index
        %parallel_loop3A_164 = arith.index_cast %parallel_loop3A_136 : i32 to index
        %parallel_loop3A_165 = arith.constant 32 : index
        %parallel_loop3A_166 = tpu.vector_load %arg8[%parallel_loop3A_163, %parallel_loop3A_164, %parallel_loop3A_165] {strides = array<i32>} : memref<2x128x128xf32, #tpu.memory_space<vmem>>, vector<1x1x16xf32>,
        %parallel_loop3A_167 = vector.shape_cast %parallel_loop3A_166 : vector<1x1x16xf32> to vector<16xf32>
        %parallel_loop3A_168 = arith.index_cast %rem3A_77 : i32 to index
        %parallel_loop3A_169 = arith.index_cast %parallel_loop3A_136 : i32 to index
        %parallel_loop3A_170 = arith.constant 32 : index
        %parallel_loop3A_171 = tpu.vector_load %arg9[%parallel_loop3A_168, %parallel_loop3A_169, %parallel_loop3A_170] {strides = array<i32>} : memref<2x128x128xf32, #tpu.memory_space<vmem>>, vector<1x1x16xf32>,
        %parallel_loop3A_172 = vector.shape_cast %parallel_loop3A_171 : vector<1x1x16xf32> to vector<16xf32>
        %parallel_loop3A_173 = arith.mulf %parallel_loop3A_167, %parallel_loop3A_172 : vector<16xf32>
        %parallel_loop3A_174 = arith.addf %parallel_loop3A_162, %parallel_loop3A_173 : vector<16xf32>
        %parallel_loop3A_175 = arith.index_cast %rem3A_77 : i32 to index
        %parallel_loop3A_176 = arith.index_cast %parallel_loop3A_136 : i32 to index
        %parallel_loop3A_177 = arith.constant 48 : index
        %parallel_loop3A_178 = tpu.vector_load %arg8[%parallel_loop3A_175, %parallel_loop3A_176, %parallel_loop3A_177] {strides = array<i32>} : memref<2x128x128xf32, #tpu.memory_space<vmem>>, vector<1x1x16xf32>,
        %parallel_loop3A_179 = vector.shape_cast %parallel_loop3A_178 : vector<1x1x16xf32> to vector<16xf32>
        %parallel_loop3A_180 = arith.index_cast %rem3A_77 : i32 to index
        %parallel_loop3A_181 = arith.index_cast %parallel_loop3A_136 : i32 to index
        %parallel_loop3A_182 = arith.constant 48 : index
        %parallel_loop3A_183 = tpu.vector_load %arg9[%parallel_loop3A_180, %parallel_loop3A_181, %parallel_loop3A_182] {strides = array<i32>} : memref<2x128x128xf32, #tpu.memory_space<vmem>>, vector<1x1x16xf32>,
        %parallel_loop3A_184 = vector.shape_cast %parallel_loop3A_183 : vector<1x1x16xf32> to vector<16xf32>
        %parallel_loop3A_185 = arith.mulf %parallel_loop3A_179, %parallel_loop3A_184 : vector<16xf32>
        %parallel_loop3A_186 = arith.addf %parallel_loop3A_174, %parallel_loop3A_185 : vector<16xf32>
        %parallel_loop3A_187 = arith.index_cast %rem3A_77 : i32 to index
        %parallel_loop3A_188 = arith.index_cast %parallel_loop3A_136 : i32 to index
        %parallel_loop3A_189 = arith.constant 64 : index
        %parallel_loop3A_190 = tpu.vector_load %arg8[%parallel_loop3A_187, %parallel_loop3A_188, %parallel_loop3A_189] {strides = array<i32>} : memref<2x128x128xf32, #tpu.memory_space<vmem>>, vector<1x1x16xf32>,
        %parallel_loop3A_191 = vector.shape_cast %parallel_loop3A_190 : vector<1x1x16xf32> to vector<16xf32>
        %parallel_loop3A_192 = arith.index_cast %rem3A_77 : i32 to index
        %parallel_loop3A_193 = arith.index_cast %parallel_loop3A_136 : i32 to index
        %parallel_loop3A_194 = arith.constant 64 : index
        %parallel_loop3A_195 = tpu.vector_load %arg9[%parallel_loop3A_192, %parallel_loop3A_193, %parallel_loop3A_194] {strides = array<i32>} : memref<2x128x128xf32, #tpu.memory_space<vmem>>, vector<1x1x16xf32>,
        %parallel_loop3A_196 = vector.shape_cast %parallel_loop3A_195 : vector<1x1x16xf32> to vector<16xf32>
        %parallel_loop3A_197 = arith.mulf %parallel_loop3A_191, %parallel_loop3A_196 : vector<16xf32>
        %parallel_loop3A_198 = arith.addf %parallel_loop3A_186, %parallel_loop3A_197 : vector<16xf32>
        %parallel_loop3A_199 = arith.index_cast %rem3A_77 : i32 to index
        %parallel_loop3A_200 = arith.index_cast %parallel_loop3A_136 : i32 to index
        %parallel_loop3A_201 = arith.constant 80 : index
        %parallel_loop3A_202 = tpu.vector_load %arg8[%parallel_loop3A_199, %parallel_loop3A_200, %parallel_loop3A_201] {strides = array<i32>} : memref<2x128x128xf32, #tpu.memory_space<vmem>>, vector<1x1x16xf32>,
        %parallel_loop3A_203 = vector.shape_cast %parallel_loop3A_202 : vector<1x1x16xf32> to vector<16xf32>
        %parallel_loop3A_204 = arith.index_cast %rem3A_77 : i32 to index
        %parallel_loop3A_205 = arith.index_cast %parallel_loop3A_136 : i32 to index
        %parallel_loop3A_206 = arith.constant 80 : index
        %parallel_loop3A_207 = tpu.vector_load %arg9[%parallel_loop3A_204, %parallel_loop3A_205, %parallel_loop3A_206] {strides = array<i32>} : memref<2x128x128xf32, #tpu.memory_space<vmem>>, vector<1x1x16xf32>,
        %parallel_loop3A_208 = vector.shape_cast %parallel_loop3A_207 : vector<1x1x16xf32> to vector<16xf32>
        %parallel_loop3A_209 = arith.mulf %parallel_loop3A_203, %parallel_loop3A_208 : vector<16xf32>
        %parallel_loop3A_210 = arith.addf %parallel_loop3A_198, %parallel_loop3A_209 : vector<16xf32>
        %parallel_loop3A_211 = arith.index_cast %rem3A_77 : i32 to index
        %parallel_loop3A_212 = arith.index_cast %parallel_loop3A_136 : i32 to index
        %parallel_loop3A_213 = arith.constant 96 : index
        %parallel_loop3A_214 = tpu.vector_load %arg8[%parallel_loop3A_211, %parallel_loop3A_212, %parallel_loop3A_213] {strides = array<i32>} : memref<2x128x128xf32, #tpu.memory_space<vmem>>, vector<1x1x16xf32>,
        %parallel_loop3A_215 = vector.shape_cast %parallel_loop3A_214 : vector<1x1x16xf32> to vector<16xf32>
        %parallel_loop3A_216 = arith.index_cast %rem3A_77 : i32 to index
        %parallel_loop3A_217 = arith.index_cast %parallel_loop3A_136 : i32 to index
        %parallel_loop3A_218 = arith.constant 96 : index
        %parallel_loop3A_219 = tpu.vector_load %arg9[%parallel_loop3A_216, %parallel_loop3A_217, %parallel_loop3A_218] {strides = array<i32>} : memref<2x128x128xf32, #tpu.memory_space<vmem>>, vector<1x1x16xf32>,
        %parallel_loop3A_220 = vector.shape_cast %parallel_loop3A_219 : vector<1x1x16xf32> to vector<16xf32>
        %parallel_loop3A_221 = arith.mulf %parallel_loop3A_215, %parallel_loop3A_220 : vector<16xf32>
        %parallel_loop3A_222 = arith.addf %parallel_loop3A_210, %parallel_loop3A_221 : vector<16xf32>
        %parallel_loop3A_223 = arith.index_cast %rem3A_77 : i32 to index
        %parallel_loop3A_224 = arith.index_cast %parallel_loop3A_136 : i32 to index
        %parallel_loop3A_225 = arith.constant 112 : index
        %parallel_loop3A_226 = tpu.vector_load %arg8[%parallel_loop3A_223, %parallel_loop3A_224, %parallel_loop3A_225] {strides = array<i32>} : memref<2x128x128xf32, #tpu.memory_space<vmem>>, vector<1x1x16xf32>,
        %parallel_loop3A_227 = vector.shape_cast %parallel_loop3A_226 : vector<1x1x16xf32> to vector<16xf32>
        %parallel_loop3A_228 = arith.index_cast %rem3A_77 : i32 to index
        %parallel_loop3A_229 = arith.index_cast %parallel_loop3A_136 : i32 to index
        %parallel_loop3A_230 = arith.constant 112 : index
        %parallel_loop3A_231 = tpu.vector_load %arg9[%parallel_loop3A_228, %parallel_loop3A_229, %parallel_loop3A_230] {strides = array<i32>} : memref<2x128x128xf32, #tpu.memory_space<vmem>>, vector<1x1x16xf32>,
        %parallel_loop3A_232 = vector.shape_cast %parallel_loop3A_231 : vector<1x1x16xf32> to vector<16xf32>
        %parallel_loop3A_233 = arith.mulf %parallel_loop3A_227, %parallel_loop3A_232 : vector<16xf32>
        %parallel_loop3A_234 = arith.addf %parallel_loop3A_222, %parallel_loop3A_233 : vector<16xf32>
        %parallel_loop3A_235 = arith.index_cast %rem3A_77 : i32 to index
        %parallel_loop3A_236 = arith.index_cast %parallel_loop3A_136 : i32 to index
        %parallel_loop3A_237 = arith.constant 0 : index
        %parallel_loop3A_238 = tpu.vector_load %arg10[%parallel_loop3A_235, %parallel_loop3A_236, %parallel_loop3A_237] {strides = array<i32>} : memref<2x128x16xf32, #tpu.memory_space<vmem>>, vector<1x1x16xf32>,
        %parallel_loop3A_239 = vector.shape_cast %parallel_loop3A_238 : vector<1x1x16xf32> to vector<16xf32>
        %parallel_loop3A_240 = vector.shape_cast %parallel_loop3A_234 : vector<16xf32> to vector<1x1x16xf32>
        tpu.vector_store %arg10[%parallel_loop3A_235, %parallel_loop3A_236, %parallel_loop3A_237], %parallel_loop3A_240 {strides = array<i32>} : memref<2x128x16xf32, #tpu.memory_space<vmem>>, vector<1x1x16xf32>,
      } {sc.loop_unroll_factor = 8 : i64, sc.parallel_access}
      %mul3A_116 = arith.constant 80 : i32
      %mul3A_117 = arith.muli %add3A, %mul3A_116 : i32
      %add3A_118 = arith.addi %mul3A_117, %scan3A_75 : i32
      %mul3A_119 = arith.constant 128 : i32
      %mul3A_120 = arith.muli %add3A_118, %mul3A_119 : i32
      %dma_start3A_121 = arith.constant 0 : i32
      %dma_start3A_122 = arith.constant 0 : i32
      %dma_start3A_123 = tpu.memref_slice %arg10[%rem3A_77, %dma_start3A_121, %dma_start3A_122] : memref<2x128x16xf32, #tpu.memory_space<vmem>> -> memref<1x128x16xf32, #tpu.memory_space<vmem>>
      %dma_start3A_124 = tpu.memref_squeeze %dma_start3A_123 : memref<1x128x16xf32, #tpu.memory_space<vmem>> -> memref<128x16xf32, #tpu.memory_space<vmem>>
      %dma_start3A_125 = arith.constant 0 : i32
      %dma_start3A_126 = tpu.memref_slice %arg5[%mul3A_120, %dma_start3A_125] : memref<327680x16xf32, #tpu.memory_space<hbm>> -> memref<128x16xf32, #tpu.memory_space<hbm>>
      %dma_start3A_127 = tpu.memref_slice %arg13[%rem3A_77] : memref<2x!tpu.dma_semaphore, #tpu.memory_space<semaphore_mem>> -> memref<1x!tpu.dma_semaphore, #tpu.memory_space<semaphore_mem>>
      %dma_start3A_128 = tpu.memref_squeeze %dma_start3A_127 : memref<1x!tpu.dma_semaphore, #tpu.memory_space<semaphore_mem>> -> memref<!tpu.dma_semaphore, #tpu.memory_space<semaphore_mem>>
      %dma_start3A_129 = arith.constant 0 : i32
      %dma_start3A_130 = tpu.memref_slice %arg5[%mul3A_120, %dma_start3A_129] : memref<327680x16xf32, #tpu.memory_space<hbm>> -> memref<128x16xf32, #tpu.memory_space<hbm>>
      %dma_start3A_131 = arith.constant 0 : i32
      %dma_start3A_132 = arith.constant 0 : i32
      %dma_start3A_133 = tpu.memref_slice %arg10[%rem3A_77, %dma_start3A_131, %dma_start3A_132] : memref<2x128x16xf32, #tpu.memory_space<vmem>> -> memref<1x128x16xf32, #tpu.memory_space<vmem>>
      %dma_start3A_134 = tpu.memref_squeeze %dma_start3A_133 : memref<1x128x16xf32, #tpu.memory_space<vmem>> -> memref<128x16xf32, #tpu.memory_space<vmem>>
      tpu.enqueue_dma source(%dma_start3A_134 : memref<128x16xf32, #tpu.memory_space<vmem>>) target(%dma_start3A_130 : memref<128x16xf32, #tpu.memory_space<hbm>>) target_semaphore(%dma_start3A_128 : memref<!tpu.dma_semaphore, #tpu.memory_space<semaphore_mem>>)
      %scan3A_135 = arith.constant 0 : i32
      scf.yield %scan3A_135 : i32
    }
    %scan3A_39 = arith.constant 80 : i32
    %dma_wait3A = arith.constant 0 : i32
    %dma_wait3A_40 = arith.constant 0 : i32
    %dma_wait3A_41 = arith.constant 0 : i32
    %dma_wait3A_42 = arith.constant 0 : i32
    %dma_wait3A_43 = tpu.memref_slice %arg10[%dma_wait3A, %dma_wait3A_41, %dma_wait3A_42] : memref<2x128x16xf32, #tpu.memory_space<vmem>> -> memref<1x128x16xf32, #tpu.memory_space<vmem>>
    %dma_wait3A_44 = tpu.memref_squeeze %dma_wait3A_43 : memref<1x128x16xf32, #tpu.memory_space<vmem>> -> memref<128x16xf32, #tpu.memory_space<vmem>>
    %dma_wait3A_45 = arith.constant 0 : i32
    %dma_wait3A_46 = arith.constant 0 : i32
    %dma_wait3A_47 = tpu.memref_slice %arg5[%dma_wait3A_45, %dma_wait3A_46] : memref<327680x16xf32, #tpu.memory_space<hbm>> -> memref<128x16xf32, #tpu.memory_space<hbm>>
    %dma_wait3A_48 = tpu.memref_slice %arg13[%dma_wait3A_40] : memref<2x!tpu.dma_semaphore, #tpu.memory_space<semaphore_mem>> -> memref<1x!tpu.dma_semaphore, #tpu.memory_space<semaphore_mem>>
    %dma_wait3A_49 = tpu.memref_squeeze %dma_wait3A_48 : memref<1x!tpu.dma_semaphore, #tpu.memory_space<semaphore_mem>> -> memref<!tpu.dma_semaphore, #tpu.memory_space<semaphore_mem>>
    %dma_wait3A_50 = arith.constant 0 : i32
    %dma_wait3A_51 = arith.constant 0 : i32
    %dma_wait3A_52 = tpu.memref_slice %arg5[%dma_wait3A_50, %dma_wait3A_51] : memref<327680x16xf32, #tpu.memory_space<hbm>> -> memref<128x16xf32, #tpu.memory_space<hbm>>
    %dma_wait3A_53 = arith.constant 0 : i32
    %dma_wait3A_54 = arith.constant 0 : i32
    %dma_wait3A_55 = tpu.memref_slice %arg10[%dma_wait3A, %dma_wait3A_53, %dma_wait3A_54] : memref<2x128x16xf32, #tpu.memory_space<vmem>> -> memref<1x128x16xf32, #tpu.memory_space<vmem>>
    %dma_wait3A_56 = tpu.memref_squeeze %dma_wait3A_55 : memref<1x128x16xf32, #tpu.memory_space<vmem>> -> memref<128x16xf32, #tpu.memory_space<vmem>>
    tpu.wait_dma2 semaphore(%dma_wait3A_49 : memref<!tpu.dma_semaphore, #tpu.memory_space<semaphore_mem>>) src(%dma_wait3A_56 : memref<128x16xf32, #tpu.memory_space<vmem>>) dst(%dma_wait3A_52 : memref<128x16xf32, #tpu.memory_space<hbm>>)
    %dma_wait3A_57 = arith.constant 1 : i32
    %dma_wait3A_58 = arith.constant 1 : i32
    %dma_wait3A_59 = arith.constant 0 : i32
    %dma_wait3A_60 = arith.constant 0 : i32
    %dma_wait3A_61 = tpu.memref_slice %arg10[%dma_wait3A_57, %dma_wait3A_59, %dma_wait3A_60] : memref<2x128x16xf32, #tpu.memory_space<vmem>> -> memref<1x128x16xf32, #tpu.memory_space<vmem>>
    %dma_wait3A_62 = tpu.memref_squeeze %dma_wait3A_61 : memref<1x128x16xf32, #tpu.memory_space<vmem>> -> memref<128x16xf32, #tpu.memory_space<vmem>>
    %dma_wait3A_63 = arith.constant 0 : i32
    %dma_wait3A_64 = arith.constant 0 : i32
    %dma_wait3A_65 = tpu.memref_slice %arg5[%dma_wait3A_63, %dma_wait3A_64] : memref<327680x16xf32, #tpu.memory_space<hbm>> -> memref<128x16xf32, #tpu.memory_space<hbm>>
    %dma_wait3A_66 = tpu.memref_slice %arg13[%dma_wait3A_58] : memref<2x!tpu.dma_semaphore, #tpu.memory_space<semaphore_mem>> -> memref<1x!tpu.dma_semaphore, #tpu.memory_space<semaphore_mem>>
    %dma_wait3A_67 = tpu.memref_squeeze %dma_wait3A_66 : memref<1x!tpu.dma_semaphore, #tpu.memory_space<semaphore_mem>> -> memref<!tpu.dma_semaphore, #tpu.memory_space<semaphore_mem>>
    %dma_wait3A_68 = arith.constant 0 : i32
    %dma_wait3A_69 = arith.constant 0 : i32
    %dma_wait3A_70 = tpu.memref_slice %arg5[%dma_wait3A_68, %dma_wait3A_69] : memref<327680x16xf32, #tpu.memory_space<hbm>> -> memref<128x16xf32, #tpu.memory_space<hbm>>
    %dma_wait3A_71 = arith.constant 0 : i32
    %dma_wait3A_72 = arith.constant 0 : i32
    %dma_wait3A_73 = tpu.memref_slice %arg10[%dma_wait3A_57, %dma_wait3A_71, %dma_wait3A_72] : memref<2x128x16xf32, #tpu.memory_space<vmem>> -> memref<1x128x16xf32, #tpu.memory_space<vmem>>
    %dma_wait3A_74 = tpu.memref_squeeze %dma_wait3A_73 : memref<1x128x16xf32, #tpu.memory_space<vmem>> -> memref<128x16xf32, #tpu.memory_space<vmem>>
    tpu.wait_dma2 semaphore(%dma_wait3A_67 : memref<!tpu.dma_semaphore, #tpu.memory_space<semaphore_mem>>) src(%dma_wait3A_74 : memref<128x16xf32, #tpu.memory_space<vmem>>) dst(%dma_wait3A_70 : memref<128x16xf32, #tpu.memory_space<hbm>>)
    return
  }
}

#map = affine_map<(d0, d1) -> (0, 0)>
module attributes {stable_mosaic.version = 14 : i64} {
  func.func @body(%arg0: i32, %arg1: i32, %arg2: memref<10240x128xf32, #tpu.memory_space<hbm>>, %arg3: memref<2560x128xi32, #tpu.memory_space<hbm>>, %arg4: memref<2560x128xi32, #tpu.memory_space<hbm>>, %arg5: memref<128x128xf32, #tpu.memory_space<hbm>>, %arg6: memref<128x128xf32, #tpu.memory_space<hbm>>, %arg7: memref<20480x128xf32, #tpu.memory_space<hbm>>, %arg8: memref<2x128xi32, #tpu.memory_space<vmem>>, %arg9: memref<80x128xi32, #tpu.memory_space<vmem>>, %arg10: memref<2x128x128xf32, #tpu.memory_space<vmem>>, %arg11: memref<10240x128xf32, #tpu.memory_space<vmem_shared>>, %arg12: memref<2x!tpu.dma_semaphore, #tpu.memory_space<semaphore_mem>>, %arg13: memref<2x!tpu.dma_semaphore, #tpu.memory_space<semaphore_mem>>) attributes {dimension_semantics = [#tpu.dimension_semantics<core_parallel>, #tpu.dimension_semantics<subcore_parallel>], iteration_bounds = array<i64: 2, 16>, scalar_prefetch = 0 : i64, scratch_operands = 6 : i64, tpu.core_type = #tpu.core_type<sc_vector_subcore>, window_params = [{transform_indices = #map}, {transform_indices = #map}, {transform_indices = #map}, {transform_indices = #map}, {transform_indices = #map}, {transform_indices = #map}]} {
    %mul3A = arith.constant 2 : i32
    %mul3A_0 = arith.muli %arg1, %mul3A : i32
    %add3A = arith.addi %mul3A_0, %arg0 : i32
    %mul3A_1 = arith.constant 80 : i32
    %mul3A_2 = arith.muli %add3A, %mul3A_1 : i32
    "tpu.region"() ({
      %run_scoped3A_69 = tpu.sem_alloc : memref<!tpu.dma_semaphore, #tpu.memory_space<semaphore_mem>>
      %dma_start3A_70 = arith.constant 0 : i32
      %dma_start3A_71 = tpu.memref_slice %arg4[%mul3A_2, %dma_start3A_70] : memref<2560x128xi32, #tpu.memory_space<hbm>> -> memref<80x128xi32, #tpu.memory_space<hbm>>
      %dma_start3A_72 = arith.constant 0 : i32
      %dma_start3A_73 = tpu.memref_slice %arg4[%mul3A_2, %dma_start3A_72] : memref<2560x128xi32, #tpu.memory_space<hbm>> -> memref<80x128xi32, #tpu.memory_space<hbm>>
      tpu.enqueue_dma source(%dma_start3A_73 : memref<80x128xi32, #tpu.memory_space<hbm>>) target(%arg9 : memref<80x128xi32, #tpu.memory_space<vmem>>) target_semaphore(%run_scoped3A_69 : memref<!tpu.dma_semaphore, #tpu.memory_space<semaphore_mem>>)
      %dma_wait3A_74 = arith.constant 0 : i32
      %dma_wait3A_75 = tpu.memref_slice %arg4[%mul3A_2, %dma_wait3A_74] : memref<2560x128xi32, #tpu.memory_space<hbm>> -> memref<80x128xi32, #tpu.memory_space<hbm>>
      %dma_wait3A_76 = arith.constant 0 : i32
      %dma_wait3A_77 = tpu.memref_slice %arg4[%mul3A_2, %dma_wait3A_76] : memref<2560x128xi32, #tpu.memory_space<hbm>> -> memref<80x128xi32, #tpu.memory_space<hbm>>
      tpu.wait_dma2 semaphore(%run_scoped3A_69 : memref<!tpu.dma_semaphore, #tpu.memory_space<semaphore_mem>>) src(%dma_wait3A_77 : memref<80x128xi32, #tpu.memory_space<hbm>>) dst(%arg9 : memref<80x128xi32, #tpu.memory_space<vmem>>)
      tpu.yield
    }) : () -> ()
    %run_scoped3A = arith.constant 1 : i32
    "tpu.region"() ({
      %run_scoped3A_69 = tpu.sem_alloc : memref<!tpu.dma_semaphore, #tpu.memory_space<semaphore_mem>>
      %dma_start3A_70 = arith.constant 0 : i32
      %dma_start3A_71 = arith.constant 0 : i32
      %dma_start3A_72 = tpu.memref_slice %arg10[%run_scoped3A, %dma_start3A_70, %dma_start3A_71] : memref<2x128x128xf32, #tpu.memory_space<vmem>> -> memref<1x128x128xf32, #tpu.memory_space<vmem>>
      %dma_start3A_73 = tpu.memref_squeeze %dma_start3A_72 : memref<1x128x128xf32, #tpu.memory_space<vmem>> -> memref<128x128xf32, #tpu.memory_space<vmem>>
      %dma_start3A_74 = arith.constant 0 : i32
      %dma_start3A_75 = arith.constant 0 : i32
      %dma_start3A_76 = tpu.memref_slice %arg10[%run_scoped3A, %dma_start3A_74, %dma_start3A_75] : memref<2x128x128xf32, #tpu.memory_space<vmem>> -> memref<1x128x128xf32, #tpu.memory_space<vmem>>
      %dma_start3A_77 = tpu.memref_squeeze %dma_start3A_76 : memref<1x128x128xf32, #tpu.memory_space<vmem>> -> memref<128x128xf32, #tpu.memory_space<vmem>>
      tpu.enqueue_dma source(%arg5 : memref<128x128xf32, #tpu.memory_space<hbm>>) target(%dma_start3A_77 : memref<128x128xf32, #tpu.memory_space<vmem>>) target_semaphore(%run_scoped3A_69 : memref<!tpu.dma_semaphore, #tpu.memory_space<semaphore_mem>>)
      %dma_wait3A_78 = arith.constant 0 : i32
      %dma_wait3A_79 = arith.constant 0 : i32
      %dma_wait3A_80 = tpu.memref_slice %arg10[%run_scoped3A, %dma_wait3A_78, %dma_wait3A_79] : memref<2x128x128xf32, #tpu.memory_space<vmem>> -> memref<1x128x128xf32, #tpu.memory_space<vmem>>
      %dma_wait3A_81 = tpu.memref_squeeze %dma_wait3A_80 : memref<1x128x128xf32, #tpu.memory_space<vmem>> -> memref<128x128xf32, #tpu.memory_space<vmem>>
      %dma_wait3A_82 = arith.constant 0 : i32
      %dma_wait3A_83 = arith.constant 0 : i32
      %dma_wait3A_84 = tpu.memref_slice %arg10[%run_scoped3A, %dma_wait3A_82, %dma_wait3A_83] : memref<2x128x128xf32, #tpu.memory_space<vmem>> -> memref<1x128x128xf32, #tpu.memory_space<vmem>>
      %dma_wait3A_85 = tpu.memref_squeeze %dma_wait3A_84 : memref<1x128x128xf32, #tpu.memory_space<vmem>> -> memref<128x128xf32, #tpu.memory_space<vmem>>
      tpu.wait_dma2 semaphore(%run_scoped3A_69 : memref<!tpu.dma_semaphore, #tpu.memory_space<semaphore_mem>>) src(%arg5 : memref<128x128xf32, #tpu.memory_space<hbm>>) dst(%dma_wait3A_85 : memref<128x128xf32, #tpu.memory_space<vmem>>)
      tpu.yield
    }) : () -> ()
    %scan3A = arith.constant 0 : i32
    %scan3A_3 = arith.constant 0 : i32
    %scan3A_4 = arith.constant 5 : i32
    %scan3A_5 = arith.addi %scan3A_3, %scan3A_4 : i32
    %scan3A_6 = arith.constant 1 : i32
    %scan3A_7 = scf.for %scan3A_69 = %scan3A_3 to %scan3A_5 step %scan3A_6 iter_args(%scan3A_70 = %scan3A) -> (i32)  : i32 {
      %mul3A_71 = arith.constant 640 : i32
      %mul3A_72 = arith.muli %arg1, %mul3A_71 : i32
      %mul3A_73 = arith.constant 128 : i32
      %mul3A_74 = arith.muli %scan3A_69, %mul3A_73 : i32
      %add3A_75 = arith.addi %mul3A_72, %mul3A_74 : i32
      %run_scoped3A_76 = arith.constant 1 : i32
      "tpu.region"() ({
        %run_scoped3A_78 = tpu.sem_alloc : memref<!tpu.dma_semaphore, #tpu.memory_space<semaphore_mem>>
        %dma_start3A_79 = arith.constant 0 : i32
        %dma_start3A_80 = arith.constant 0 : i32
        %dma_start3A_81 = tpu.memref_slice %arg10[%run_scoped3A_76, %dma_start3A_79, %dma_start3A_80] : memref<2x128x128xf32, #tpu.memory_space<vmem>> -> memref<1x128x128xf32, #tpu.memory_space<vmem>>
        %dma_start3A_82 = tpu.memref_squeeze %dma_start3A_81 : memref<1x128x128xf32, #tpu.memory_space<vmem>> -> memref<128x128xf32, #tpu.memory_space<vmem>>
        %dma_start3A_83 = arith.constant 0 : i32
        %dma_start3A_84 = tpu.memref_slice %arg11[%add3A_75, %dma_start3A_83] : memref<10240x128xf32, #tpu.memory_space<vmem_shared>> -> memref<128x128xf32, #tpu.memory_space<vmem_shared>>
        %dma_start3A_85 = arith.constant 0 : i32
        %dma_start3A_86 = tpu.memref_slice %arg11[%add3A_75, %dma_start3A_85] : memref<10240x128xf32, #tpu.memory_space<vmem_shared>> -> memref<128x128xf32, #tpu.memory_space<vmem_shared>>
        %dma_start3A_87 = arith.constant 0 : i32
        %dma_start3A_88 = arith.constant 0 : i32
        %dma_start3A_89 = tpu.memref_slice %arg10[%run_scoped3A_76, %dma_start3A_87, %dma_start3A_88] : memref<2x128x128xf32, #tpu.memory_space<vmem>> -> memref<1x128x128xf32, #tpu.memory_space<vmem>>
        %dma_start3A_90 = tpu.memref_squeeze %dma_start3A_89 : memref<1x128x128xf32, #tpu.memory_space<vmem>> -> memref<128x128xf32, #tpu.memory_space<vmem>>
        tpu.enqueue_dma source(%dma_start3A_90 : memref<128x128xf32, #tpu.memory_space<vmem>>) target(%dma_start3A_86 : memref<128x128xf32, #tpu.memory_space<vmem_shared>>) target_semaphore(%run_scoped3A_78 : memref<!tpu.dma_semaphore, #tpu.memory_space<semaphore_mem>>)
        %dma_wait3A_91 = arith.constant 0 : i32
        %dma_wait3A_92 = arith.constant 0 : i32
        %dma_wait3A_93 = tpu.memref_slice %arg10[%run_scoped3A_76, %dma_wait3A_91, %dma_wait3A_92] : memref<2x128x128xf32, #tpu.memory_space<vmem>> -> memref<1x128x128xf32, #tpu.memory_space<vmem>>
        %dma_wait3A_94 = tpu.memref_squeeze %dma_wait3A_93 : memref<1x128x128xf32, #tpu.memory_space<vmem>> -> memref<128x128xf32, #tpu.memory_space<vmem>>
        %dma_wait3A_95 = arith.constant 0 : i32
        %dma_wait3A_96 = tpu.memref_slice %arg11[%add3A_75, %dma_wait3A_95] : memref<10240x128xf32, #tpu.memory_space<vmem_shared>> -> memref<128x128xf32, #tpu.memory_space<vmem_shared>>
        %dma_wait3A_97 = arith.constant 0 : i32
        %dma_wait3A_98 = tpu.memref_slice %arg11[%add3A_75, %dma_wait3A_97] : memref<10240x128xf32, #tpu.memory_space<vmem_shared>> -> memref<128x128xf32, #tpu.memory_space<vmem_shared>>
        %dma_wait3A_99 = arith.constant 0 : i32
        %dma_wait3A_100 = arith.constant 0 : i32
        %dma_wait3A_101 = tpu.memref_slice %arg10[%run_scoped3A_76, %dma_wait3A_99, %dma_wait3A_100] : memref<2x128x128xf32, #tpu.memory_space<vmem>> -> memref<1x128x128xf32, #tpu.memory_space<vmem>>
        %dma_wait3A_102 = tpu.memref_squeeze %dma_wait3A_101 : memref<1x128x128xf32, #tpu.memory_space<vmem>> -> memref<128x128xf32, #tpu.memory_space<vmem>>
        tpu.wait_dma2 semaphore(%run_scoped3A_78 : memref<!tpu.dma_semaphore, #tpu.memory_space<semaphore_mem>>) src(%dma_wait3A_102 : memref<128x128xf32, #tpu.memory_space<vmem>>) dst(%dma_wait3A_98 : memref<128x128xf32, #tpu.memory_space<vmem_shared>>)
        tpu.yield
      }) : () -> ()
      %scan3A_77 = arith.constant 0 : i32
      scf.yield %scan3A_77 : i32
    }
    %scan3A_8 = arith.constant 5 : i32
    %barrier3A = arith.constant 0 : index
    tpu.barrier barrier_id(%barrier3A)
    %mul3A_9 = arith.constant 80 : i32
    %mul3A_10 = arith.muli %add3A, %mul3A_9 : i32
    "tpu.region"() ({
      %run_scoped3A_69 = tpu.sem_alloc : memref<!tpu.dma_semaphore, #tpu.memory_space<semaphore_mem>>
      %dma_start3A_70 = arith.constant 0 : i32
      %dma_start3A_71 = arith.constant 0 : i32
      %dma_start3A_72 = tpu.memref_slice %arg8[%dma_start3A_70, %dma_start3A_71] : memref<2x128xi32, #tpu.memory_space<vmem>> -> memref<1x128xi32, #tpu.memory_space<vmem>>
      %dma_start3A_73 = arith.constant 0 : i32
      %dma_start3A_74 = tpu.memref_slice %arg3[%mul3A_10, %dma_start3A_73] : memref<2560x128xi32, #tpu.memory_space<hbm>> -> memref<1x128xi32, #tpu.memory_space<hbm>>
      %dma_start3A_75 = arith.constant 0 : i32
      %dma_start3A_76 = arith.constant 0 : i32
      %dma_start3A_77 = tpu.memref_slice %arg8[%dma_start3A_75, %dma_start3A_76] : memref<2x128xi32, #tpu.memory_space<vmem>> -> memref<1x128xi32, #tpu.memory_space<vmem>>
      %dma_start3A_78 = arith.constant 0 : i32
      %dma_start3A_79 = tpu.memref_slice %arg3[%mul3A_10, %dma_start3A_78] : memref<2560x128xi32, #tpu.memory_space<hbm>> -> memref<1x128xi32, #tpu.memory_space<hbm>>
      tpu.enqueue_dma source(%dma_start3A_79 : memref<1x128xi32, #tpu.memory_space<hbm>>) target(%dma_start3A_77 : memref<1x128xi32, #tpu.memory_space<vmem>>) target_semaphore(%run_scoped3A_69 : memref<!tpu.dma_semaphore, #tpu.memory_space<semaphore_mem>>)
      %dma_wait3A_80 = arith.constant 0 : i32
      %dma_wait3A_81 = arith.constant 0 : i32
      %dma_wait3A_82 = tpu.memref_slice %arg8[%dma_wait3A_80, %dma_wait3A_81] : memref<2x128xi32, #tpu.memory_space<vmem>> -> memref<1x128xi32, #tpu.memory_space<vmem>>
      %dma_wait3A_83 = arith.constant 0 : i32
      %dma_wait3A_84 = tpu.memref_slice %arg3[%mul3A_10, %dma_wait3A_83] : memref<2560x128xi32, #tpu.memory_space<hbm>> -> memref<1x128xi32, #tpu.memory_space<hbm>>
      %dma_wait3A_85 = arith.constant 0 : i32
      %dma_wait3A_86 = arith.constant 0 : i32
      %dma_wait3A_87 = tpu.memref_slice %arg8[%dma_wait3A_85, %dma_wait3A_86] : memref<2x128xi32, #tpu.memory_space<vmem>> -> memref<1x128xi32, #tpu.memory_space<vmem>>
      %dma_wait3A_88 = arith.constant 0 : i32
      %dma_wait3A_89 = tpu.memref_slice %arg3[%mul3A_10, %dma_wait3A_88] : memref<2560x128xi32, #tpu.memory_space<hbm>> -> memref<1x128xi32, #tpu.memory_space<hbm>>
      tpu.wait_dma2 semaphore(%run_scoped3A_69 : memref<!tpu.dma_semaphore, #tpu.memory_space<semaphore_mem>>) src(%dma_wait3A_89 : memref<1x128xi32, #tpu.memory_space<hbm>>) dst(%dma_wait3A_87 : memref<1x128xi32, #tpu.memory_space<vmem>>)
      tpu.yield
    }) : () -> ()
    %dma_start3A = arith.constant 0 : i32
    %dma_start3A_11 = arith.constant 0 : i32
    %dma_start3A_12 = arith.constant 0 : i32
    %dma_start3A_13 = arith.constant 0 : i32
    %dma_start3A_14 = arith.constant 0 : i32
    %dma_start3A_15 = tpu.memref_slice %arg10[%dma_start3A_11, %dma_start3A_13, %dma_start3A_14] : memref<2x128x128xf32, #tpu.memory_space<vmem>> -> memref<1x128x128xf32, #tpu.memory_space<vmem>>
    %dma_start3A_16 = tpu.memref_squeeze %dma_start3A_15 : memref<1x128x128xf32, #tpu.memory_space<vmem>> -> memref<128x128xf32, #tpu.memory_space<vmem>>
    %dma_start3A_17 = arith.constant 0 : i32
    %dma_start3A_18 = tpu.memref_slice %arg8[%dma_start3A, %dma_start3A_17] : memref<2x128xi32, #tpu.memory_space<vmem>> -> memref<1x128xi32, #tpu.memory_space<vmem>>
    %dma_start3A_19 = tpu.memref_squeeze %dma_start3A_18 : memref<1x128xi32, #tpu.memory_space<vmem>> -> memref<128xi32, #tpu.memory_space<vmem>>
    %dma_start3A_20 = arith.constant 0 : i32
    %dma_start3A_21 = arith.constant 0 : i32
    %dma_start3A_22 = tpu.memref_slice %arg2[%dma_start3A_20, %dma_start3A_21] : memref<10240x128xf32, #tpu.memory_space<hbm>> -> memref<10240x128xf32, #tpu.memory_space<hbm>>
    %dma_start3A_23 = tpu.memref_slice %arg12[%dma_start3A_12] : memref<2x!tpu.dma_semaphore, #tpu.memory_space<semaphore_mem>> -> memref<1x!tpu.dma_semaphore, #tpu.memory_space<semaphore_mem>>
    %dma_start3A_24 = tpu.memref_squeeze %dma_start3A_23 : memref<1x!tpu.dma_semaphore, #tpu.memory_space<semaphore_mem>> -> memref<!tpu.dma_semaphore, #tpu.memory_space<semaphore_mem>>
    tpu.enqueue_indirect_dma source(%dma_start3A_22 : memref<10240x128xf32, #tpu.memory_space<hbm>>) target(%dma_start3A_16 : memref<128x128xf32, #tpu.memory_space<vmem>>) offsets(%dma_start3A_19 : memref<128xi32, #tpu.memory_space<vmem>>) semaphore(%dma_start3A_24 : memref<!tpu.dma_semaphore, #tpu.memory_space<semaphore_mem>>)
    %scan3A_25 = arith.constant 0 : i32
    %scan3A_26 = arith.constant 0 : i32
    %scan3A_27 = arith.constant 80 : i32
    %scan3A_28 = arith.addi %scan3A_26, %scan3A_27 : i32
    %scan3A_29 = arith.constant 1 : i32
    %scan3A_30 = scf.for %scan3A_69 = %scan3A_26 to %scan3A_28 step %scan3A_29 iter_args(%scan3A_70 = %scan3A_25) -> (i32)  : i32 {
      %rem3A = arith.constant 2 : i32
      %rem3A_71 = arith.remsi %scan3A_69, %rem3A : i32
      %add3A_72 = arith.constant 1 : i32
      %add3A_73 = arith.addi %scan3A_69, %add3A_72 : i32
      %rem3A_74 = arith.constant 2 : i32
      %rem3A_75 = arith.remsi %add3A_73, %rem3A_74 : i32
      %add3A_76 = arith.constant 1 : i32
      %add3A_77 = arith.addi %scan3A_69, %add3A_76 : i32
      %lt3A = arith.constant 80 : i32
      %lt3A_78 = arith.cmpi slt, %add3A_77, %lt3A : i32
      %convert_element_type3A = arith.extui %lt3A_78 : i1 to i32
      %cond3A = arith.constant 0 : i32
      %cond3A_79 = arith.cmpi ne, %convert_element_type3A, %cond3A : i32
      scf.if %cond3A_79 {
        %mul3A_105 = arith.constant 80 : i32
        %mul3A_106 = arith.muli %add3A, %mul3A_105 : i32
        %add3A_107 = arith.addi %mul3A_106, %scan3A_69 : i32
        %add3A_108 = arith.constant 1 : i32
        %add3A_109 = arith.addi %add3A_107, %add3A_108 : i32
        "tpu.region"() ({
          %run_scoped3A_126 = tpu.sem_alloc : memref<!tpu.dma_semaphore, #tpu.memory_space<semaphore_mem>>
          %dma_start3A_127 = arith.constant 0 : i32
          %dma_start3A_128 = tpu.memref_slice %arg8[%rem3A_75, %dma_start3A_127] : memref<2x128xi32, #tpu.memory_space<vmem>> -> memref<1x128xi32, #tpu.memory_space<vmem>>
          %dma_start3A_129 = arith.constant 0 : i32
          %dma_start3A_130 = tpu.memref_slice %arg3[%add3A_109, %dma_start3A_129] : memref<2560x128xi32, #tpu.memory_space<hbm>> -> memref<1x128xi32, #tpu.memory_space<hbm>>
          %dma_start3A_131 = arith.constant 0 : i32
          %dma_start3A_132 = tpu.memref_slice %arg8[%rem3A_75, %dma_start3A_131] : memref<2x128xi32, #tpu.memory_space<vmem>> -> memref<1x128xi32, #tpu.memory_space<vmem>>
          %dma_start3A_133 = arith.constant 0 : i32
          %dma_start3A_134 = tpu.memref_slice %arg3[%add3A_109, %dma_start3A_133] : memref<2560x128xi32, #tpu.memory_space<hbm>> -> memref<1x128xi32, #tpu.memory_space<hbm>>
          tpu.enqueue_dma source(%dma_start3A_134 : memref<1x128xi32, #tpu.memory_space<hbm>>) target(%dma_start3A_132 : memref<1x128xi32, #tpu.memory_space<vmem>>) target_semaphore(%run_scoped3A_126 : memref<!tpu.dma_semaphore, #tpu.memory_space<semaphore_mem>>)
          %dma_wait3A_135 = arith.constant 0 : i32
          %dma_wait3A_136 = tpu.memref_slice %arg8[%rem3A_75, %dma_wait3A_135] : memref<2x128xi32, #tpu.memory_space<vmem>> -> memref<1x128xi32, #tpu.memory_space<vmem>>
          %dma_wait3A_137 = arith.constant 0 : i32
          %dma_wait3A_138 = tpu.memref_slice %arg3[%add3A_109, %dma_wait3A_137] : memref<2560x128xi32, #tpu.memory_space<hbm>> -> memref<1x128xi32, #tpu.memory_space<hbm>>
          %dma_wait3A_139 = arith.constant 0 : i32
          %dma_wait3A_140 = tpu.memref_slice %arg8[%rem3A_75, %dma_wait3A_139] : memref<2x128xi32, #tpu.memory_space<vmem>> -> memref<1x128xi32, #tpu.memory_space<vmem>>
          %dma_wait3A_141 = arith.constant 0 : i32
          %dma_wait3A_142 = tpu.memref_slice %arg3[%add3A_109, %dma_wait3A_141] : memref<2560x128xi32, #tpu.memory_space<hbm>> -> memref<1x128xi32, #tpu.memory_space<hbm>>
          tpu.wait_dma2 semaphore(%run_scoped3A_126 : memref<!tpu.dma_semaphore, #tpu.memory_space<semaphore_mem>>) src(%dma_wait3A_142 : memref<1x128xi32, #tpu.memory_space<hbm>>) dst(%dma_wait3A_140 : memref<1x128xi32, #tpu.memory_space<vmem>>)
          tpu.yield
        }) : () -> ()
        %ge3A = arith.constant 1 : i32
        %ge3A_110 = arith.cmpi sge, %scan3A_69, %ge3A : i32
        %convert_element_type3A_111 = arith.extui %ge3A_110 : i1 to i32
        %cond3A_112 = arith.constant 0 : i32
        %cond3A_113 = arith.cmpi ne, %convert_element_type3A_111, %cond3A_112 : i32
        scf.if %cond3A_113 {
          %dma_wait3A_126 = arith.constant 0 : i32
          %dma_wait3A_127 = arith.constant 0 : i32
          %dma_wait3A_128 = arith.constant 0 : i32
          %dma_wait3A_129 = tpu.memref_slice %arg10[%rem3A_75, %dma_wait3A_127, %dma_wait3A_128] : memref<2x128x128xf32, #tpu.memory_space<vmem>> -> memref<1x128x128xf32, #tpu.memory_space<vmem>>
          %dma_wait3A_130 = tpu.memref_squeeze %dma_wait3A_129 : memref<1x128x128xf32, #tpu.memory_space<vmem>> -> memref<128x128xf32, #tpu.memory_space<vmem>>
          %dma_wait3A_131 = arith.constant 0 : i32
          %dma_wait3A_132 = tpu.memref_slice %arg9[%dma_wait3A_126, %dma_wait3A_131] : memref<80x128xi32, #tpu.memory_space<vmem>> -> memref<1x128xi32, #tpu.memory_space<vmem>>
          %dma_wait3A_133 = tpu.memref_squeeze %dma_wait3A_132 : memref<1x128xi32, #tpu.memory_space<vmem>> -> memref<128xi32, #tpu.memory_space<vmem>>
          %dma_wait3A_134 = arith.constant 0 : i32
          %dma_wait3A_135 = arith.constant 0 : i32
          %dma_wait3A_136 = tpu.memref_slice %arg11[%dma_wait3A_134, %dma_wait3A_135] : memref<10240x128xf32, #tpu.memory_space<vmem_shared>> -> memref<10240x128xf32, #tpu.memory_space<vmem_shared>>
          %dma_wait3A_137 = tpu.memref_slice %arg13[%rem3A_75] : memref<2x!tpu.dma_semaphore, #tpu.memory_space<semaphore_mem>> -> memref<1x!tpu.dma_semaphore, #tpu.memory_space<semaphore_mem>>
          %dma_wait3A_138 = tpu.memref_squeeze %dma_wait3A_137 : memref<1x!tpu.dma_semaphore, #tpu.memory_space<semaphore_mem>> -> memref<!tpu.dma_semaphore, #tpu.memory_space<semaphore_mem>>
          tpu.wait_indirect_dma semaphore(%dma_wait3A_138 : memref<!tpu.dma_semaphore, #tpu.memory_space<semaphore_mem>>) src(%dma_wait3A_130 : memref<128x128xf32, #tpu.memory_space<vmem>>) dst(%dma_wait3A_136 : memref<10240x128xf32, #tpu.memory_space<vmem_shared>>)
        } else {
        }
        %dma_start3A_114 = arith.constant 0 : i32
        %dma_start3A_115 = arith.constant 0 : i32
        %dma_start3A_116 = tpu.memref_slice %arg10[%rem3A_75, %dma_start3A_114, %dma_start3A_115] : memref<2x128x128xf32, #tpu.memory_space<vmem>> -> memref<1x128x128xf32, #tpu.memory_space<vmem>>
        %dma_start3A_117 = tpu.memref_squeeze %dma_start3A_116 : memref<1x128x128xf32, #tpu.memory_space<vmem>> -> memref<128x128xf32, #tpu.memory_space<vmem>>
        %dma_start3A_118 = arith.constant 0 : i32
        %dma_start3A_119 = tpu.memref_slice %arg8[%rem3A_75, %dma_start3A_118] : memref<2x128xi32, #tpu.memory_space<vmem>> -> memref<1x128xi32, #tpu.memory_space<vmem>>
        %dma_start3A_120 = tpu.memref_squeeze %dma_start3A_119 : memref<1x128xi32, #tpu.memory_space<vmem>> -> memref<128xi32, #tpu.memory_space<vmem>>
        %dma_start3A_121 = arith.constant 0 : i32
        %dma_start3A_122 = arith.constant 0 : i32
        %dma_start3A_123 = tpu.memref_slice %arg2[%dma_start3A_121, %dma_start3A_122] : memref<10240x128xf32, #tpu.memory_space<hbm>> -> memref<10240x128xf32, #tpu.memory_space<hbm>>
        %dma_start3A_124 = tpu.memref_slice %arg12[%rem3A_75] : memref<2x!tpu.dma_semaphore, #tpu.memory_space<semaphore_mem>> -> memref<1x!tpu.dma_semaphore, #tpu.memory_space<semaphore_mem>>
        %dma_start3A_125 = tpu.memref_squeeze %dma_start3A_124 : memref<1x!tpu.dma_semaphore, #tpu.memory_space<semaphore_mem>> -> memref<!tpu.dma_semaphore, #tpu.memory_space<semaphore_mem>>
        tpu.enqueue_indirect_dma source(%dma_start3A_123 : memref<10240x128xf32, #tpu.memory_space<hbm>>) target(%dma_start3A_117 : memref<128x128xf32, #tpu.memory_space<vmem>>) offsets(%dma_start3A_120 : memref<128xi32, #tpu.memory_space<vmem>>) semaphore(%dma_start3A_125 : memref<!tpu.dma_semaphore, #tpu.memory_space<semaphore_mem>>)
      } else {
      }
      %dma_wait3A_80 = arith.constant 0 : i32
      %dma_wait3A_81 = arith.constant 0 : i32
      %dma_wait3A_82 = tpu.memref_slice %arg10[%rem3A_71, %dma_wait3A_80, %dma_wait3A_81] : memref<2x128x128xf32, #tpu.memory_space<vmem>> -> memref<1x128x128xf32, #tpu.memory_space<vmem>>
      %dma_wait3A_83 = tpu.memref_squeeze %dma_wait3A_82 : memref<1x128x128xf32, #tpu.memory_space<vmem>> -> memref<128x128xf32, #tpu.memory_space<vmem>>
      %dma_wait3A_84 = arith.constant 0 : i32
      %dma_wait3A_85 = tpu.memref_slice %arg8[%rem3A_71, %dma_wait3A_84] : memref<2x128xi32, #tpu.memory_space<vmem>> -> memref<1x128xi32, #tpu.memory_space<vmem>>
      %dma_wait3A_86 = tpu.memref_squeeze %dma_wait3A_85 : memref<1x128xi32, #tpu.memory_space<vmem>> -> memref<128xi32, #tpu.memory_space<vmem>>
      %dma_wait3A_87 = arith.constant 0 : i32
      %dma_wait3A_88 = arith.constant 0 : i32
      %dma_wait3A_89 = tpu.memref_slice %arg2[%dma_wait3A_87, %dma_wait3A_88] : memref<10240x128xf32, #tpu.memory_space<hbm>> -> memref<10240x128xf32, #tpu.memory_space<hbm>>
      %dma_wait3A_90 = tpu.memref_slice %arg12[%rem3A_71] : memref<2x!tpu.dma_semaphore, #tpu.memory_space<semaphore_mem>> -> memref<1x!tpu.dma_semaphore, #tpu.memory_space<semaphore_mem>>
      %dma_wait3A_91 = tpu.memref_squeeze %dma_wait3A_90 : memref<1x!tpu.dma_semaphore, #tpu.memory_space<semaphore_mem>> -> memref<!tpu.dma_semaphore, #tpu.memory_space<semaphore_mem>>
      tpu.wait_indirect_dma semaphore(%dma_wait3A_91 : memref<!tpu.dma_semaphore, #tpu.memory_space<semaphore_mem>>) src(%dma_wait3A_89 : memref<10240x128xf32, #tpu.memory_space<hbm>>) dst(%dma_wait3A_83 : memref<128x128xf32, #tpu.memory_space<vmem>>)
      %dma_start3A_92 = arith.constant 0 : i32
      %dma_start3A_93 = arith.constant 0 : i32
      %dma_start3A_94 = tpu.memref_slice %arg10[%rem3A_71, %dma_start3A_92, %dma_start3A_93] : memref<2x128x128xf32, #tpu.memory_space<vmem>> -> memref<1x128x128xf32, #tpu.memory_space<vmem>>
      %dma_start3A_95 = tpu.memref_squeeze %dma_start3A_94 : memref<1x128x128xf32, #tpu.memory_space<vmem>> -> memref<128x128xf32, #tpu.memory_space<vmem>>
      %dma_start3A_96 = arith.constant 0 : i32
      %dma_start3A_97 = tpu.memref_slice %arg9[%scan3A_69, %dma_start3A_96] : memref<80x128xi32, #tpu.memory_space<vmem>> -> memref<1x128xi32, #tpu.memory_space<vmem>>
      %dma_start3A_98 = tpu.memref_squeeze %dma_start3A_97 : memref<1x128xi32, #tpu.memory_space<vmem>> -> memref<128xi32, #tpu.memory_space<vmem>>
      %dma_start3A_99 = arith.constant 0 : i32
      %dma_start3A_100 = arith.constant 0 : i32
      %dma_start3A_101 = tpu.memref_slice %arg11[%dma_start3A_99, %dma_start3A_100] : memref<10240x128xf32, #tpu.memory_space<vmem_shared>> -> memref<10240x128xf32, #tpu.memory_space<vmem_shared>>
      %dma_start3A_102 = tpu.memref_slice %arg13[%rem3A_71] : memref<2x!tpu.dma_semaphore, #tpu.memory_space<semaphore_mem>> -> memref<1x!tpu.dma_semaphore, #tpu.memory_space<semaphore_mem>>
      %dma_start3A_103 = tpu.memref_squeeze %dma_start3A_102 : memref<1x!tpu.dma_semaphore, #tpu.memory_space<semaphore_mem>> -> memref<!tpu.dma_semaphore, #tpu.memory_space<semaphore_mem>>
      tpu.enqueue_indirect_dma source(%dma_start3A_95 : memref<128x128xf32, #tpu.memory_space<vmem>>) target(%dma_start3A_101 : memref<10240x128xf32, #tpu.memory_space<vmem_shared>>) offsets(%dma_start3A_98 : memref<128xi32, #tpu.memory_space<vmem>>) semaphore(%dma_start3A_103 : memref<!tpu.dma_semaphore, #tpu.memory_space<semaphore_mem>>) {add = true}
      %scan3A_104 = arith.constant 0 : i32
      scf.yield %scan3A_104 : i32
    }
    %scan3A_31 = arith.constant 80 : i32
    %dma_wait3A = arith.constant 0 : i32
    %dma_wait3A_32 = arith.constant 0 : i32
    %dma_wait3A_33 = arith.constant 0 : i32
    %dma_wait3A_34 = arith.constant 0 : i32
    %dma_wait3A_35 = arith.constant 0 : i32
    %dma_wait3A_36 = tpu.memref_slice %arg10[%dma_wait3A, %dma_wait3A_34, %dma_wait3A_35] : memref<2x128x128xf32, #tpu.memory_space<vmem>> -> memref<1x128x128xf32, #tpu.memory_space<vmem>>
    %dma_wait3A_37 = tpu.memref_squeeze %dma_wait3A_36 : memref<1x128x128xf32, #tpu.memory_space<vmem>> -> memref<128x128xf32, #tpu.memory_space<vmem>>
    %dma_wait3A_38 = arith.constant 0 : i32
    %dma_wait3A_39 = tpu.memref_slice %arg9[%dma_wait3A_32, %dma_wait3A_38] : memref<80x128xi32, #tpu.memory_space<vmem>> -> memref<1x128xi32, #tpu.memory_space<vmem>>
    %dma_wait3A_40 = tpu.memref_squeeze %dma_wait3A_39 : memref<1x128xi32, #tpu.memory_space<vmem>> -> memref<128xi32, #tpu.memory_space<vmem>>
    %dma_wait3A_41 = arith.constant 0 : i32
    %dma_wait3A_42 = arith.constant 0 : i32
    %dma_wait3A_43 = tpu.memref_slice %arg11[%dma_wait3A_41, %dma_wait3A_42] : memref<10240x128xf32, #tpu.memory_space<vmem_shared>> -> memref<10240x128xf32, #tpu.memory_space<vmem_shared>>
    %dma_wait3A_44 = tpu.memref_slice %arg13[%dma_wait3A_33] : memref<2x!tpu.dma_semaphore, #tpu.memory_space<semaphore_mem>> -> memref<1x!tpu.dma_semaphore, #tpu.memory_space<semaphore_mem>>
    %dma_wait3A_45 = tpu.memref_squeeze %dma_wait3A_44 : memref<1x!tpu.dma_semaphore, #tpu.memory_space<semaphore_mem>> -> memref<!tpu.dma_semaphore, #tpu.memory_space<semaphore_mem>>
    tpu.wait_indirect_dma semaphore(%dma_wait3A_45 : memref<!tpu.dma_semaphore, #tpu.memory_space<semaphore_mem>>) src(%dma_wait3A_37 : memref<128x128xf32, #tpu.memory_space<vmem>>) dst(%dma_wait3A_43 : memref<10240x128xf32, #tpu.memory_space<vmem_shared>>)
    %dma_wait3A_46 = arith.constant 1 : i32
    %dma_wait3A_47 = arith.constant 0 : i32
    %dma_wait3A_48 = arith.constant 1 : i32
    %dma_wait3A_49 = arith.constant 0 : i32
    %dma_wait3A_50 = arith.constant 0 : i32
    %dma_wait3A_51 = tpu.memref_slice %arg10[%dma_wait3A_46, %dma_wait3A_49, %dma_wait3A_50] : memref<2x128x128xf32, #tpu.memory_space<vmem>> -> memref<1x128x128xf32, #tpu.memory_space<vmem>>
    %dma_wait3A_52 = tpu.memref_squeeze %dma_wait3A_51 : memref<1x128x128xf32, #tpu.memory_space<vmem>> -> memref<128x128xf32, #tpu.memory_space<vmem>>
    %dma_wait3A_53 = arith.constant 0 : i32
    %dma_wait3A_54 = tpu.memref_slice %arg9[%dma_wait3A_47, %dma_wait3A_53] : memref<80x128xi32, #tpu.memory_space<vmem>> -> memref<1x128xi32, #tpu.memory_space<vmem>>
    %dma_wait3A_55 = tpu.memref_squeeze %dma_wait3A_54 : memref<1x128xi32, #tpu.memory_space<vmem>> -> memref<128xi32, #tpu.memory_space<vmem>>
    %dma_wait3A_56 = arith.constant 0 : i32
    %dma_wait3A_57 = arith.constant 0 : i32
    %dma_wait3A_58 = tpu.memref_slice %arg11[%dma_wait3A_56, %dma_wait3A_57] : memref<10240x128xf32, #tpu.memory_space<vmem_shared>> -> memref<10240x128xf32, #tpu.memory_space<vmem_shared>>
    %dma_wait3A_59 = tpu.memref_slice %arg13[%dma_wait3A_48] : memref<2x!tpu.dma_semaphore, #tpu.memory_space<semaphore_mem>> -> memref<1x!tpu.dma_semaphore, #tpu.memory_space<semaphore_mem>>
    %dma_wait3A_60 = tpu.memref_squeeze %dma_wait3A_59 : memref<1x!tpu.dma_semaphore, #tpu.memory_space<semaphore_mem>> -> memref<!tpu.dma_semaphore, #tpu.memory_space<semaphore_mem>>
    tpu.wait_indirect_dma semaphore(%dma_wait3A_60 : memref<!tpu.dma_semaphore, #tpu.memory_space<semaphore_mem>>) src(%dma_wait3A_52 : memref<128x128xf32, #tpu.memory_space<vmem>>) dst(%dma_wait3A_58 : memref<10240x128xf32, #tpu.memory_space<vmem_shared>>)
    %barrier3A_61 = arith.constant 0 : index
    tpu.barrier barrier_id(%barrier3A_61)
    %scan3A_62 = arith.constant 0 : i32
    %scan3A_63 = arith.constant 0 : i32
    %scan3A_64 = arith.constant 5 : i32
    %scan3A_65 = arith.addi %scan3A_63, %scan3A_64 : i32
    %scan3A_66 = arith.constant 1 : i32
    %scan3A_67 = scf.for %scan3A_69 = %scan3A_63 to %scan3A_65 step %scan3A_66 iter_args(%scan3A_70 = %scan3A_62) -> (i32)  : i32 {
      %mul3A_71 = arith.constant 640 : i32
      %mul3A_72 = arith.muli %arg1, %mul3A_71 : i32
      %mul3A_73 = arith.constant 128 : i32
      %mul3A_74 = arith.muli %scan3A_69, %mul3A_73 : i32
      %add3A_75 = arith.addi %mul3A_72, %mul3A_74 : i32
      %mul3A_76 = arith.constant 10240 : i32
      %mul3A_77 = arith.muli %arg0, %mul3A_76 : i32
      %add3A_78 = arith.addi %mul3A_77, %add3A_75 : i32
      "tpu.region"() ({
        %run_scoped3A_80 = tpu.sem_alloc : memref<!tpu.dma_semaphore, #tpu.memory_space<semaphore_mem>>
        %dma_start3A_81 = arith.constant 0 : i32
        %dma_start3A_82 = tpu.memref_slice %arg7[%add3A_78, %dma_start3A_81] : memref<20480x128xf32, #tpu.memory_space<hbm>> -> memref<128x128xf32, #tpu.memory_space<hbm>>
        %dma_start3A_83 = arith.constant 0 : i32
        %dma_start3A_84 = tpu.memref_slice %arg11[%add3A_75, %dma_start3A_83] : memref<10240x128xf32, #tpu.memory_space<vmem_shared>> -> memref<128x128xf32, #tpu.memory_space<vmem_shared>>
        tpu.enqueue_dma source(%dma_start3A_84 : memref<128x128xf32, #tpu.memory_space<vmem_shared>>) target(%dma_start3A_82 : memref<128x128xf32, #tpu.memory_space<hbm>>) target_semaphore(%run_scoped3A_80 : memref<!tpu.dma_semaphore, #tpu.memory_space<semaphore_mem>>)
        %dma_wait3A_85 = arith.constant 0 : i32
        %dma_wait3A_86 = tpu.memref_slice %arg7[%add3A_78, %dma_wait3A_85] : memref<20480x128xf32, #tpu.memory_space<hbm>> -> memref<128x128xf32, #tpu.memory_space<hbm>>
        %dma_wait3A_87 = arith.constant 0 : i32
        %dma_wait3A_88 = tpu.memref_slice %arg11[%add3A_75, %dma_wait3A_87] : memref<10240x128xf32, #tpu.memory_space<vmem_shared>> -> memref<128x128xf32, #tpu.memory_space<vmem_shared>>
        tpu.wait_dma2 semaphore(%run_scoped3A_80 : memref<!tpu.dma_semaphore, #tpu.memory_space<semaphore_mem>>) src(%dma_wait3A_88 : memref<128x128xf32, #tpu.memory_space<vmem_shared>>) dst(%dma_wait3A_86 : memref<128x128xf32, #tpu.memory_space<hbm>>)
        tpu.yield
      }) : () -> ()
      %scan3A_79 = arith.constant 0 : i32
      scf.yield %scan3A_79 : i32
    }
    %scan3A_68 = arith.constant 5 : i32
    return
  }
}

#map = affine_map<(d0, d1) -> (0, 0)>
module attributes {stable_mosaic.version = 14 : i64} {
  func.func @body(%arg0: i32, %arg1: i32, %arg2: memref<10240x128xf32, #tpu.memory_space<hbm>>, %arg3: memref<2560x128xi32, #tpu.memory_space<hbm>>, %arg4: memref<2560x128xi32, #tpu.memory_space<hbm>>, %arg5: memref<128x128xf32, #tpu.memory_space<hbm>>, %arg6: memref<128x128xf32, #tpu.memory_space<hbm>>, %arg7: memref<20480x128xf32, #tpu.memory_space<hbm>>, %arg8: memref<20480x128xf32, #tpu.memory_space<hbm>>, %arg9: memref<2x128xi32, #tpu.memory_space<vmem>>, %arg10: memref<80x128xi32, #tpu.memory_space<vmem>>, %arg11: memref<2x128x128xf32, #tpu.memory_space<vmem>>, %arg12: memref<10240x128xf32, #tpu.memory_space<vmem_shared>>, %arg13: memref<2x!tpu.dma_semaphore, #tpu.memory_space<semaphore_mem>>, %arg14: memref<2x!tpu.dma_semaphore, #tpu.memory_space<semaphore_mem>>) attributes {dimension_semantics = [#tpu.dimension_semantics<core_parallel>, #tpu.dimension_semantics<subcore_parallel>], iteration_bounds = array<i64: 2, 16>, scalar_prefetch = 0 : i64, scratch_operands = 6 : i64, tpu.core_type = #tpu.core_type<sc_vector_subcore>, window_params = [{transform_indices = #map}, {transform_indices = #map}, {transform_indices = #map}, {transform_indices = #map}, {transform_indices = #map}, {transform_indices = #map}, {transform_indices = #map}]} {
    %mul3A = arith.constant 2 : i32
    %mul3A_0 = arith.muli %arg1, %mul3A : i32
    %add3A = arith.addi %mul3A_0, %arg0 : i32
    %mul3A_1 = arith.constant 80 : i32
    %mul3A_2 = arith.muli %add3A, %mul3A_1 : i32
    "tpu.region"() ({
      %run_scoped3A_93 = tpu.sem_alloc : memref<!tpu.dma_semaphore, #tpu.memory_space<semaphore_mem>>
      %dma_start3A_94 = arith.constant 0 : i32
      %dma_start3A_95 = tpu.memref_slice %arg4[%mul3A_2, %dma_start3A_94] : memref<2560x128xi32, #tpu.memory_space<hbm>> -> memref<80x128xi32, #tpu.memory_space<hbm>>
      %dma_start3A_96 = arith.constant 0 : i32
      %dma_start3A_97 = tpu.memref_slice %arg4[%mul3A_2, %dma_start3A_96] : memref<2560x128xi32, #tpu.memory_space<hbm>> -> memref<80x128xi32, #tpu.memory_space<hbm>>
      tpu.enqueue_dma source(%dma_start3A_97 : memref<80x128xi32, #tpu.memory_space<hbm>>) target(%arg10 : memref<80x128xi32, #tpu.memory_space<vmem>>) target_semaphore(%run_scoped3A_93 : memref<!tpu.dma_semaphore, #tpu.memory_space<semaphore_mem>>)
      %dma_wait3A_98 = arith.constant 0 : i32
      %dma_wait3A_99 = tpu.memref_slice %arg4[%mul3A_2, %dma_wait3A_98] : memref<2560x128xi32, #tpu.memory_space<hbm>> -> memref<80x128xi32, #tpu.memory_space<hbm>>
      %dma_wait3A_100 = arith.constant 0 : i32
      %dma_wait3A_101 = tpu.memref_slice %arg4[%mul3A_2, %dma_wait3A_100] : memref<2560x128xi32, #tpu.memory_space<hbm>> -> memref<80x128xi32, #tpu.memory_space<hbm>>
      tpu.wait_dma2 semaphore(%run_scoped3A_93 : memref<!tpu.dma_semaphore, #tpu.memory_space<semaphore_mem>>) src(%dma_wait3A_101 : memref<80x128xi32, #tpu.memory_space<hbm>>) dst(%arg10 : memref<80x128xi32, #tpu.memory_space<vmem>>)
      tpu.yield
    }) : () -> ()
    %run_scoped3A = arith.constant 1 : i32
    "tpu.region"() ({
      %run_scoped3A_93 = tpu.sem_alloc : memref<!tpu.dma_semaphore, #tpu.memory_space<semaphore_mem>>
      %dma_start3A_94 = arith.constant 0 : i32
      %dma_start3A_95 = arith.constant 0 : i32
      %dma_start3A_96 = tpu.memref_slice %arg11[%run_scoped3A, %dma_start3A_94, %dma_start3A_95] : memref<2x128x128xf32, #tpu.memory_space<vmem>> -> memref<1x128x128xf32, #tpu.memory_space<vmem>>
      %dma_start3A_97 = tpu.memref_squeeze %dma_start3A_96 : memref<1x128x128xf32, #tpu.memory_space<vmem>> -> memref<128x128xf32, #tpu.memory_space<vmem>>
      %dma_start3A_98 = arith.constant 0 : i32
      %dma_start3A_99 = arith.constant 0 : i32
      %dma_start3A_100 = tpu.memref_slice %arg11[%run_scoped3A, %dma_start3A_98, %dma_start3A_99] : memref<2x128x128xf32, #tpu.memory_space<vmem>> -> memref<1x128x128xf32, #tpu.memory_space<vmem>>
      %dma_start3A_101 = tpu.memref_squeeze %dma_start3A_100 : memref<1x128x128xf32, #tpu.memory_space<vmem>> -> memref<128x128xf32, #tpu.memory_space<vmem>>
      tpu.enqueue_dma source(%arg5 : memref<128x128xf32, #tpu.memory_space<hbm>>) target(%dma_start3A_101 : memref<128x128xf32, #tpu.memory_space<vmem>>) target_semaphore(%run_scoped3A_93 : memref<!tpu.dma_semaphore, #tpu.memory_space<semaphore_mem>>)
      %dma_wait3A_102 = arith.constant 0 : i32
      %dma_wait3A_103 = arith.constant 0 : i32
      %dma_wait3A_104 = tpu.memref_slice %arg11[%run_scoped3A, %dma_wait3A_102, %dma_wait3A_103] : memref<2x128x128xf32, #tpu.memory_space<vmem>> -> memref<1x128x128xf32, #tpu.memory_space<vmem>>
      %dma_wait3A_105 = tpu.memref_squeeze %dma_wait3A_104 : memref<1x128x128xf32, #tpu.memory_space<vmem>> -> memref<128x128xf32, #tpu.memory_space<vmem>>
      %dma_wait3A_106 = arith.constant 0 : i32
      %dma_wait3A_107 = arith.constant 0 : i32
      %dma_wait3A_108 = tpu.memref_slice %arg11[%run_scoped3A, %dma_wait3A_106, %dma_wait3A_107] : memref<2x128x128xf32, #tpu.memory_space<vmem>> -> memref<1x128x128xf32, #tpu.memory_space<vmem>>
      %dma_wait3A_109 = tpu.memref_squeeze %dma_wait3A_108 : memref<1x128x128xf32, #tpu.memory_space<vmem>> -> memref<128x128xf32, #tpu.memory_space<vmem>>
      tpu.wait_dma2 semaphore(%run_scoped3A_93 : memref<!tpu.dma_semaphore, #tpu.memory_space<semaphore_mem>>) src(%arg5 : memref<128x128xf32, #tpu.memory_space<hbm>>) dst(%dma_wait3A_109 : memref<128x128xf32, #tpu.memory_space<vmem>>)
      tpu.yield
    }) : () -> ()
    %scan3A = arith.constant 0 : i32
    %scan3A_3 = arith.constant 0 : i32
    %scan3A_4 = arith.constant 5 : i32
    %scan3A_5 = arith.addi %scan3A_3, %scan3A_4 : i32
    %scan3A_6 = arith.constant 1 : i32
    %scan3A_7 = scf.for %scan3A_93 = %scan3A_3 to %scan3A_5 step %scan3A_6 iter_args(%scan3A_94 = %scan3A) -> (i32)  : i32 {
      %mul3A_95 = arith.constant 640 : i32
      %mul3A_96 = arith.muli %arg1, %mul3A_95 : i32
      %mul3A_97 = arith.constant 128 : i32
      %mul3A_98 = arith.muli %scan3A_93, %mul3A_97 : i32
      %add3A_99 = arith.addi %mul3A_96, %mul3A_98 : i32
      %run_scoped3A_100 = arith.constant 1 : i32
      "tpu.region"() ({
        %run_scoped3A_102 = tpu.sem_alloc : memref<!tpu.dma_semaphore, #tpu.memory_space<semaphore_mem>>
        %dma_start3A_103 = arith.constant 0 : i32
        %dma_start3A_104 = arith.constant 0 : i32
        %dma_start3A_105 = tpu.memref_slice %arg11[%run_scoped3A_100, %dma_start3A_103, %dma_start3A_104] : memref<2x128x128xf32, #tpu.memory_space<vmem>> -> memref<1x128x128xf32, #tpu.memory_space<vmem>>
        %dma_start3A_106 = tpu.memref_squeeze %dma_start3A_105 : memref<1x128x128xf32, #tpu.memory_space<vmem>> -> memref<128x128xf32, #tpu.memory_space<vmem>>
        %dma_start3A_107 = arith.constant 0 : i32
        %dma_start3A_108 = tpu.memref_slice %arg12[%add3A_99, %dma_start3A_107] : memref<10240x128xf32, #tpu.memory_space<vmem_shared>> -> memref<128x128xf32, #tpu.memory_space<vmem_shared>>
        %dma_start3A_109 = arith.constant 0 : i32
        %dma_start3A_110 = tpu.memref_slice %arg12[%add3A_99, %dma_start3A_109] : memref<10240x128xf32, #tpu.memory_space<vmem_shared>> -> memref<128x128xf32, #tpu.memory_space<vmem_shared>>
        %dma_start3A_111 = arith.constant 0 : i32
        %dma_start3A_112 = arith.constant 0 : i32
        %dma_start3A_113 = tpu.memref_slice %arg11[%run_scoped3A_100, %dma_start3A_111, %dma_start3A_112] : memref<2x128x128xf32, #tpu.memory_space<vmem>> -> memref<1x128x128xf32, #tpu.memory_space<vmem>>
        %dma_start3A_114 = tpu.memref_squeeze %dma_start3A_113 : memref<1x128x128xf32, #tpu.memory_space<vmem>> -> memref<128x128xf32, #tpu.memory_space<vmem>>
        tpu.enqueue_dma source(%dma_start3A_114 : memref<128x128xf32, #tpu.memory_space<vmem>>) target(%dma_start3A_110 : memref<128x128xf32, #tpu.memory_space<vmem_shared>>) target_semaphore(%run_scoped3A_102 : memref<!tpu.dma_semaphore, #tpu.memory_space<semaphore_mem>>)
        %dma_wait3A_115 = arith.constant 0 : i32
        %dma_wait3A_116 = arith.constant 0 : i32
        %dma_wait3A_117 = tpu.memref_slice %arg11[%run_scoped3A_100, %dma_wait3A_115, %dma_wait3A_116] : memref<2x128x128xf32, #tpu.memory_space<vmem>> -> memref<1x128x128xf32, #tpu.memory_space<vmem>>
        %dma_wait3A_118 = tpu.memref_squeeze %dma_wait3A_117 : memref<1x128x128xf32, #tpu.memory_space<vmem>> -> memref<128x128xf32, #tpu.memory_space<vmem>>
        %dma_wait3A_119 = arith.constant 0 : i32
        %dma_wait3A_120 = tpu.memref_slice %arg12[%add3A_99, %dma_wait3A_119] : memref<10240x128xf32, #tpu.memory_space<vmem_shared>> -> memref<128x128xf32, #tpu.memory_space<vmem_shared>>
        %dma_wait3A_121 = arith.constant 0 : i32
        %dma_wait3A_122 = tpu.memref_slice %arg12[%add3A_99, %dma_wait3A_121] : memref<10240x128xf32, #tpu.memory_space<vmem_shared>> -> memref<128x128xf32, #tpu.memory_space<vmem_shared>>
        %dma_wait3A_123 = arith.constant 0 : i32
        %dma_wait3A_124 = arith.constant 0 : i32
        %dma_wait3A_125 = tpu.memref_slice %arg11[%run_scoped3A_100, %dma_wait3A_123, %dma_wait3A_124] : memref<2x128x128xf32, #tpu.memory_space<vmem>> -> memref<1x128x128xf32, #tpu.memory_space<vmem>>
        %dma_wait3A_126 = tpu.memref_squeeze %dma_wait3A_125 : memref<1x128x128xf32, #tpu.memory_space<vmem>> -> memref<128x128xf32, #tpu.memory_space<vmem>>
        tpu.wait_dma2 semaphore(%run_scoped3A_102 : memref<!tpu.dma_semaphore, #tpu.memory_space<semaphore_mem>>) src(%dma_wait3A_126 : memref<128x128xf32, #tpu.memory_space<vmem>>) dst(%dma_wait3A_122 : memref<128x128xf32, #tpu.memory_space<vmem_shared>>)
        tpu.yield
      }) : () -> ()
      %scan3A_101 = arith.constant 0 : i32
      scf.yield %scan3A_101 : i32
    }
    %scan3A_8 = arith.constant 5 : i32
    %run_scoped3A_9 = arith.constant 0 : i32
    "tpu.region"() ({
      %run_scoped3A_93 = tpu.sem_alloc : memref<!tpu.dma_semaphore, #tpu.memory_space<semaphore_mem>>
      %dma_start3A_94 = arith.constant 0 : i32
      %dma_start3A_95 = arith.constant 0 : i32
      %dma_start3A_96 = tpu.memref_slice %arg11[%run_scoped3A_9, %dma_start3A_94, %dma_start3A_95] : memref<2x128x128xf32, #tpu.memory_space<vmem>> -> memref<1x128x128xf32, #tpu.memory_space<vmem>>
      %dma_start3A_97 = tpu.memref_squeeze %dma_start3A_96 : memref<1x128x128xf32, #tpu.memory_space<vmem>> -> memref<128x128xf32, #tpu.memory_space<vmem>>
      %dma_start3A_98 = arith.constant 0 : i32
      %dma_start3A_99 = arith.constant 0 : i32
      %dma_start3A_100 = tpu.memref_slice %arg11[%run_scoped3A_9, %dma_start3A_98, %dma_start3A_99] : memref<2x128x128xf32, #tpu.memory_space<vmem>> -> memref<1x128x128xf32, #tpu.memory_space<vmem>>
      %dma_start3A_101 = tpu.memref_squeeze %dma_start3A_100 : memref<1x128x128xf32, #tpu.memory_space<vmem>> -> memref<128x128xf32, #tpu.memory_space<vmem>>
      tpu.enqueue_dma source(%arg6 : memref<128x128xf32, #tpu.memory_space<hbm>>) target(%dma_start3A_101 : memref<128x128xf32, #tpu.memory_space<vmem>>) target_semaphore(%run_scoped3A_93 : memref<!tpu.dma_semaphore, #tpu.memory_space<semaphore_mem>>)
      %dma_wait3A_102 = arith.constant 0 : i32
      %dma_wait3A_103 = arith.constant 0 : i32
      %dma_wait3A_104 = tpu.memref_slice %arg11[%run_scoped3A_9, %dma_wait3A_102, %dma_wait3A_103] : memref<2x128x128xf32, #tpu.memory_space<vmem>> -> memref<1x128x128xf32, #tpu.memory_space<vmem>>
      %dma_wait3A_105 = tpu.memref_squeeze %dma_wait3A_104 : memref<1x128x128xf32, #tpu.memory_space<vmem>> -> memref<128x128xf32, #tpu.memory_space<vmem>>
      %dma_wait3A_106 = arith.constant 0 : i32
      %dma_wait3A_107 = arith.constant 0 : i32
      %dma_wait3A_108 = tpu.memref_slice %arg11[%run_scoped3A_9, %dma_wait3A_106, %dma_wait3A_107] : memref<2x128x128xf32, #tpu.memory_space<vmem>> -> memref<1x128x128xf32, #tpu.memory_space<vmem>>
      %dma_wait3A_109 = tpu.memref_squeeze %dma_wait3A_108 : memref<1x128x128xf32, #tpu.memory_space<vmem>> -> memref<128x128xf32, #tpu.memory_space<vmem>>
      tpu.wait_dma2 semaphore(%run_scoped3A_93 : memref<!tpu.dma_semaphore, #tpu.memory_space<semaphore_mem>>) src(%arg6 : memref<128x128xf32, #tpu.memory_space<hbm>>) dst(%dma_wait3A_109 : memref<128x128xf32, #tpu.memory_space<vmem>>)
      tpu.yield
    }) : () -> ()
    %barrier3A = arith.constant 0 : index
    tpu.barrier barrier_id(%barrier3A)
    %scan3A_10 = arith.constant 0 : i32
    %scan3A_11 = arith.constant 0 : i32
    %scan3A_12 = arith.constant 10 : i32
    %scan3A_13 = arith.addi %scan3A_11, %scan3A_12 : i32
    %scan3A_14 = arith.constant 1 : i32
    %scan3A_15 = scf.for %scan3A_93 = %scan3A_11 to %scan3A_13 step %scan3A_14 iter_args(%scan3A_94 = %scan3A_10) -> (i32)  : i32 {
      %mul3A_95 = arith.constant 8 : i32
      %mul3A_96 = arith.muli %scan3A_93, %mul3A_95 : i32
      %add3A_97 = arith.constant 0 : i32
      %add3A_98 = arith.addi %mul3A_96, %add3A_97 : i32
      %dma_start3A_99 = arith.constant 0 : i32
      %dma_start3A_100 = arith.constant 0 : i32
      %dma_start3A_101 = arith.constant 0 : i32
      %dma_start3A_102 = arith.constant 0 : i32
      %dma_start3A_103 = tpu.memref_slice %arg11[%dma_start3A_99, %dma_start3A_101, %dma_start3A_102] : memref<2x128x128xf32, #tpu.memory_space<vmem>> -> memref<1x128x128xf32, #tpu.memory_space<vmem>>
      %dma_start3A_104 = tpu.memref_squeeze %dma_start3A_103 : memref<1x128x128xf32, #tpu.memory_space<vmem>> -> memref<128x128xf32, #tpu.memory_space<vmem>>
      %dma_start3A_105 = arith.constant 0 : i32
      %dma_start3A_106 = tpu.memref_slice %arg10[%add3A_98, %dma_start3A_105] : memref<80x128xi32, #tpu.memory_space<vmem>> -> memref<1x128xi32, #tpu.memory_space<vmem>>
      %dma_start3A_107 = tpu.memref_squeeze %dma_start3A_106 : memref<1x128xi32, #tpu.memory_space<vmem>> -> memref<128xi32, #tpu.memory_space<vmem>>
      %dma_start3A_108 = arith.constant 0 : i32
      %dma_start3A_109 = arith.constant 0 : i32
      %dma_start3A_110 = tpu.memref_slice %arg12[%dma_start3A_108, %dma_start3A_109] : memref<10240x128xf32, #tpu.memory_space<vmem_shared>> -> memref<10240x128xf32, #tpu.memory_space<vmem_shared>>
      %dma_start3A_111 = tpu.memref_slice %arg14[%dma_start3A_100] : memref<2x!tpu.dma_semaphore, #tpu.memory_space<semaphore_mem>> -> memref<1x!tpu.dma_semaphore, #tpu.memory_space<semaphore_mem>>
      %dma_start3A_112 = tpu.memref_squeeze %dma_start3A_111 : memref<1x!tpu.dma_semaphore, #tpu.memory_space<semaphore_mem>> -> memref<!tpu.dma_semaphore, #tpu.memory_space<semaphore_mem>>
      tpu.enqueue_indirect_dma source(%dma_start3A_104 : memref<128x128xf32, #tpu.memory_space<vmem>>) target(%dma_start3A_110 : memref<10240x128xf32, #tpu.memory_space<vmem_shared>>) offsets(%dma_start3A_107 : memref<128xi32, #tpu.memory_space<vmem>>) semaphore(%dma_start3A_112 : memref<!tpu.dma_semaphore, #tpu.memory_space<semaphore_mem>>) {add = true}
      %mul3A_113 = arith.constant 8 : i32
      %mul3A_114 = arith.muli %scan3A_93, %mul3A_113 : i32
      %add3A_115 = arith.constant 1 : i32
      %add3A_116 = arith.addi %mul3A_114, %add3A_115 : i32
      %dma_start3A_117 = arith.constant 0 : i32
      %dma_start3A_118 = arith.constant 0 : i32
      %dma_start3A_119 = arith.constant 0 : i32
      %dma_start3A_120 = arith.constant 0 : i32
      %dma_start3A_121 = tpu.memref_slice %arg11[%dma_start3A_117, %dma_start3A_119, %dma_start3A_120] : memref<2x128x128xf32, #tpu.memory_space<vmem>> -> memref<1x128x128xf32, #tpu.memory_space<vmem>>
      %dma_start3A_122 = tpu.memref_squeeze %dma_start3A_121 : memref<1x128x128xf32, #tpu.memory_space<vmem>> -> memref<128x128xf32, #tpu.memory_space<vmem>>
      %dma_start3A_123 = arith.constant 0 : i32
      %dma_start3A_124 = tpu.memref_slice %arg10[%add3A_116, %dma_start3A_123] : memref<80x128xi32, #tpu.memory_space<vmem>> -> memref<1x128xi32, #tpu.memory_space<vmem>>
      %dma_start3A_125 = tpu.memref_squeeze %dma_start3A_124 : memref<1x128xi32, #tpu.memory_space<vmem>> -> memref<128xi32, #tpu.memory_space<vmem>>
      %dma_start3A_126 = arith.constant 0 : i32
      %dma_start3A_127 = arith.constant 0 : i32
      %dma_start3A_128 = tpu.memref_slice %arg12[%dma_start3A_126, %dma_start3A_127] : memref<10240x128xf32, #tpu.memory_space<vmem_shared>> -> memref<10240x128xf32, #tpu.memory_space<vmem_shared>>
      %dma_start3A_129 = tpu.memref_slice %arg14[%dma_start3A_118] : memref<2x!tpu.dma_semaphore, #tpu.memory_space<semaphore_mem>> -> memref<1x!tpu.dma_semaphore, #tpu.memory_space<semaphore_mem>>
      %dma_start3A_130 = tpu.memref_squeeze %dma_start3A_129 : memref<1x!tpu.dma_semaphore, #tpu.memory_space<semaphore_mem>> -> memref<!tpu.dma_semaphore, #tpu.memory_space<semaphore_mem>>
      tpu.enqueue_indirect_dma source(%dma_start3A_122 : memref<128x128xf32, #tpu.memory_space<vmem>>) target(%dma_start3A_128 : memref<10240x128xf32, #tpu.memory_space<vmem_shared>>) offsets(%dma_start3A_125 : memref<128xi32, #tpu.memory_space<vmem>>) semaphore(%dma_start3A_130 : memref<!tpu.dma_semaphore, #tpu.memory_space<semaphore_mem>>) {add = true}
      %mul3A_131 = arith.constant 8 : i32
      %mul3A_132 = arith.muli %scan3A_93, %mul3A_131 : i32
      %add3A_133 = arith.constant 2 : i32
      %add3A_134 = arith.addi %mul3A_132, %add3A_133 : i32
      %dma_start3A_135 = arith.constant 0 : i32
      %dma_start3A_136 = arith.constant 0 : i32
      %dma_start3A_137 = arith.constant 0 : i32
      %dma_start3A_138 = arith.constant 0 : i32
      %dma_start3A_139 = tpu.memref_slice %arg11[%dma_start3A_135, %dma_start3A_137, %dma_start3A_138] : memref<2x128x128xf32, #tpu.memory_space<vmem>> -> memref<1x128x128xf32, #tpu.memory_space<vmem>>
      %dma_start3A_140 = tpu.memref_squeeze %dma_start3A_139 : memref<1x128x128xf32, #tpu.memory_space<vmem>> -> memref<128x128xf32, #tpu.memory_space<vmem>>
      %dma_start3A_141 = arith.constant 0 : i32
      %dma_start3A_142 = tpu.memref_slice %arg10[%add3A_134, %dma_start3A_141] : memref<80x128xi32, #tpu.memory_space<vmem>> -> memref<1x128xi32, #tpu.memory_space<vmem>>
      %dma_start3A_143 = tpu.memref_squeeze %dma_start3A_142 : memref<1x128xi32, #tpu.memory_space<vmem>> -> memref<128xi32, #tpu.memory_space<vmem>>
      %dma_start3A_144 = arith.constant 0 : i32
      %dma_start3A_145 = arith.constant 0 : i32
      %dma_start3A_146 = tpu.memref_slice %arg12[%dma_start3A_144, %dma_start3A_145] : memref<10240x128xf32, #tpu.memory_space<vmem_shared>> -> memref<10240x128xf32, #tpu.memory_space<vmem_shared>>
      %dma_start3A_147 = tpu.memref_slice %arg14[%dma_start3A_136] : memref<2x!tpu.dma_semaphore, #tpu.memory_space<semaphore_mem>> -> memref<1x!tpu.dma_semaphore, #tpu.memory_space<semaphore_mem>>
      %dma_start3A_148 = tpu.memref_squeeze %dma_start3A_147 : memref<1x!tpu.dma_semaphore, #tpu.memory_space<semaphore_mem>> -> memref<!tpu.dma_semaphore, #tpu.memory_space<semaphore_mem>>
      tpu.enqueue_indirect_dma source(%dma_start3A_140 : memref<128x128xf32, #tpu.memory_space<vmem>>) target(%dma_start3A_146 : memref<10240x128xf32, #tpu.memory_space<vmem_shared>>) offsets(%dma_start3A_143 : memref<128xi32, #tpu.memory_space<vmem>>) semaphore(%dma_start3A_148 : memref<!tpu.dma_semaphore, #tpu.memory_space<semaphore_mem>>) {add = true}
      %mul3A_149 = arith.constant 8 : i32
      %mul3A_150 = arith.muli %scan3A_93, %mul3A_149 : i32
      %add3A_151 = arith.constant 3 : i32
      %add3A_152 = arith.addi %mul3A_150, %add3A_151 : i32
      %dma_start3A_153 = arith.constant 0 : i32
      %dma_start3A_154 = arith.constant 0 : i32
      %dma_start3A_155 = arith.constant 0 : i32
      %dma_start3A_156 = arith.constant 0 : i32
      %dma_start3A_157 = tpu.memref_slice %arg11[%dma_start3A_153, %dma_start3A_155, %dma_start3A_156] : memref<2x128x128xf32, #tpu.memory_space<vmem>> -> memref<1x128x128xf32, #tpu.memory_space<vmem>>
      %dma_start3A_158 = tpu.memref_squeeze %dma_start3A_157 : memref<1x128x128xf32, #tpu.memory_space<vmem>> -> memref<128x128xf32, #tpu.memory_space<vmem>>
      %dma_start3A_159 = arith.constant 0 : i32
      %dma_start3A_160 = tpu.memref_slice %arg10[%add3A_152, %dma_start3A_159] : memref<80x128xi32, #tpu.memory_space<vmem>> -> memref<1x128xi32, #tpu.memory_space<vmem>>
      %dma_start3A_161 = tpu.memref_squeeze %dma_start3A_160 : memref<1x128xi32, #tpu.memory_space<vmem>> -> memref<128xi32, #tpu.memory_space<vmem>>
      %dma_start3A_162 = arith.constant 0 : i32
      %dma_start3A_163 = arith.constant 0 : i32
      %dma_start3A_164 = tpu.memref_slice %arg12[%dma_start3A_162, %dma_start3A_163] : memref<10240x128xf32, #tpu.memory_space<vmem_shared>> -> memref<10240x128xf32, #tpu.memory_space<vmem_shared>>
      %dma_start3A_165 = tpu.memref_slice %arg14[%dma_start3A_154] : memref<2x!tpu.dma_semaphore, #tpu.memory_space<semaphore_mem>> -> memref<1x!tpu.dma_semaphore, #tpu.memory_space<semaphore_mem>>
      %dma_start3A_166 = tpu.memref_squeeze %dma_start3A_165 : memref<1x!tpu.dma_semaphore, #tpu.memory_space<semaphore_mem>> -> memref<!tpu.dma_semaphore, #tpu.memory_space<semaphore_mem>>
      tpu.enqueue_indirect_dma source(%dma_start3A_158 : memref<128x128xf32, #tpu.memory_space<vmem>>) target(%dma_start3A_164 : memref<10240x128xf32, #tpu.memory_space<vmem_shared>>) offsets(%dma_start3A_161 : memref<128xi32, #tpu.memory_space<vmem>>) semaphore(%dma_start3A_166 : memref<!tpu.dma_semaphore, #tpu.memory_space<semaphore_mem>>) {add = true}
      %mul3A_167 = arith.constant 8 : i32
      %mul3A_168 = arith.muli %scan3A_93, %mul3A_167 : i32
      %add3A_169 = arith.constant 4 : i32
      %add3A_170 = arith.addi %mul3A_168, %add3A_169 : i32
      %dma_start3A_171 = arith.constant 0 : i32
      %dma_start3A_172 = arith.constant 0 : i32
      %dma_start3A_173 = arith.constant 0 : i32
      %dma_start3A_174 = arith.constant 0 : i32
      %dma_start3A_175 = tpu.memref_slice %arg11[%dma_start3A_171, %dma_start3A_173, %dma_start3A_174] : memref<2x128x128xf32, #tpu.memory_space<vmem>> -> memref<1x128x128xf32, #tpu.memory_space<vmem>>
      %dma_start3A_176 = tpu.memref_squeeze %dma_start3A_175 : memref<1x128x128xf32, #tpu.memory_space<vmem>> -> memref<128x128xf32, #tpu.memory_space<vmem>>
      %dma_start3A_177 = arith.constant 0 : i32
      %dma_start3A_178 = tpu.memref_slice %arg10[%add3A_170, %dma_start3A_177] : memref<80x128xi32, #tpu.memory_space<vmem>> -> memref<1x128xi32, #tpu.memory_space<vmem>>
      %dma_start3A_179 = tpu.memref_squeeze %dma_start3A_178 : memref<1x128xi32, #tpu.memory_space<vmem>> -> memref<128xi32, #tpu.memory_space<vmem>>
      %dma_start3A_180 = arith.constant 0 : i32
      %dma_start3A_181 = arith.constant 0 : i32
      %dma_start3A_182 = tpu.memref_slice %arg12[%dma_start3A_180, %dma_start3A_181] : memref<10240x128xf32, #tpu.memory_space<vmem_shared>> -> memref<10240x128xf32, #tpu.memory_space<vmem_shared>>
      %dma_start3A_183 = tpu.memref_slice %arg14[%dma_start3A_172] : memref<2x!tpu.dma_semaphore, #tpu.memory_space<semaphore_mem>> -> memref<1x!tpu.dma_semaphore, #tpu.memory_space<semaphore_mem>>
      %dma_start3A_184 = tpu.memref_squeeze %dma_start3A_183 : memref<1x!tpu.dma_semaphore, #tpu.memory_space<semaphore_mem>> -> memref<!tpu.dma_semaphore, #tpu.memory_space<semaphore_mem>>
      tpu.enqueue_indirect_dma source(%dma_start3A_176 : memref<128x128xf32, #tpu.memory_space<vmem>>) target(%dma_start3A_182 : memref<10240x128xf32, #tpu.memory_space<vmem_shared>>) offsets(%dma_start3A_179 : memref<128xi32, #tpu.memory_space<vmem>>) semaphore(%dma_start3A_184 : memref<!tpu.dma_semaphore, #tpu.memory_space<semaphore_mem>>) {add = true}
      %mul3A_185 = arith.constant 8 : i32
      %mul3A_186 = arith.muli %scan3A_93, %mul3A_185 : i32
      %add3A_187 = arith.constant 5 : i32
      %add3A_188 = arith.addi %mul3A_186, %add3A_187 : i32
      %dma_start3A_189 = arith.constant 0 : i32
      %dma_start3A_190 = arith.constant 0 : i32
      %dma_start3A_191 = arith.constant 0 : i32
      %dma_start3A_192 = arith.constant 0 : i32
      %dma_start3A_193 = tpu.memref_slice %arg11[%dma_start3A_189, %dma_start3A_191, %dma_start3A_192] : memref<2x128x128xf32, #tpu.memory_space<vmem>> -> memref<1x128x128xf32, #tpu.memory_space<vmem>>
      %dma_start3A_194 = tpu.memref_squeeze %dma_start3A_193 : memref<1x128x128xf32, #tpu.memory_space<vmem>> -> memref<128x128xf32, #tpu.memory_space<vmem>>
      %dma_start3A_195 = arith.constant 0 : i32
      %dma_start3A_196 = tpu.memref_slice %arg10[%add3A_188, %dma_start3A_195] : memref<80x128xi32, #tpu.memory_space<vmem>> -> memref<1x128xi32, #tpu.memory_space<vmem>>
      %dma_start3A_197 = tpu.memref_squeeze %dma_start3A_196 : memref<1x128xi32, #tpu.memory_space<vmem>> -> memref<128xi32, #tpu.memory_space<vmem>>
      %dma_start3A_198 = arith.constant 0 : i32
      %dma_start3A_199 = arith.constant 0 : i32
      %dma_start3A_200 = tpu.memref_slice %arg12[%dma_start3A_198, %dma_start3A_199] : memref<10240x128xf32, #tpu.memory_space<vmem_shared>> -> memref<10240x128xf32, #tpu.memory_space<vmem_shared>>
      %dma_start3A_201 = tpu.memref_slice %arg14[%dma_start3A_190] : memref<2x!tpu.dma_semaphore, #tpu.memory_space<semaphore_mem>> -> memref<1x!tpu.dma_semaphore, #tpu.memory_space<semaphore_mem>>
      %dma_start3A_202 = tpu.memref_squeeze %dma_start3A_201 : memref<1x!tpu.dma_semaphore, #tpu.memory_space<semaphore_mem>> -> memref<!tpu.dma_semaphore, #tpu.memory_space<semaphore_mem>>
      tpu.enqueue_indirect_dma source(%dma_start3A_194 : memref<128x128xf32, #tpu.memory_space<vmem>>) target(%dma_start3A_200 : memref<10240x128xf32, #tpu.memory_space<vmem_shared>>) offsets(%dma_start3A_197 : memref<128xi32, #tpu.memory_space<vmem>>) semaphore(%dma_start3A_202 : memref<!tpu.dma_semaphore, #tpu.memory_space<semaphore_mem>>) {add = true}
      %mul3A_203 = arith.constant 8 : i32
      %mul3A_204 = arith.muli %scan3A_93, %mul3A_203 : i32
      %add3A_205 = arith.constant 6 : i32
      %add3A_206 = arith.addi %mul3A_204, %add3A_205 : i32
      %dma_start3A_207 = arith.constant 0 : i32
      %dma_start3A_208 = arith.constant 0 : i32
      %dma_start3A_209 = arith.constant 0 : i32
      %dma_start3A_210 = arith.constant 0 : i32
      %dma_start3A_211 = tpu.memref_slice %arg11[%dma_start3A_207, %dma_start3A_209, %dma_start3A_210] : memref<2x128x128xf32, #tpu.memory_space<vmem>> -> memref<1x128x128xf32, #tpu.memory_space<vmem>>
      %dma_start3A_212 = tpu.memref_squeeze %dma_start3A_211 : memref<1x128x128xf32, #tpu.memory_space<vmem>> -> memref<128x128xf32, #tpu.memory_space<vmem>>
      %dma_start3A_213 = arith.constant 0 : i32
      %dma_start3A_214 = tpu.memref_slice %arg10[%add3A_206, %dma_start3A_213] : memref<80x128xi32, #tpu.memory_space<vmem>> -> memref<1x128xi32, #tpu.memory_space<vmem>>
      %dma_start3A_215 = tpu.memref_squeeze %dma_start3A_214 : memref<1x128xi32, #tpu.memory_space<vmem>> -> memref<128xi32, #tpu.memory_space<vmem>>
      %dma_start3A_216 = arith.constant 0 : i32
      %dma_start3A_217 = arith.constant 0 : i32
      %dma_start3A_218 = tpu.memref_slice %arg12[%dma_start3A_216, %dma_start3A_217] : memref<10240x128xf32, #tpu.memory_space<vmem_shared>> -> memref<10240x128xf32, #tpu.memory_space<vmem_shared>>
      %dma_start3A_219 = tpu.memref_slice %arg14[%dma_start3A_208] : memref<2x!tpu.dma_semaphore, #tpu.memory_space<semaphore_mem>> -> memref<1x!tpu.dma_semaphore, #tpu.memory_space<semaphore_mem>>
      %dma_start3A_220 = tpu.memref_squeeze %dma_start3A_219 : memref<1x!tpu.dma_semaphore, #tpu.memory_space<semaphore_mem>> -> memref<!tpu.dma_semaphore, #tpu.memory_space<semaphore_mem>>
      tpu.enqueue_indirect_dma source(%dma_start3A_212 : memref<128x128xf32, #tpu.memory_space<vmem>>) target(%dma_start3A_218 : memref<10240x128xf32, #tpu.memory_space<vmem_shared>>) offsets(%dma_start3A_215 : memref<128xi32, #tpu.memory_space<vmem>>) semaphore(%dma_start3A_220 : memref<!tpu.dma_semaphore, #tpu.memory_space<semaphore_mem>>) {add = true}
      %mul3A_221 = arith.constant 8 : i32
      %mul3A_222 = arith.muli %scan3A_93, %mul3A_221 : i32
      %add3A_223 = arith.constant 7 : i32
      %add3A_224 = arith.addi %mul3A_222, %add3A_223 : i32
      %dma_start3A_225 = arith.constant 0 : i32
      %dma_start3A_226 = arith.constant 0 : i32
      %dma_start3A_227 = arith.constant 0 : i32
      %dma_start3A_228 = arith.constant 0 : i32
      %dma_start3A_229 = tpu.memref_slice %arg11[%dma_start3A_225, %dma_start3A_227, %dma_start3A_228] : memref<2x128x128xf32, #tpu.memory_space<vmem>> -> memref<1x128x128xf32, #tpu.memory_space<vmem>>
      %dma_start3A_230 = tpu.memref_squeeze %dma_start3A_229 : memref<1x128x128xf32, #tpu.memory_space<vmem>> -> memref<128x128xf32, #tpu.memory_space<vmem>>
      %dma_start3A_231 = arith.constant 0 : i32
      %dma_start3A_232 = tpu.memref_slice %arg10[%add3A_224, %dma_start3A_231] : memref<80x128xi32, #tpu.memory_space<vmem>> -> memref<1x128xi32, #tpu.memory_space<vmem>>
      %dma_start3A_233 = tpu.memref_squeeze %dma_start3A_232 : memref<1x128xi32, #tpu.memory_space<vmem>> -> memref<128xi32, #tpu.memory_space<vmem>>
      %dma_start3A_234 = arith.constant 0 : i32
      %dma_start3A_235 = arith.constant 0 : i32
      %dma_start3A_236 = tpu.memref_slice %arg12[%dma_start3A_234, %dma_start3A_235] : memref<10240x128xf32, #tpu.memory_space<vmem_shared>> -> memref<10240x128xf32, #tpu.memory_space<vmem_shared>>
      %dma_start3A_237 = tpu.memref_slice %arg14[%dma_start3A_226] : memref<2x!tpu.dma_semaphore, #tpu.memory_space<semaphore_mem>> -> memref<1x!tpu.dma_semaphore, #tpu.memory_space<semaphore_mem>>
      %dma_start3A_238 = tpu.memref_squeeze %dma_start3A_237 : memref<1x!tpu.dma_semaphore, #tpu.memory_space<semaphore_mem>> -> memref<!tpu.dma_semaphore, #tpu.memory_space<semaphore_mem>>
      tpu.enqueue_indirect_dma source(%dma_start3A_230 : memref<128x128xf32, #tpu.memory_space<vmem>>) target(%dma_start3A_236 : memref<10240x128xf32, #tpu.memory_space<vmem_shared>>) offsets(%dma_start3A_233 : memref<128xi32, #tpu.memory_space<vmem>>) semaphore(%dma_start3A_238 : memref<!tpu.dma_semaphore, #tpu.memory_space<semaphore_mem>>) {add = true}
      %dma_wait3A_239 = arith.constant 0 : i32
      %dma_wait3A_240 = arith.constant 0 : i32
      %dma_wait3A_241 = arith.constant 0 : i32
      %dma_wait3A_242 = arith.constant 0 : i32
      %dma_wait3A_243 = arith.constant 0 : i32
      %dma_wait3A_244 = tpu.memref_slice %arg11[%dma_wait3A_239, %dma_wait3A_242, %dma_wait3A_243] : memref<2x128x128xf32, #tpu.memory_space<vmem>> -> memref<1x128x128xf32, #tpu.memory_space<vmem>>
      %dma_wait3A_245 = tpu.memref_squeeze %dma_wait3A_244 : memref<1x128x128xf32, #tpu.memory_space<vmem>> -> memref<128x128xf32, #tpu.memory_space<vmem>>
      %dma_wait3A_246 = arith.constant 0 : i32
      %dma_wait3A_247 = tpu.memref_slice %arg10[%dma_wait3A_240, %dma_wait3A_246] : memref<80x128xi32, #tpu.memory_space<vmem>> -> memref<1x128xi32, #tpu.memory_space<vmem>>
      %dma_wait3A_248 = tpu.memref_squeeze %dma_wait3A_247 : memref<1x128xi32, #tpu.memory_space<vmem>> -> memref<128xi32, #tpu.memory_space<vmem>>
      %dma_wait3A_249 = arith.constant 0 : i32
      %dma_wait3A_250 = arith.constant 0 : i32
      %dma_wait3A_251 = tpu.memref_slice %arg12[%dma_wait3A_249, %dma_wait3A_250] : memref<10240x128xf32, #tpu.memory_space<vmem_shared>> -> memref<10240x128xf32, #tpu.memory_space<vmem_shared>>
      %dma_wait3A_252 = tpu.memref_slice %arg14[%dma_wait3A_241] : memref<2x!tpu.dma_semaphore, #tpu.memory_space<semaphore_mem>> -> memref<1x!tpu.dma_semaphore, #tpu.memory_space<semaphore_mem>>
      %dma_wait3A_253 = tpu.memref_squeeze %dma_wait3A_252 : memref<1x!tpu.dma_semaphore, #tpu.memory_space<semaphore_mem>> -> memref<!tpu.dma_semaphore, #tpu.memory_space<semaphore_mem>>
      tpu.wait_indirect_dma semaphore(%dma_wait3A_253 : memref<!tpu.dma_semaphore, #tpu.memory_space<semaphore_mem>>) src(%dma_wait3A_245 : memref<128x128xf32, #tpu.memory_space<vmem>>) dst(%dma_wait3A_251 : memref<10240x128xf32, #tpu.memory_space<vmem_shared>>)
      %dma_wait3A_254 = arith.constant 0 : i32
      %dma_wait3A_255 = arith.constant 0 : i32
      %dma_wait3A_256 = arith.constant 0 : i32
      %dma_wait3A_257 = arith.constant 0 : i32
      %dma_wait3A_258 = arith.constant 0 : i32
      %dma_wait3A_259 = tpu.memref_slice %arg11[%dma_wait3A_254, %dma_wait3A_257, %dma_wait3A_258] : memref<2x128x128xf32, #tpu.memory_space<vmem>> -> memref<1x128x128xf32, #tpu.memory_space<vmem>>
      %dma_wait3A_260 = tpu.memref_squeeze %dma_wait3A_259 : memref<1x128x128xf32, #tpu.memory_space<vmem>> -> memref<128x128xf32, #tpu.memory_space<vmem>>
      %dma_wait3A_261 = arith.constant 0 : i32
      %dma_wait3A_262 = tpu.memref_slice %arg10[%dma_wait3A_255, %dma_wait3A_261] : memref<80x128xi32, #tpu.memory_space<vmem>> -> memref<1x128xi32, #tpu.memory_space<vmem>>
      %dma_wait3A_263 = tpu.memref_squeeze %dma_wait3A_262 : memref<1x128xi32, #tpu.memory_space<vmem>> -> memref<128xi32, #tpu.memory_space<vmem>>
      %dma_wait3A_264 = arith.constant 0 : i32
      %dma_wait3A_265 = arith.constant 0 : i32
      %dma_wait3A_266 = tpu.memref_slice %arg12[%dma_wait3A_264, %dma_wait3A_265] : memref<10240x128xf32, #tpu.memory_space<vmem_shared>> -> memref<10240x128xf32, #tpu.memory_space<vmem_shared>>
      %dma_wait3A_267 = tpu.memref_slice %arg14[%dma_wait3A_256] : memref<2x!tpu.dma_semaphore, #tpu.memory_space<semaphore_mem>> -> memref<1x!tpu.dma_semaphore, #tpu.memory_space<semaphore_mem>>
      %dma_wait3A_268 = tpu.memref_squeeze %dma_wait3A_267 : memref<1x!tpu.dma_semaphore, #tpu.memory_space<semaphore_mem>> -> memref<!tpu.dma_semaphore, #tpu.memory_space<semaphore_mem>>
      tpu.wait_indirect_dma semaphore(%dma_wait3A_268 : memref<!tpu.dma_semaphore, #tpu.memory_space<semaphore_mem>>) src(%dma_wait3A_260 : memref<128x128xf32, #tpu.memory_space<vmem>>) dst(%dma_wait3A_266 : memref<10240x128xf32, #tpu.memory_space<vmem_shared>>)
      %dma_wait3A_269 = arith.constant 0 : i32
      %dma_wait3A_270 = arith.constant 0 : i32
      %dma_wait3A_271 = arith.constant 0 : i32
      %dma_wait3A_272 = arith.constant 0 : i32
      %dma_wait3A_273 = arith.constant 0 : i32
      %dma_wait3A_274 = tpu.memref_slice %arg11[%dma_wait3A_269, %dma_wait3A_272, %dma_wait3A_273] : memref<2x128x128xf32, #tpu.memory_space<vmem>> -> memref<1x128x128xf32, #tpu.memory_space<vmem>>
      %dma_wait3A_275 = tpu.memref_squeeze %dma_wait3A_274 : memref<1x128x128xf32, #tpu.memory_space<vmem>> -> memref<128x128xf32, #tpu.memory_space<vmem>>
      %dma_wait3A_276 = arith.constant 0 : i32
      %dma_wait3A_277 = tpu.memref_slice %arg10[%dma_wait3A_270, %dma_wait3A_276] : memref<80x128xi32, #tpu.memory_space<vmem>> -> memref<1x128xi32, #tpu.memory_space<vmem>>
      %dma_wait3A_278 = tpu.memref_squeeze %dma_wait3A_277 : memref<1x128xi32, #tpu.memory_space<vmem>> -> memref<128xi32, #tpu.memory_space<vmem>>
      %dma_wait3A_279 = arith.constant 0 : i32
      %dma_wait3A_280 = arith.constant 0 : i32
      %dma_wait3A_281 = tpu.memref_slice %arg12[%dma_wait3A_279, %dma_wait3A_280] : memref<10240x128xf32, #tpu.memory_space<vmem_shared>> -> memref<10240x128xf32, #tpu.memory_space<vmem_shared>>
      %dma_wait3A_282 = tpu.memref_slice %arg14[%dma_wait3A_271] : memref<2x!tpu.dma_semaphore, #tpu.memory_space<semaphore_mem>> -> memref<1x!tpu.dma_semaphore, #tpu.memory_space<semaphore_mem>>
      %dma_wait3A_283 = tpu.memref_squeeze %dma_wait3A_282 : memref<1x!tpu.dma_semaphore, #tpu.memory_space<semaphore_mem>> -> memref<!tpu.dma_semaphore, #tpu.memory_space<semaphore_mem>>
      tpu.wait_indirect_dma semaphore(%dma_wait3A_283 : memref<!tpu.dma_semaphore, #tpu.memory_space<semaphore_mem>>) src(%dma_wait3A_275 : memref<128x128xf32, #tpu.memory_space<vmem>>) dst(%dma_wait3A_281 : memref<10240x128xf32, #tpu.memory_space<vmem_shared>>)
      %dma_wait3A_284 = arith.constant 0 : i32
      %dma_wait3A_285 = arith.constant 0 : i32
      %dma_wait3A_286 = arith.constant 0 : i32
      %dma_wait3A_287 = arith.constant 0 : i32
      %dma_wait3A_288 = arith.constant 0 : i32
      %dma_wait3A_289 = tpu.memref_slice %arg11[%dma_wait3A_284, %dma_wait3A_287, %dma_wait3A_288] : memref<2x128x128xf32, #tpu.memory_space<vmem>> -> memref<1x128x128xf32, #tpu.memory_space<vmem>>
      %dma_wait3A_290 = tpu.memref_squeeze %dma_wait3A_289 : memref<1x128x128xf32, #tpu.memory_space<vmem>> -> memref<128x128xf32, #tpu.memory_space<vmem>>
      %dma_wait3A_291 = arith.constant 0 : i32
      %dma_wait3A_292 = tpu.memref_slice %arg10[%dma_wait3A_285, %dma_wait3A_291] : memref<80x128xi32, #tpu.memory_space<vmem>> -> memref<1x128xi32, #tpu.memory_space<vmem>>
      %dma_wait3A_293 = tpu.memref_squeeze %dma_wait3A_292 : memref<1x128xi32, #tpu.memory_space<vmem>> -> memref<128xi32, #tpu.memory_space<vmem>>
      %dma_wait3A_294 = arith.constant 0 : i32
      %dma_wait3A_295 = arith.constant 0 : i32
      %dma_wait3A_296 = tpu.memref_slice %arg12[%dma_wait3A_294, %dma_wait3A_295] : memref<10240x128xf32, #tpu.memory_space<vmem_shared>> -> memref<10240x128xf32, #tpu.memory_space<vmem_shared>>
      %dma_wait3A_297 = tpu.memref_slice %arg14[%dma_wait3A_286] : memref<2x!tpu.dma_semaphore, #tpu.memory_space<semaphore_mem>> -> memref<1x!tpu.dma_semaphore, #tpu.memory_space<semaphore_mem>>
      %dma_wait3A_298 = tpu.memref_squeeze %dma_wait3A_297 : memref<1x!tpu.dma_semaphore, #tpu.memory_space<semaphore_mem>> -> memref<!tpu.dma_semaphore, #tpu.memory_space<semaphore_mem>>
      tpu.wait_indirect_dma semaphore(%dma_wait3A_298 : memref<!tpu.dma_semaphore, #tpu.memory_space<semaphore_mem>>) src(%dma_wait3A_290 : memref<128x128xf32, #tpu.memory_space<vmem>>) dst(%dma_wait3A_296 : memref<10240x128xf32, #tpu.memory_space<vmem_shared>>)
      %dma_wait3A_299 = arith.constant 0 : i32
      %dma_wait3A_300 = arith.constant 0 : i32
      %dma_wait3A_301 = arith.constant 0 : i32
      %dma_wait3A_302 = arith.constant 0 : i32
      %dma_wait3A_303 = arith.constant 0 : i32
      %dma_wait3A_304 = tpu.memref_slice %arg11[%dma_wait3A_299, %dma_wait3A_302, %dma_wait3A_303] : memref<2x128x128xf32, #tpu.memory_space<vmem>> -> memref<1x128x128xf32, #tpu.memory_space<vmem>>
      %dma_wait3A_305 = tpu.memref_squeeze %dma_wait3A_304 : memref<1x128x128xf32, #tpu.memory_space<vmem>> -> memref<128x128xf32, #tpu.memory_space<vmem>>
      %dma_wait3A_306 = arith.constant 0 : i32
      %dma_wait3A_307 = tpu.memref_slice %arg10[%dma_wait3A_300, %dma_wait3A_306] : memref<80x128xi32, #tpu.memory_space<vmem>> -> memref<1x128xi32, #tpu.memory_space<vmem>>
      %dma_wait3A_308 = tpu.memref_squeeze %dma_wait3A_307 : memref<1x128xi32, #tpu.memory_space<vmem>> -> memref<128xi32, #tpu.memory_space<vmem>>
      %dma_wait3A_309 = arith.constant 0 : i32
      %dma_wait3A_310 = arith.constant 0 : i32
      %dma_wait3A_311 = tpu.memref_slice %arg12[%dma_wait3A_309, %dma_wait3A_310] : memref<10240x128xf32, #tpu.memory_space<vmem_shared>> -> memref<10240x128xf32, #tpu.memory_space<vmem_shared>>
      %dma_wait3A_312 = tpu.memref_slice %arg14[%dma_wait3A_301] : memref<2x!tpu.dma_semaphore, #tpu.memory_space<semaphore_mem>> -> memref<1x!tpu.dma_semaphore, #tpu.memory_space<semaphore_mem>>
      %dma_wait3A_313 = tpu.memref_squeeze %dma_wait3A_312 : memref<1x!tpu.dma_semaphore, #tpu.memory_space<semaphore_mem>> -> memref<!tpu.dma_semaphore, #tpu.memory_space<semaphore_mem>>
      tpu.wait_indirect_dma semaphore(%dma_wait3A_313 : memref<!tpu.dma_semaphore, #tpu.memory_space<semaphore_mem>>) src(%dma_wait3A_305 : memref<128x128xf32, #tpu.memory_space<vmem>>) dst(%dma_wait3A_311 : memref<10240x128xf32, #tpu.memory_space<vmem_shared>>)
      %dma_wait3A_314 = arith.constant 0 : i32
      %dma_wait3A_315 = arith.constant 0 : i32
      %dma_wait3A_316 = arith.constant 0 : i32
      %dma_wait3A_317 = arith.constant 0 : i32
      %dma_wait3A_318 = arith.constant 0 : i32
      %dma_wait3A_319 = tpu.memref_slice %arg11[%dma_wait3A_314, %dma_wait3A_317, %dma_wait3A_318] : memref<2x128x128xf32, #tpu.memory_space<vmem>> -> memref<1x128x128xf32, #tpu.memory_space<vmem>>
      %dma_wait3A_320 = tpu.memref_squeeze %dma_wait3A_319 : memref<1x128x128xf32, #tpu.memory_space<vmem>> -> memref<128x128xf32, #tpu.memory_space<vmem>>
      %dma_wait3A_321 = arith.constant 0 : i32
      %dma_wait3A_322 = tpu.memref_slice %arg10[%dma_wait3A_315, %dma_wait3A_321] : memref<80x128xi32, #tpu.memory_space<vmem>> -> memref<1x128xi32, #tpu.memory_space<vmem>>
      %dma_wait3A_323 = tpu.memref_squeeze %dma_wait3A_322 : memref<1x128xi32, #tpu.memory_space<vmem>> -> memref<128xi32, #tpu.memory_space<vmem>>
      %dma_wait3A_324 = arith.constant 0 : i32
      %dma_wait3A_325 = arith.constant 0 : i32
      %dma_wait3A_326 = tpu.memref_slice %arg12[%dma_wait3A_324, %dma_wait3A_325] : memref<10240x128xf32, #tpu.memory_space<vmem_shared>> -> memref<10240x128xf32, #tpu.memory_space<vmem_shared>>
      %dma_wait3A_327 = tpu.memref_slice %arg14[%dma_wait3A_316] : memref<2x!tpu.dma_semaphore, #tpu.memory_space<semaphore_mem>> -> memref<1x!tpu.dma_semaphore, #tpu.memory_space<semaphore_mem>>
      %dma_wait3A_328 = tpu.memref_squeeze %dma_wait3A_327 : memref<1x!tpu.dma_semaphore, #tpu.memory_space<semaphore_mem>> -> memref<!tpu.dma_semaphore, #tpu.memory_space<semaphore_mem>>
      tpu.wait_indirect_dma semaphore(%dma_wait3A_328 : memref<!tpu.dma_semaphore, #tpu.memory_space<semaphore_mem>>) src(%dma_wait3A_320 : memref<128x128xf32, #tpu.memory_space<vmem>>) dst(%dma_wait3A_326 : memref<10240x128xf32, #tpu.memory_space<vmem_shared>>)
      %dma_wait3A_329 = arith.constant 0 : i32
      %dma_wait3A_330 = arith.constant 0 : i32
      %dma_wait3A_331 = arith.constant 0 : i32
      %dma_wait3A_332 = arith.constant 0 : i32
      %dma_wait3A_333 = arith.constant 0 : i32
      %dma_wait3A_334 = tpu.memref_slice %arg11[%dma_wait3A_329, %dma_wait3A_332, %dma_wait3A_333] : memref<2x128x128xf32, #tpu.memory_space<vmem>> -> memref<1x128x128xf32, #tpu.memory_space<vmem>>
      %dma_wait3A_335 = tpu.memref_squeeze %dma_wait3A_334 : memref<1x128x128xf32, #tpu.memory_space<vmem>> -> memref<128x128xf32, #tpu.memory_space<vmem>>
      %dma_wait3A_336 = arith.constant 0 : i32
      %dma_wait3A_337 = tpu.memref_slice %arg10[%dma_wait3A_330, %dma_wait3A_336] : memref<80x128xi32, #tpu.memory_space<vmem>> -> memref<1x128xi32, #tpu.memory_space<vmem>>
      %dma_wait3A_338 = tpu.memref_squeeze %dma_wait3A_337 : memref<1x128xi32, #tpu.memory_space<vmem>> -> memref<128xi32, #tpu.memory_space<vmem>>
      %dma_wait3A_339 = arith.constant 0 : i32
      %dma_wait3A_340 = arith.constant 0 : i32
      %dma_wait3A_341 = tpu.memref_slice %arg12[%dma_wait3A_339, %dma_wait3A_340] : memref<10240x128xf32, #tpu.memory_space<vmem_shared>> -> memref<10240x128xf32, #tpu.memory_space<vmem_shared>>
      %dma_wait3A_342 = tpu.memref_slice %arg14[%dma_wait3A_331] : memref<2x!tpu.dma_semaphore, #tpu.memory_space<semaphore_mem>> -> memref<1x!tpu.dma_semaphore, #tpu.memory_space<semaphore_mem>>
      %dma_wait3A_343 = tpu.memref_squeeze %dma_wait3A_342 : memref<1x!tpu.dma_semaphore, #tpu.memory_space<semaphore_mem>> -> memref<!tpu.dma_semaphore, #tpu.memory_space<semaphore_mem>>
      tpu.wait_indirect_dma semaphore(%dma_wait3A_343 : memref<!tpu.dma_semaphore, #tpu.memory_space<semaphore_mem>>) src(%dma_wait3A_335 : memref<128x128xf32, #tpu.memory_space<vmem>>) dst(%dma_wait3A_341 : memref<10240x128xf32, #tpu.memory_space<vmem_shared>>)
      %dma_wait3A_344 = arith.constant 0 : i32
      %dma_wait3A_345 = arith.constant 0 : i32
      %dma_wait3A_346 = arith.constant 0 : i32
      %dma_wait3A_347 = arith.constant 0 : i32
      %dma_wait3A_348 = arith.constant 0 : i32
      %dma_wait3A_349 = tpu.memref_slice %arg11[%dma_wait3A_344, %dma_wait3A_347, %dma_wait3A_348] : memref<2x128x128xf32, #tpu.memory_space<vmem>> -> memref<1x128x128xf32, #tpu.memory_space<vmem>>
      %dma_wait3A_350 = tpu.memref_squeeze %dma_wait3A_349 : memref<1x128x128xf32, #tpu.memory_space<vmem>> -> memref<128x128xf32, #tpu.memory_space<vmem>>
      %dma_wait3A_351 = arith.constant 0 : i32
      %dma_wait3A_352 = tpu.memref_slice %arg10[%dma_wait3A_345, %dma_wait3A_351] : memref<80x128xi32, #tpu.memory_space<vmem>> -> memref<1x128xi32, #tpu.memory_space<vmem>>
      %dma_wait3A_353 = tpu.memref_squeeze %dma_wait3A_352 : memref<1x128xi32, #tpu.memory_space<vmem>> -> memref<128xi32, #tpu.memory_space<vmem>>
      %dma_wait3A_354 = arith.constant 0 : i32
      %dma_wait3A_355 = arith.constant 0 : i32
      %dma_wait3A_356 = tpu.memref_slice %arg12[%dma_wait3A_354, %dma_wait3A_355] : memref<10240x128xf32, #tpu.memory_space<vmem_shared>> -> memref<10240x128xf32, #tpu.memory_space<vmem_shared>>
      %dma_wait3A_357 = tpu.memref_slice %arg14[%dma_wait3A_346] : memref<2x!tpu.dma_semaphore, #tpu.memory_space<semaphore_mem>> -> memref<1x!tpu.dma_semaphore, #tpu.memory_space<semaphore_mem>>
      %dma_wait3A_358 = tpu.memref_squeeze %dma_wait3A_357 : memref<1x!tpu.dma_semaphore, #tpu.memory_space<semaphore_mem>> -> memref<!tpu.dma_semaphore, #tpu.memory_space<semaphore_mem>>
      tpu.wait_indirect_dma semaphore(%dma_wait3A_358 : memref<!tpu.dma_semaphore, #tpu.memory_space<semaphore_mem>>) src(%dma_wait3A_350 : memref<128x128xf32, #tpu.memory_space<vmem>>) dst(%dma_wait3A_356 : memref<10240x128xf32, #tpu.memory_space<vmem_shared>>)
      %scan3A_359 = arith.constant 0 : i32
      scf.yield %scan3A_359 : i32
    }
    %scan3A_16 = arith.constant 10 : i32
    %barrier3A_17 = arith.constant 0 : index
    tpu.barrier barrier_id(%barrier3A_17)
    %scan3A_18 = arith.constant 0 : i32
    %scan3A_19 = arith.constant 0 : i32
    %scan3A_20 = arith.constant 5 : i32
    %scan3A_21 = arith.addi %scan3A_19, %scan3A_20 : i32
    %scan3A_22 = arith.constant 1 : i32
    %scan3A_23 = scf.for %scan3A_93 = %scan3A_19 to %scan3A_21 step %scan3A_22 iter_args(%scan3A_94 = %scan3A_18) -> (i32)  : i32 {
      %mul3A_95 = arith.constant 640 : i32
      %mul3A_96 = arith.muli %arg1, %mul3A_95 : i32
      %mul3A_97 = arith.constant 128 : i32
      %mul3A_98 = arith.muli %scan3A_93, %mul3A_97 : i32
      %add3A_99 = arith.addi %mul3A_96, %mul3A_98 : i32
      %mul3A_100 = arith.constant 10240 : i32
      %mul3A_101 = arith.muli %arg0, %mul3A_100 : i32
      %add3A_102 = arith.addi %mul3A_101, %add3A_99 : i32
      "tpu.region"() ({
        %run_scoped3A_104 = tpu.sem_alloc : memref<!tpu.dma_semaphore, #tpu.memory_space<semaphore_mem>>
        %dma_start3A_105 = arith.constant 0 : i32
        %dma_start3A_106 = tpu.memref_slice %arg8[%add3A_102, %dma_start3A_105] : memref<20480x128xf32, #tpu.memory_space<hbm>> -> memref<128x128xf32, #tpu.memory_space<hbm>>
        %dma_start3A_107 = arith.constant 0 : i32
        %dma_start3A_108 = tpu.memref_slice %arg12[%add3A_99, %dma_start3A_107] : memref<10240x128xf32, #tpu.memory_space<vmem_shared>> -> memref<128x128xf32, #tpu.memory_space<vmem_shared>>
        tpu.enqueue_dma source(%dma_start3A_108 : memref<128x128xf32, #tpu.memory_space<vmem_shared>>) target(%dma_start3A_106 : memref<128x128xf32, #tpu.memory_space<hbm>>) target_semaphore(%run_scoped3A_104 : memref<!tpu.dma_semaphore, #tpu.memory_space<semaphore_mem>>)
        %dma_wait3A_109 = arith.constant 0 : i32
        %dma_wait3A_110 = tpu.memref_slice %arg8[%add3A_102, %dma_wait3A_109] : memref<20480x128xf32, #tpu.memory_space<hbm>> -> memref<128x128xf32, #tpu.memory_space<hbm>>
        %dma_wait3A_111 = arith.constant 0 : i32
        %dma_wait3A_112 = tpu.memref_slice %arg12[%add3A_99, %dma_wait3A_111] : memref<10240x128xf32, #tpu.memory_space<vmem_shared>> -> memref<128x128xf32, #tpu.memory_space<vmem_shared>>
        tpu.wait_dma2 semaphore(%run_scoped3A_104 : memref<!tpu.dma_semaphore, #tpu.memory_space<semaphore_mem>>) src(%dma_wait3A_112 : memref<128x128xf32, #tpu.memory_space<vmem_shared>>) dst(%dma_wait3A_110 : memref<128x128xf32, #tpu.memory_space<hbm>>)
        tpu.yield
      }) : () -> ()
      %scan3A_103 = arith.constant 0 : i32
      scf.yield %scan3A_103 : i32
    }
    %scan3A_24 = arith.constant 5 : i32
    %scan3A_25 = arith.constant 0 : i32
    %scan3A_26 = arith.constant 0 : i32
    %scan3A_27 = arith.constant 5 : i32
    %scan3A_28 = arith.addi %scan3A_26, %scan3A_27 : i32
    %scan3A_29 = arith.constant 1 : i32
    %scan3A_30 = scf.for %scan3A_93 = %scan3A_26 to %scan3A_28 step %scan3A_29 iter_args(%scan3A_94 = %scan3A_25) -> (i32)  : i32 {
      %mul3A_95 = arith.constant 640 : i32
      %mul3A_96 = arith.muli %arg1, %mul3A_95 : i32
      %mul3A_97 = arith.constant 128 : i32
      %mul3A_98 = arith.muli %scan3A_93, %mul3A_97 : i32
      %add3A_99 = arith.addi %mul3A_96, %mul3A_98 : i32
      %run_scoped3A_100 = arith.constant 1 : i32
      "tpu.region"() ({
        %run_scoped3A_102 = tpu.sem_alloc : memref<!tpu.dma_semaphore, #tpu.memory_space<semaphore_mem>>
        %dma_start3A_103 = arith.constant 0 : i32
        %dma_start3A_104 = arith.constant 0 : i32
        %dma_start3A_105 = tpu.memref_slice %arg11[%run_scoped3A_100, %dma_start3A_103, %dma_start3A_104] : memref<2x128x128xf32, #tpu.memory_space<vmem>> -> memref<1x128x128xf32, #tpu.memory_space<vmem>>
        %dma_start3A_106 = tpu.memref_squeeze %dma_start3A_105 : memref<1x128x128xf32, #tpu.memory_space<vmem>> -> memref<128x128xf32, #tpu.memory_space<vmem>>
        %dma_start3A_107 = arith.constant 0 : i32
        %dma_start3A_108 = tpu.memref_slice %arg12[%add3A_99, %dma_start3A_107] : memref<10240x128xf32, #tpu.memory_space<vmem_shared>> -> memref<128x128xf32, #tpu.memory_space<vmem_shared>>
        %dma_start3A_109 = arith.constant 0 : i32
        %dma_start3A_110 = tpu.memref_slice %arg12[%add3A_99, %dma_start3A_109] : memref<10240x128xf32, #tpu.memory_space<vmem_shared>> -> memref<128x128xf32, #tpu.memory_space<vmem_shared>>
        %dma_start3A_111 = arith.constant 0 : i32
        %dma_start3A_112 = arith.constant 0 : i32
        %dma_start3A_113 = tpu.memref_slice %arg11[%run_scoped3A_100, %dma_start3A_111, %dma_start3A_112] : memref<2x128x128xf32, #tpu.memory_space<vmem>> -> memref<1x128x128xf32, #tpu.memory_space<vmem>>
        %dma_start3A_114 = tpu.memref_squeeze %dma_start3A_113 : memref<1x128x128xf32, #tpu.memory_space<vmem>> -> memref<128x128xf32, #tpu.memory_space<vmem>>
        tpu.enqueue_dma source(%dma_start3A_114 : memref<128x128xf32, #tpu.memory_space<vmem>>) target(%dma_start3A_110 : memref<128x128xf32, #tpu.memory_space<vmem_shared>>) target_semaphore(%run_scoped3A_102 : memref<!tpu.dma_semaphore, #tpu.memory_space<semaphore_mem>>)
        %dma_wait3A_115 = arith.constant 0 : i32
        %dma_wait3A_116 = arith.constant 0 : i32
        %dma_wait3A_117 = tpu.memref_slice %arg11[%run_scoped3A_100, %dma_wait3A_115, %dma_wait3A_116] : memref<2x128x128xf32, #tpu.memory_space<vmem>> -> memref<1x128x128xf32, #tpu.memory_space<vmem>>
        %dma_wait3A_118 = tpu.memref_squeeze %dma_wait3A_117 : memref<1x128x128xf32, #tpu.memory_space<vmem>> -> memref<128x128xf32, #tpu.memory_space<vmem>>
        %dma_wait3A_119 = arith.constant 0 : i32
        %dma_wait3A_120 = tpu.memref_slice %arg12[%add3A_99, %dma_wait3A_119] : memref<10240x128xf32, #tpu.memory_space<vmem_shared>> -> memref<128x128xf32, #tpu.memory_space<vmem_shared>>
        %dma_wait3A_121 = arith.constant 0 : i32
        %dma_wait3A_122 = tpu.memref_slice %arg12[%add3A_99, %dma_wait3A_121] : memref<10240x128xf32, #tpu.memory_space<vmem_shared>> -> memref<128x128xf32, #tpu.memory_space<vmem_shared>>
        %dma_wait3A_123 = arith.constant 0 : i32
        %dma_wait3A_124 = arith.constant 0 : i32
        %dma_wait3A_125 = tpu.memref_slice %arg11[%run_scoped3A_100, %dma_wait3A_123, %dma_wait3A_124] : memref<2x128x128xf32, #tpu.memory_space<vmem>> -> memref<1x128x128xf32, #tpu.memory_space<vmem>>
        %dma_wait3A_126 = tpu.memref_squeeze %dma_wait3A_125 : memref<1x128x128xf32, #tpu.memory_space<vmem>> -> memref<128x128xf32, #tpu.memory_space<vmem>>
        tpu.wait_dma2 semaphore(%run_scoped3A_102 : memref<!tpu.dma_semaphore, #tpu.memory_space<semaphore_mem>>) src(%dma_wait3A_126 : memref<128x128xf32, #tpu.memory_space<vmem>>) dst(%dma_wait3A_122 : memref<128x128xf32, #tpu.memory_space<vmem_shared>>)
        tpu.yield
      }) : () -> ()
      %scan3A_101 = arith.constant 0 : i32
      scf.yield %scan3A_101 : i32
    }
    %scan3A_31 = arith.constant 5 : i32
    %barrier3A_32 = arith.constant 0 : index
    tpu.barrier barrier_id(%barrier3A_32)
    %mul3A_33 = arith.constant 80 : i32
    %mul3A_34 = arith.muli %add3A, %mul3A_33 : i32
    "tpu.region"() ({
      %run_scoped3A_93 = tpu.sem_alloc : memref<!tpu.dma_semaphore, #tpu.memory_space<semaphore_mem>>
      %dma_start3A_94 = arith.constant 0 : i32
      %dma_start3A_95 = arith.constant 0 : i32
      %dma_start3A_96 = tpu.memref_slice %arg9[%dma_start3A_94, %dma_start3A_95] : memref<2x128xi32, #tpu.memory_space<vmem>> -> memref<1x128xi32, #tpu.memory_space<vmem>>
      %dma_start3A_97 = arith.constant 0 : i32
      %dma_start3A_98 = tpu.memref_slice %arg3[%mul3A_34, %dma_start3A_97] : memref<2560x128xi32, #tpu.memory_space<hbm>> -> memref<1x128xi32, #tpu.memory_space<hbm>>
      %dma_start3A_99 = arith.constant 0 : i32
      %dma_start3A_100 = arith.constant 0 : i32
      %dma_start3A_101 = tpu.memref_slice %arg9[%dma_start3A_99, %dma_start3A_100] : memref<2x128xi32, #tpu.memory_space<vmem>> -> memref<1x128xi32, #tpu.memory_space<vmem>>
      %dma_start3A_102 = arith.constant 0 : i32
      %dma_start3A_103 = tpu.memref_slice %arg3[%mul3A_34, %dma_start3A_102] : memref<2560x128xi32, #tpu.memory_space<hbm>> -> memref<1x128xi32, #tpu.memory_space<hbm>>
      tpu.enqueue_dma source(%dma_start3A_103 : memref<1x128xi32, #tpu.memory_space<hbm>>) target(%dma_start3A_101 : memref<1x128xi32, #tpu.memory_space<vmem>>) target_semaphore(%run_scoped3A_93 : memref<!tpu.dma_semaphore, #tpu.memory_space<semaphore_mem>>)
      %dma_wait3A_104 = arith.constant 0 : i32
      %dma_wait3A_105 = arith.constant 0 : i32
      %dma_wait3A_106 = tpu.memref_slice %arg9[%dma_wait3A_104, %dma_wait3A_105] : memref<2x128xi32, #tpu.memory_space<vmem>> -> memref<1x128xi32, #tpu.memory_space<vmem>>
      %dma_wait3A_107 = arith.constant 0 : i32
      %dma_wait3A_108 = tpu.memref_slice %arg3[%mul3A_34, %dma_wait3A_107] : memref<2560x128xi32, #tpu.memory_space<hbm>> -> memref<1x128xi32, #tpu.memory_space<hbm>>
      %dma_wait3A_109 = arith.constant 0 : i32
      %dma_wait3A_110 = arith.constant 0 : i32
      %dma_wait3A_111 = tpu.memref_slice %arg9[%dma_wait3A_109, %dma_wait3A_110] : memref<2x128xi32, #tpu.memory_space<vmem>> -> memref<1x128xi32, #tpu.memory_space<vmem>>
      %dma_wait3A_112 = arith.constant 0 : i32
      %dma_wait3A_113 = tpu.memref_slice %arg3[%mul3A_34, %dma_wait3A_112] : memref<2560x128xi32, #tpu.memory_space<hbm>> -> memref<1x128xi32, #tpu.memory_space<hbm>>
      tpu.wait_dma2 semaphore(%run_scoped3A_93 : memref<!tpu.dma_semaphore, #tpu.memory_space<semaphore_mem>>) src(%dma_wait3A_113 : memref<1x128xi32, #tpu.memory_space<hbm>>) dst(%dma_wait3A_111 : memref<1x128xi32, #tpu.memory_space<vmem>>)
      tpu.yield
    }) : () -> ()
    %dma_start3A = arith.constant 0 : i32
    %dma_start3A_35 = arith.constant 0 : i32
    %dma_start3A_36 = arith.constant 0 : i32
    %dma_start3A_37 = arith.constant 0 : i32
    %dma_start3A_38 = arith.constant 0 : i32
    %dma_start3A_39 = tpu.memref_slice %arg11[%dma_start3A_35, %dma_start3A_37, %dma_start3A_38] : memref<2x128x128xf32, #tpu.memory_space<vmem>> -> memref<1x128x128xf32, #tpu.memory_space<vmem>>
    %dma_start3A_40 = tpu.memref_squeeze %dma_start3A_39 : memref<1x128x128xf32, #tpu.memory_space<vmem>> -> memref<128x128xf32, #tpu.memory_space<vmem>>
    %dma_start3A_41 = arith.constant 0 : i32
    %dma_start3A_42 = tpu.memref_slice %arg9[%dma_start3A, %dma_start3A_41] : memref<2x128xi32, #tpu.memory_space<vmem>> -> memref<1x128xi32, #tpu.memory_space<vmem>>
    %dma_start3A_43 = tpu.memref_squeeze %dma_start3A_42 : memref<1x128xi32, #tpu.memory_space<vmem>> -> memref<128xi32, #tpu.memory_space<vmem>>
    %dma_start3A_44 = arith.constant 0 : i32
    %dma_start3A_45 = arith.constant 0 : i32
    %dma_start3A_46 = tpu.memref_slice %arg2[%dma_start3A_44, %dma_start3A_45] : memref<10240x128xf32, #tpu.memory_space<hbm>> -> memref<10240x128xf32, #tpu.memory_space<hbm>>
    %dma_start3A_47 = tpu.memref_slice %arg13[%dma_start3A_36] : memref<2x!tpu.dma_semaphore, #tpu.memory_space<semaphore_mem>> -> memref<1x!tpu.dma_semaphore, #tpu.memory_space<semaphore_mem>>
    %dma_start3A_48 = tpu.memref_squeeze %dma_start3A_47 : memref<1x!tpu.dma_semaphore, #tpu.memory_space<semaphore_mem>> -> memref<!tpu.dma_semaphore, #tpu.memory_space<semaphore_mem>>
    tpu.enqueue_indirect_dma source(%dma_start3A_46 : memref<10240x128xf32, #tpu.memory_space<hbm>>) target(%dma_start3A_40 : memref<128x128xf32, #tpu.memory_space<vmem>>) offsets(%dma_start3A_43 : memref<128xi32, #tpu.memory_space<vmem>>) semaphore(%dma_start3A_48 : memref<!tpu.dma_semaphore, #tpu.memory_space<semaphore_mem>>)
    %scan3A_49 = arith.constant 0 : i32
    %scan3A_50 = arith.constant 0 : i32
    %scan3A_51 = arith.constant 80 : i32
    %scan3A_52 = arith.addi %scan3A_50, %scan3A_51 : i32
    %scan3A_53 = arith.constant 1 : i32
    %scan3A_54 = scf.for %scan3A_93 = %scan3A_50 to %scan3A_52 step %scan3A_53 iter_args(%scan3A_94 = %scan3A_49) -> (i32)  : i32 {
      %rem3A = arith.constant 2 : i32
      %rem3A_95 = arith.remsi %scan3A_93, %rem3A : i32
      %add3A_96 = arith.constant 1 : i32
      %add3A_97 = arith.addi %scan3A_93, %add3A_96 : i32
      %rem3A_98 = arith.constant 2 : i32
      %rem3A_99 = arith.remsi %add3A_97, %rem3A_98 : i32
      %add3A_100 = arith.constant 1 : i32
      %add3A_101 = arith.addi %scan3A_93, %add3A_100 : i32
      %lt3A = arith.constant 80 : i32
      %lt3A_102 = arith.cmpi slt, %add3A_101, %lt3A : i32
      %convert_element_type3A = arith.extui %lt3A_102 : i1 to i32
      %cond3A = arith.constant 0 : i32
      %cond3A_103 = arith.cmpi ne, %convert_element_type3A, %cond3A : i32
      scf.if %cond3A_103 {
        %mul3A_129 = arith.constant 80 : i32
        %mul3A_130 = arith.muli %add3A, %mul3A_129 : i32
        %add3A_131 = arith.addi %mul3A_130, %scan3A_93 : i32
        %add3A_132 = arith.constant 1 : i32
        %add3A_133 = arith.addi %add3A_131, %add3A_132 : i32
        "tpu.region"() ({
          %run_scoped3A_150 = tpu.sem_alloc : memref<!tpu.dma_semaphore, #tpu.memory_space<semaphore_mem>>
          %dma_start3A_151 = arith.constant 0 : i32
          %dma_start3A_152 = tpu.memref_slice %arg9[%rem3A_99, %dma_start3A_151] : memref<2x128xi32, #tpu.memory_space<vmem>> -> memref<1x128xi32, #tpu.memory_space<vmem>>
          %dma_start3A_153 = arith.constant 0 : i32
          %dma_start3A_154 = tpu.memref_slice %arg3[%add3A_133, %dma_start3A_153] : memref<2560x128xi32, #tpu.memory_space<hbm>> -> memref<1x128xi32, #tpu.memory_space<hbm>>
          %dma_start3A_155 = arith.constant 0 : i32
          %dma_start3A_156 = tpu.memref_slice %arg9[%rem3A_99, %dma_start3A_155] : memref<2x128xi32, #tpu.memory_space<vmem>> -> memref<1x128xi32, #tpu.memory_space<vmem>>
          %dma_start3A_157 = arith.constant 0 : i32
          %dma_start3A_158 = tpu.memref_slice %arg3[%add3A_133, %dma_start3A_157] : memref<2560x128xi32, #tpu.memory_space<hbm>> -> memref<1x128xi32, #tpu.memory_space<hbm>>
          tpu.enqueue_dma source(%dma_start3A_158 : memref<1x128xi32, #tpu.memory_space<hbm>>) target(%dma_start3A_156 : memref<1x128xi32, #tpu.memory_space<vmem>>) target_semaphore(%run_scoped3A_150 : memref<!tpu.dma_semaphore, #tpu.memory_space<semaphore_mem>>)
          %dma_wait3A_159 = arith.constant 0 : i32
          %dma_wait3A_160 = tpu.memref_slice %arg9[%rem3A_99, %dma_wait3A_159] : memref<2x128xi32, #tpu.memory_space<vmem>> -> memref<1x128xi32, #tpu.memory_space<vmem>>
          %dma_wait3A_161 = arith.constant 0 : i32
          %dma_wait3A_162 = tpu.memref_slice %arg3[%add3A_133, %dma_wait3A_161] : memref<2560x128xi32, #tpu.memory_space<hbm>> -> memref<1x128xi32, #tpu.memory_space<hbm>>
          %dma_wait3A_163 = arith.constant 0 : i32
          %dma_wait3A_164 = tpu.memref_slice %arg9[%rem3A_99, %dma_wait3A_163] : memref<2x128xi32, #tpu.memory_space<vmem>> -> memref<1x128xi32, #tpu.memory_space<vmem>>
          %dma_wait3A_165 = arith.constant 0 : i32
          %dma_wait3A_166 = tpu.memref_slice %arg3[%add3A_133, %dma_wait3A_165] : memref<2560x128xi32, #tpu.memory_space<hbm>> -> memref<1x128xi32, #tpu.memory_space<hbm>>
          tpu.wait_dma2 semaphore(%run_scoped3A_150 : memref<!tpu.dma_semaphore, #tpu.memory_space<semaphore_mem>>) src(%dma_wait3A_166 : memref<1x128xi32, #tpu.memory_space<hbm>>) dst(%dma_wait3A_164 : memref<1x128xi32, #tpu.memory_space<vmem>>)
          tpu.yield
        }) : () -> ()
        %ge3A = arith.constant 1 : i32
        %ge3A_134 = arith.cmpi sge, %scan3A_93, %ge3A : i32
        %convert_element_type3A_135 = arith.extui %ge3A_134 : i1 to i32
        %cond3A_136 = arith.constant 0 : i32
        %cond3A_137 = arith.cmpi ne, %convert_element_type3A_135, %cond3A_136 : i32
        scf.if %cond3A_137 {
          %dma_wait3A_150 = arith.constant 0 : i32
          %dma_wait3A_151 = arith.constant 0 : i32
          %dma_wait3A_152 = arith.constant 0 : i32
          %dma_wait3A_153 = tpu.memref_slice %arg11[%rem3A_99, %dma_wait3A_151, %dma_wait3A_152] : memref<2x128x128xf32, #tpu.memory_space<vmem>> -> memref<1x128x128xf32, #tpu.memory_space<vmem>>
          %dma_wait3A_154 = tpu.memref_squeeze %dma_wait3A_153 : memref<1x128x128xf32, #tpu.memory_space<vmem>> -> memref<128x128xf32, #tpu.memory_space<vmem>>
          %dma_wait3A_155 = arith.constant 0 : i32
          %dma_wait3A_156 = tpu.memref_slice %arg10[%dma_wait3A_150, %dma_wait3A_155] : memref<80x128xi32, #tpu.memory_space<vmem>> -> memref<1x128xi32, #tpu.memory_space<vmem>>
          %dma_wait3A_157 = tpu.memref_squeeze %dma_wait3A_156 : memref<1x128xi32, #tpu.memory_space<vmem>> -> memref<128xi32, #tpu.memory_space<vmem>>
          %dma_wait3A_158 = arith.constant 0 : i32
          %dma_wait3A_159 = arith.constant 0 : i32
          %dma_wait3A_160 = tpu.memref_slice %arg12[%dma_wait3A_158, %dma_wait3A_159] : memref<10240x128xf32, #tpu.memory_space<vmem_shared>> -> memref<10240x128xf32, #tpu.memory_space<vmem_shared>>
          %dma_wait3A_161 = tpu.memref_slice %arg14[%rem3A_99] : memref<2x!tpu.dma_semaphore, #tpu.memory_space<semaphore_mem>> -> memref<1x!tpu.dma_semaphore, #tpu.memory_space<semaphore_mem>>
          %dma_wait3A_162 = tpu.memref_squeeze %dma_wait3A_161 : memref<1x!tpu.dma_semaphore, #tpu.memory_space<semaphore_mem>> -> memref<!tpu.dma_semaphore, #tpu.memory_space<semaphore_mem>>
          tpu.wait_indirect_dma semaphore(%dma_wait3A_162 : memref<!tpu.dma_semaphore, #tpu.memory_space<semaphore_mem>>) src(%dma_wait3A_154 : memref<128x128xf32, #tpu.memory_space<vmem>>) dst(%dma_wait3A_160 : memref<10240x128xf32, #tpu.memory_space<vmem_shared>>)
        } else {
        }
        %dma_start3A_138 = arith.constant 0 : i32
        %dma_start3A_139 = arith.constant 0 : i32
        %dma_start3A_140 = tpu.memref_slice %arg11[%rem3A_99, %dma_start3A_138, %dma_start3A_139] : memref<2x128x128xf32, #tpu.memory_space<vmem>> -> memref<1x128x128xf32, #tpu.memory_space<vmem>>
        %dma_start3A_141 = tpu.memref_squeeze %dma_start3A_140 : memref<1x128x128xf32, #tpu.memory_space<vmem>> -> memref<128x128xf32, #tpu.memory_space<vmem>>
        %dma_start3A_142 = arith.constant 0 : i32
        %dma_start3A_143 = tpu.memref_slice %arg9[%rem3A_99, %dma_start3A_142] : memref<2x128xi32, #tpu.memory_space<vmem>> -> memref<1x128xi32, #tpu.memory_space<vmem>>
        %dma_start3A_144 = tpu.memref_squeeze %dma_start3A_143 : memref<1x128xi32, #tpu.memory_space<vmem>> -> memref<128xi32, #tpu.memory_space<vmem>>
        %dma_start3A_145 = arith.constant 0 : i32
        %dma_start3A_146 = arith.constant 0 : i32
        %dma_start3A_147 = tpu.memref_slice %arg2[%dma_start3A_145, %dma_start3A_146] : memref<10240x128xf32, #tpu.memory_space<hbm>> -> memref<10240x128xf32, #tpu.memory_space<hbm>>
        %dma_start3A_148 = tpu.memref_slice %arg13[%rem3A_99] : memref<2x!tpu.dma_semaphore, #tpu.memory_space<semaphore_mem>> -> memref<1x!tpu.dma_semaphore, #tpu.memory_space<semaphore_mem>>
        %dma_start3A_149 = tpu.memref_squeeze %dma_start3A_148 : memref<1x!tpu.dma_semaphore, #tpu.memory_space<semaphore_mem>> -> memref<!tpu.dma_semaphore, #tpu.memory_space<semaphore_mem>>
        tpu.enqueue_indirect_dma source(%dma_start3A_147 : memref<10240x128xf32, #tpu.memory_space<hbm>>) target(%dma_start3A_141 : memref<128x128xf32, #tpu.memory_space<vmem>>) offsets(%dma_start3A_144 : memref<128xi32, #tpu.memory_space<vmem>>) semaphore(%dma_start3A_149 : memref<!tpu.dma_semaphore, #tpu.memory_space<semaphore_mem>>)
      } else {
      }
      %dma_wait3A_104 = arith.constant 0 : i32
      %dma_wait3A_105 = arith.constant 0 : i32
      %dma_wait3A_106 = tpu.memref_slice %arg11[%rem3A_95, %dma_wait3A_104, %dma_wait3A_105] : memref<2x128x128xf32, #tpu.memory_space<vmem>> -> memref<1x128x128xf32, #tpu.memory_space<vmem>>
      %dma_wait3A_107 = tpu.memref_squeeze %dma_wait3A_106 : memref<1x128x128xf32, #tpu.memory_space<vmem>> -> memref<128x128xf32, #tpu.memory_space<vmem>>
      %dma_wait3A_108 = arith.constant 0 : i32
      %dma_wait3A_109 = tpu.memref_slice %arg9[%rem3A_95, %dma_wait3A_108] : memref<2x128xi32, #tpu.memory_space<vmem>> -> memref<1x128xi32, #tpu.memory_space<vmem>>
      %dma_wait3A_110 = tpu.memref_squeeze %dma_wait3A_109 : memref<1x128xi32, #tpu.memory_space<vmem>> -> memref<128xi32, #tpu.memory_space<vmem>>
      %dma_wait3A_111 = arith.constant 0 : i32
      %dma_wait3A_112 = arith.constant 0 : i32
      %dma_wait3A_113 = tpu.memref_slice %arg2[%dma_wait3A_111, %dma_wait3A_112] : memref<10240x128xf32, #tpu.memory_space<hbm>> -> memref<10240x128xf32, #tpu.memory_space<hbm>>
      %dma_wait3A_114 = tpu.memref_slice %arg13[%rem3A_95] : memref<2x!tpu.dma_semaphore, #tpu.memory_space<semaphore_mem>> -> memref<1x!tpu.dma_semaphore, #tpu.memory_space<semaphore_mem>>
      %dma_wait3A_115 = tpu.memref_squeeze %dma_wait3A_114 : memref<1x!tpu.dma_semaphore, #tpu.memory_space<semaphore_mem>> -> memref<!tpu.dma_semaphore, #tpu.memory_space<semaphore_mem>>
      tpu.wait_indirect_dma semaphore(%dma_wait3A_115 : memref<!tpu.dma_semaphore, #tpu.memory_space<semaphore_mem>>) src(%dma_wait3A_113 : memref<10240x128xf32, #tpu.memory_space<hbm>>) dst(%dma_wait3A_107 : memref<128x128xf32, #tpu.memory_space<vmem>>)
      %dma_start3A_116 = arith.constant 0 : i32
      %dma_start3A_117 = arith.constant 0 : i32
      %dma_start3A_118 = tpu.memref_slice %arg11[%rem3A_95, %dma_start3A_116, %dma_start3A_117] : memref<2x128x128xf32, #tpu.memory_space<vmem>> -> memref<1x128x128xf32, #tpu.memory_space<vmem>>
      %dma_start3A_119 = tpu.memref_squeeze %dma_start3A_118 : memref<1x128x128xf32, #tpu.memory_space<vmem>> -> memref<128x128xf32, #tpu.memory_space<vmem>>
      %dma_start3A_120 = arith.constant 0 : i32
      %dma_start3A_121 = tpu.memref_slice %arg10[%scan3A_93, %dma_start3A_120] : memref<80x128xi32, #tpu.memory_space<vmem>> -> memref<1x128xi32, #tpu.memory_space<vmem>>
      %dma_start3A_122 = tpu.memref_squeeze %dma_start3A_121 : memref<1x128xi32, #tpu.memory_space<vmem>> -> memref<128xi32, #tpu.memory_space<vmem>>
      %dma_start3A_123 = arith.constant 0 : i32
      %dma_start3A_124 = arith.constant 0 : i32
      %dma_start3A_125 = tpu.memref_slice %arg12[%dma_start3A_123, %dma_start3A_124] : memref<10240x128xf32, #tpu.memory_space<vmem_shared>> -> memref<10240x128xf32, #tpu.memory_space<vmem_shared>>
      %dma_start3A_126 = tpu.memref_slice %arg14[%rem3A_95] : memref<2x!tpu.dma_semaphore, #tpu.memory_space<semaphore_mem>> -> memref<1x!tpu.dma_semaphore, #tpu.memory_space<semaphore_mem>>
      %dma_start3A_127 = tpu.memref_squeeze %dma_start3A_126 : memref<1x!tpu.dma_semaphore, #tpu.memory_space<semaphore_mem>> -> memref<!tpu.dma_semaphore, #tpu.memory_space<semaphore_mem>>
      tpu.enqueue_indirect_dma source(%dma_start3A_119 : memref<128x128xf32, #tpu.memory_space<vmem>>) target(%dma_start3A_125 : memref<10240x128xf32, #tpu.memory_space<vmem_shared>>) offsets(%dma_start3A_122 : memref<128xi32, #tpu.memory_space<vmem>>) semaphore(%dma_start3A_127 : memref<!tpu.dma_semaphore, #tpu.memory_space<semaphore_mem>>) {add = true}
      %scan3A_128 = arith.constant 0 : i32
      scf.yield %scan3A_128 : i32
    }
    %scan3A_55 = arith.constant 80 : i32
    %dma_wait3A = arith.constant 0 : i32
    %dma_wait3A_56 = arith.constant 0 : i32
    %dma_wait3A_57 = arith.constant 0 : i32
    %dma_wait3A_58 = arith.constant 0 : i32
    %dma_wait3A_59 = arith.constant 0 : i32
    %dma_wait3A_60 = tpu.memref_slice %arg11[%dma_wait3A, %dma_wait3A_58, %dma_wait3A_59] : memref<2x128x128xf32, #tpu.memory_space<vmem>> -> memref<1x128x128xf32, #tpu.memory_space<vmem>>
    %dma_wait3A_61 = tpu.memref_squeeze %dma_wait3A_60 : memref<1x128x128xf32, #tpu.memory_space<vmem>> -> memref<128x128xf32, #tpu.memory_space<vmem>>
    %dma_wait3A_62 = arith.constant 0 : i32
    %dma_wait3A_63 = tpu.memref_slice %arg10[%dma_wait3A_56, %dma_wait3A_62] : memref<80x128xi32, #tpu.memory_space<vmem>> -> memref<1x128xi32, #tpu.memory_space<vmem>>
    %dma_wait3A_64 = tpu.memref_squeeze %dma_wait3A_63 : memref<1x128xi32, #tpu.memory_space<vmem>> -> memref<128xi32, #tpu.memory_space<vmem>>
    %dma_wait3A_65 = arith.constant 0 : i32
    %dma_wait3A_66 = arith.constant 0 : i32
    %dma_wait3A_67 = tpu.memref_slice %arg12[%dma_wait3A_65, %dma_wait3A_66] : memref<10240x128xf32, #tpu.memory_space<vmem_shared>> -> memref<10240x128xf32, #tpu.memory_space<vmem_shared>>
    %dma_wait3A_68 = tpu.memref_slice %arg14[%dma_wait3A_57] : memref<2x!tpu.dma_semaphore, #tpu.memory_space<semaphore_mem>> -> memref<1x!tpu.dma_semaphore, #tpu.memory_space<semaphore_mem>>
    %dma_wait3A_69 = tpu.memref_squeeze %dma_wait3A_68 : memref<1x!tpu.dma_semaphore, #tpu.memory_space<semaphore_mem>> -> memref<!tpu.dma_semaphore, #tpu.memory_space<semaphore_mem>>
    tpu.wait_indirect_dma semaphore(%dma_wait3A_69 : memref<!tpu.dma_semaphore, #tpu.memory_space<semaphore_mem>>) src(%dma_wait3A_61 : memref<128x128xf32, #tpu.memory_space<vmem>>) dst(%dma_wait3A_67 : memref<10240x128xf32, #tpu.memory_space<vmem_shared>>)
    %dma_wait3A_70 = arith.constant 1 : i32
    %dma_wait3A_71 = arith.constant 0 : i32
    %dma_wait3A_72 = arith.constant 1 : i32
    %dma_wait3A_73 = arith.constant 0 : i32
    %dma_wait3A_74 = arith.constant 0 : i32
    %dma_wait3A_75 = tpu.memref_slice %arg11[%dma_wait3A_70, %dma_wait3A_73, %dma_wait3A_74] : memref<2x128x128xf32, #tpu.memory_space<vmem>> -> memref<1x128x128xf32, #tpu.memory_space<vmem>>
    %dma_wait3A_76 = tpu.memref_squeeze %dma_wait3A_75 : memref<1x128x128xf32, #tpu.memory_space<vmem>> -> memref<128x128xf32, #tpu.memory_space<vmem>>
    %dma_wait3A_77 = arith.constant 0 : i32
    %dma_wait3A_78 = tpu.memref_slice %arg10[%dma_wait3A_71, %dma_wait3A_77] : memref<80x128xi32, #tpu.memory_space<vmem>> -> memref<1x128xi32, #tpu.memory_space<vmem>>
    %dma_wait3A_79 = tpu.memref_squeeze %dma_wait3A_78 : memref<1x128xi32, #tpu.memory_space<vmem>> -> memref<128xi32, #tpu.memory_space<vmem>>
    %dma_wait3A_80 = arith.constant 0 : i32
    %dma_wait3A_81 = arith.constant 0 : i32
    %dma_wait3A_82 = tpu.memref_slice %arg12[%dma_wait3A_80, %dma_wait3A_81] : memref<10240x128xf32, #tpu.memory_space<vmem_shared>> -> memref<10240x128xf32, #tpu.memory_space<vmem_shared>>
    %dma_wait3A_83 = tpu.memref_slice %arg14[%dma_wait3A_72] : memref<2x!tpu.dma_semaphore, #tpu.memory_space<semaphore_mem>> -> memref<1x!tpu.dma_semaphore, #tpu.memory_space<semaphore_mem>>
    %dma_wait3A_84 = tpu.memref_squeeze %dma_wait3A_83 : memref<1x!tpu.dma_semaphore, #tpu.memory_space<semaphore_mem>> -> memref<!tpu.dma_semaphore, #tpu.memory_space<semaphore_mem>>
    tpu.wait_indirect_dma semaphore(%dma_wait3A_84 : memref<!tpu.dma_semaphore, #tpu.memory_space<semaphore_mem>>) src(%dma_wait3A_76 : memref<128x128xf32, #tpu.memory_space<vmem>>) dst(%dma_wait3A_82 : memref<10240x128xf32, #tpu.memory_space<vmem_shared>>)
    %barrier3A_85 = arith.constant 0 : index
    tpu.barrier barrier_id(%barrier3A_85)
    %scan3A_86 = arith.constant 0 : i32
    %scan3A_87 = arith.constant 0 : i32
    %scan3A_88 = arith.constant 5 : i32
    %scan3A_89 = arith.addi %scan3A_87, %scan3A_88 : i32
    %scan3A_90 = arith.constant 1 : i32
    %scan3A_91 = scf.for %scan3A_93 = %scan3A_87 to %scan3A_89 step %scan3A_90 iter_args(%scan3A_94 = %scan3A_86) -> (i32)  : i32 {
      %mul3A_95 = arith.constant 640 : i32
      %mul3A_96 = arith.muli %arg1, %mul3A_95 : i32
      %mul3A_97 = arith.constant 128 : i32
      %mul3A_98 = arith.muli %scan3A_93, %mul3A_97 : i32
      %add3A_99 = arith.addi %mul3A_96, %mul3A_98 : i32
      %mul3A_100 = arith.constant 10240 : i32
      %mul3A_101 = arith.muli %arg0, %mul3A_100 : i32
      %add3A_102 = arith.addi %mul3A_101, %add3A_99 : i32
      "tpu.region"() ({
        %run_scoped3A_104 = tpu.sem_alloc : memref<!tpu.dma_semaphore, #tpu.memory_space<semaphore_mem>>
        %dma_start3A_105 = arith.constant 0 : i32
        %dma_start3A_106 = tpu.memref_slice %arg7[%add3A_102, %dma_start3A_105] : memref<20480x128xf32, #tpu.memory_space<hbm>> -> memref<128x128xf32, #tpu.memory_space<hbm>>
        %dma_start3A_107 = arith.constant 0 : i32
        %dma_start3A_108 = tpu.memref_slice %arg12[%add3A_99, %dma_start3A_107] : memref<10240x128xf32, #tpu.memory_space<vmem_shared>> -> memref<128x128xf32, #tpu.memory_space<vmem_shared>>
        tpu.enqueue_dma source(%dma_start3A_108 : memref<128x128xf32, #tpu.memory_space<vmem_shared>>) target(%dma_start3A_106 : memref<128x128xf32, #tpu.memory_space<hbm>>) target_semaphore(%run_scoped3A_104 : memref<!tpu.dma_semaphore, #tpu.memory_space<semaphore_mem>>)
        %dma_wait3A_109 = arith.constant 0 : i32
        %dma_wait3A_110 = tpu.memref_slice %arg7[%add3A_102, %dma_wait3A_109] : memref<20480x128xf32, #tpu.memory_space<hbm>> -> memref<128x128xf32, #tpu.memory_space<hbm>>
        %dma_wait3A_111 = arith.constant 0 : i32
        %dma_wait3A_112 = tpu.memref_slice %arg12[%add3A_99, %dma_wait3A_111] : memref<10240x128xf32, #tpu.memory_space<vmem_shared>> -> memref<128x128xf32, #tpu.memory_space<vmem_shared>>
        tpu.wait_dma2 semaphore(%run_scoped3A_104 : memref<!tpu.dma_semaphore, #tpu.memory_space<semaphore_mem>>) src(%dma_wait3A_112 : memref<128x128xf32, #tpu.memory_space<vmem_shared>>) dst(%dma_wait3A_110 : memref<128x128xf32, #tpu.memory_space<hbm>>)
        tpu.yield
      }) : () -> ()
      %scan3A_103 = arith.constant 0 : i32
      scf.yield %scan3A_103 : i32
    }
    %scan3A_92 = arith.constant 5 : i32
    return
  }
}

module attributes {stable_mosaic.version = 14 : i64} {
  func.func @body(%arg0: i32, %arg1: memref<1024x128xf32, #tpu.memory_space<vmem>>, %arg2: memref<1024x128xf32, #tpu.memory_space<vmem>>, %arg3: memref<1024x128xf32, #tpu.memory_space<vmem>>, %arg4: memref<1024x128xf32, #tpu.memory_space<vmem>>, %arg5: memref<1024x128xf32, #tpu.memory_space<vmem>>, %arg6: memref<128x128xf32, #tpu.memory_space<vmem>>, %arg7: memref<128x128xf32, #tpu.memory_space<vmem>>, %arg8: memref<1x128xf32, #tpu.memory_space<vmem>>, %arg9: memref<1024x128xf32, #tpu.memory_space<vmem>>) attributes {dimension_semantics = [#tpu.dimension_semantics<arbitrary>], iteration_bounds = array<i64: 10>, scalar_prefetch = 0 : i64, scratch_operands = 0 : i64, tpu.core_type = #tpu.core_type<tc>, window_params = [{transform_indices = @transform_0, window_bounds = array<i64: 1024, 128>}, {transform_indices = @transform_1, window_bounds = array<i64: 1024, 128>}, {transform_indices = @transform_2, window_bounds = array<i64: 1024, 128>}, {transform_indices = @transform_3, window_bounds = array<i64: 1024, 128>}, {transform_indices = @transform_4, window_bounds = array<i64: 1024, 128>}, {pipeline_mode = #tpu.pipeline_mode<synchronous>, transform_indices = @transform_5, window_bounds = array<i64: 128, 128>}, {pipeline_mode = #tpu.pipeline_mode<synchronous>, transform_indices = @transform_6, window_bounds = array<i64: 128, 128>}, {pipeline_mode = #tpu.pipeline_mode<synchronous>, transform_indices = @transform_7, window_bounds = array<i64: 1, 128>}, {transform_indices = @transform_8, window_bounds = array<i64: 1024, 128>}]} {
    %get3A = arith.constant 0 : index
    %get3A_0 = arith.constant 0 : index
    %get3A_1 = vector.load %arg1[%get3A, %get3A_0] : memref<1024x128xf32, #tpu.memory_space<vmem>>, vector<1024x128xf32>
    %get3A_2 = arith.constant 0 : index
    %get3A_3 = arith.constant 0 : index
    %get3A_4 = vector.load %arg2[%get3A_2, %get3A_3] : memref<1024x128xf32, #tpu.memory_space<vmem>>, vector<1024x128xf32>
    %add3A = arith.addf %get3A_1, %get3A_4 : vector<1024x128xf32>
    %get3A_5 = arith.constant 0 : index
    %get3A_6 = arith.constant 0 : index
    %get3A_7 = vector.load %arg3[%get3A_5, %get3A_6] : memref<1024x128xf32, #tpu.memory_space<vmem>>, vector<1024x1xf32>
    %get3A_8 = arith.constant 0 : index
    %get3A_9 = arith.constant 0 : index
    %get3A_10 = vector.load %arg4[%get3A_8, %get3A_9] : memref<1024x128xf32, #tpu.memory_space<vmem>>, vector<1024x1xf32>
    %add3A_11 = arith.addf %get3A_7, %get3A_10 : vector<1024x1xf32>
    %max3A = arith.constant 1.000000e+00 : f32
    %max3A_12 = vector.broadcast %max3A : f32 to vector<1024x1xf32>
    %max3A_13 = arith.maximumf %add3A_11, %max3A_12 : vector<1024x1xf32>
    %div3A = vector.broadcast %max3A_13 : vector<1024x1xf32> to vector<1024x128xf32>
    %div3A_14 = arith.divf %add3A, %div3A : vector<1024x128xf32>
    %get3A_15 = arith.constant 0 : index
    %get3A_16 = arith.constant 0 : index
    %get3A_17 = vector.load %arg6[%get3A_15, %get3A_16] : memref<128x128xf32, #tpu.memory_space<vmem>>, vector<128x128xf32>
    %dot_general3A = arith.constant dense<0.000000e+00> : vector<1024x128xf32>
    %dot_general3A_18 = tpu.matmul %div3A_14, %get3A_17, %dot_general3A {dimension_numbers = #tpu.dot_dimension_numbers<[1], [0], [0], [1], [0, 0, 1, 1], [], []>, transpose_lhs_hint = false} : vector<1024x128xf32>, vector<128x128xf32>, vector<1024x128xf32> -> vector<1024x128xf32>
    %get3A_19 = arith.constant 0 : index
    %get3A_20 = arith.constant 0 : index
    %get3A_21 = vector.load %arg5[%get3A_19, %get3A_20] : memref<1024x128xf32, #tpu.memory_space<vmem>>, vector<1024x128xf32>
    %get3A_22 = arith.constant 0 : index
    %get3A_23 = arith.constant 0 : index
    %get3A_24 = vector.load %arg7[%get3A_22, %get3A_23] : memref<128x128xf32, #tpu.memory_space<vmem>>, vector<128x128xf32>
    %dot_general3A_25 = arith.constant dense<0.000000e+00> : vector<1024x128xf32>
    %dot_general3A_26 = tpu.matmul %get3A_21, %get3A_24, %dot_general3A_25 {dimension_numbers = #tpu.dot_dimension_numbers<[1], [0], [0], [1], [0, 0, 1, 1], [], []>, transpose_lhs_hint = false} : vector<1024x128xf32>, vector<128x128xf32>, vector<1024x128xf32> -> vector<1024x128xf32>
    %add3A_27 = arith.addf %dot_general3A_18, %dot_general3A_26 : vector<1024x128xf32>
    %get3A_28 = arith.constant 0 : index
    %get3A_29 = arith.constant 0 : index
    %get3A_30 = vector.load %arg8[%get3A_28, %get3A_29] : memref<1x128xf32, #tpu.memory_space<vmem>>, vector<1x128xf32>
    %add3A_31 = vector.broadcast %get3A_30 : vector<1x128xf32> to vector<1024x128xf32>
    %add3A_32 = arith.addf %add3A_27, %add3A_31 : vector<1024x128xf32>
    %max3A_33 = arith.constant 0.000000e+00 : f32
    %max3A_34 = vector.broadcast %max3A_33 : f32 to vector<1024x128xf32>
    %max3A_35 = arith.maximumf %add3A_32, %max3A_34 : vector<1024x128xf32>
    %swap3A = arith.constant 0 : index
    %swap3A_36 = arith.constant 0 : index
    %swap3A_37 = vector.load %arg9[%swap3A, %swap3A_36] : memref<1024x128xf32, #tpu.memory_space<vmem>>, vector<1024x128xf32>
    tpu.vector_store %arg9[%swap3A, %swap3A_36], %max3A_35 {strides = array<i32>} : memref<1024x128xf32, #tpu.memory_space<vmem>>, vector<1024x128xf32>,
    return
  }
  func.func @transform_0(%arg0: i32) -> (i32, i32) {
    %c0_i32 = arith.constant 0 : i32
    %c0_i32_0 = arith.constant 0 : i32
    return %arg0, %c0_i32 : i32, i32
  }
  func.func @transform_1(%arg0: i32) -> (i32, i32) {
    %add3A = arith.constant 10 : i32
    %add3A_0 = arith.addi %add3A, %arg0 : i32
    %c0_i32 = arith.constant 0 : i32
    %c0_i32_1 = arith.constant 0 : i32
    return %add3A_0, %c0_i32 : i32, i32
  }
  func.func @transform_2(%arg0: i32) -> (i32, i32) {
    %c0_i32 = arith.constant 0 : i32
    %c0_i32_0 = arith.constant 0 : i32
    return %arg0, %c0_i32 : i32, i32
  }
  func.func @transform_3(%arg0: i32) -> (i32, i32) {
    %add3A = arith.constant 10 : i32
    %add3A_0 = arith.addi %add3A, %arg0 : i32
    %c0_i32 = arith.constant 0 : i32
    %c0_i32_1 = arith.constant 0 : i32
    return %add3A_0, %c0_i32 : i32, i32
  }
  func.func @transform_4(%arg0: i32) -> (i32, i32) {
    %c0_i32 = arith.constant 0 : i32
    %c0_i32_0 = arith.constant 0 : i32
    return %arg0, %c0_i32 : i32, i32
  }
  func.func @transform_5(%arg0: i32) -> (i32, i32) {
    %c0_i32 = arith.constant 0 : i32
    %c0_i32_0 = arith.constant 0 : i32
    %c0_i32_1 = arith.constant 0 : i32
    return %c0_i32, %c0_i32_0 : i32, i32
  }
  func.func @transform_6(%arg0: i32) -> (i32, i32) {
    %c0_i32 = arith.constant 0 : i32
    %c0_i32_0 = arith.constant 0 : i32
    %c0_i32_1 = arith.constant 0 : i32
    return %c0_i32, %c0_i32_0 : i32, i32
  }
  func.func @transform_7(%arg0: i32) -> (i32, i32) {
    %c0_i32 = arith.constant 0 : i32
    %c0_i32_0 = arith.constant 0 : i32
    %c0_i32_1 = arith.constant 0 : i32
    return %c0_i32, %c0_i32_0 : i32, i32
  }
  func.func @transform_8(%arg0: i32) -> (i32, i32) {
    %c0_i32 = arith.constant 0 : i32
    %c0_i32_0 = arith.constant 0 : i32
    return %arg0, %c0_i32 : i32, i32
  }
}

module attributes {stable_mosaic.version = 14 : i64} {
  func.func @body(%arg0: i32, %arg1: memref<1024x128xf32, #tpu.memory_space<vmem>>, %arg2: memref<1024x128xf32, #tpu.memory_space<vmem>>, %arg3: memref<1024x128xf32, #tpu.memory_space<vmem>>, %arg4: memref<1024x128xf32, #tpu.memory_space<vmem>>, %arg5: memref<1024x128xf32, #tpu.memory_space<vmem>>, %arg6: memref<128x128xf32, #tpu.memory_space<vmem>>, %arg7: memref<128x128xf32, #tpu.memory_space<vmem>>, %arg8: memref<1x128xf32, #tpu.memory_space<vmem>>, %arg9: memref<1024x128xf32, #tpu.memory_space<vmem>>) attributes {dimension_semantics = [#tpu.dimension_semantics<arbitrary>], iteration_bounds = array<i64: 10>, scalar_prefetch = 0 : i64, scratch_operands = 0 : i64, tpu.core_type = #tpu.core_type<tc>, window_params = [{transform_indices = @transform_0, window_bounds = array<i64: 1024, 128>}, {transform_indices = @transform_1, window_bounds = array<i64: 1024, 128>}, {transform_indices = @transform_2, window_bounds = array<i64: 1024, 128>}, {transform_indices = @transform_3, window_bounds = array<i64: 1024, 128>}, {transform_indices = @transform_4, window_bounds = array<i64: 1024, 128>}, {pipeline_mode = #tpu.pipeline_mode<synchronous>, transform_indices = @transform_5, window_bounds = array<i64: 128, 128>}, {pipeline_mode = #tpu.pipeline_mode<synchronous>, transform_indices = @transform_6, window_bounds = array<i64: 128, 128>}, {pipeline_mode = #tpu.pipeline_mode<synchronous>, transform_indices = @transform_7, window_bounds = array<i64: 1, 128>}, {transform_indices = @transform_8, window_bounds = array<i64: 1024, 128>}]} {
    %get3A = arith.constant 0 : index
    %get3A_0 = arith.constant 0 : index
    %get3A_1 = vector.load %arg1[%get3A, %get3A_0] : memref<1024x128xf32, #tpu.memory_space<vmem>>, vector<1024x128xf32>
    %get3A_2 = arith.constant 0 : index
    %get3A_3 = arith.constant 0 : index
    %get3A_4 = vector.load %arg2[%get3A_2, %get3A_3] : memref<1024x128xf32, #tpu.memory_space<vmem>>, vector<1024x128xf32>
    %add3A = arith.addf %get3A_1, %get3A_4 : vector<1024x128xf32>
    %get3A_5 = arith.constant 0 : index
    %get3A_6 = arith.constant 0 : index
    %get3A_7 = vector.load %arg3[%get3A_5, %get3A_6] : memref<1024x128xf32, #tpu.memory_space<vmem>>, vector<1024x1xf32>
    %get3A_8 = arith.constant 0 : index
    %get3A_9 = arith.constant 0 : index
    %get3A_10 = vector.load %arg4[%get3A_8, %get3A_9] : memref<1024x128xf32, #tpu.memory_space<vmem>>, vector<1024x1xf32>
    %add3A_11 = arith.addf %get3A_7, %get3A_10 : vector<1024x1xf32>
    %max3A = arith.constant 1.000000e+00 : f32
    %max3A_12 = vector.broadcast %max3A : f32 to vector<1024x1xf32>
    %max3A_13 = arith.maximumf %add3A_11, %max3A_12 : vector<1024x1xf32>
    %div3A = vector.broadcast %max3A_13 : vector<1024x1xf32> to vector<1024x128xf32>
    %div3A_14 = arith.divf %add3A, %div3A : vector<1024x128xf32>
    %get3A_15 = arith.constant 0 : index
    %get3A_16 = arith.constant 0 : index
    %get3A_17 = vector.load %arg6[%get3A_15, %get3A_16] : memref<128x128xf32, #tpu.memory_space<vmem>>, vector<128x128xf32>
    %dot_general3A = arith.constant dense<0.000000e+00> : vector<1024x128xf32>
    %dot_general3A_18 = tpu.matmul %div3A_14, %get3A_17, %dot_general3A {dimension_numbers = #tpu.dot_dimension_numbers<[1], [0], [0], [1], [0, 0, 1, 1], [], []>, transpose_lhs_hint = false} : vector<1024x128xf32>, vector<128x128xf32>, vector<1024x128xf32> -> vector<1024x128xf32>
    %get3A_19 = arith.constant 0 : index
    %get3A_20 = arith.constant 0 : index
    %get3A_21 = vector.load %arg5[%get3A_19, %get3A_20] : memref<1024x128xf32, #tpu.memory_space<vmem>>, vector<1024x128xf32>
    %get3A_22 = arith.constant 0 : index
    %get3A_23 = arith.constant 0 : index
    %get3A_24 = vector.load %arg7[%get3A_22, %get3A_23] : memref<128x128xf32, #tpu.memory_space<vmem>>, vector<128x128xf32>
    %dot_general3A_25 = arith.constant dense<0.000000e+00> : vector<1024x128xf32>
    %dot_general3A_26 = tpu.matmul %get3A_21, %get3A_24, %dot_general3A_25 {dimension_numbers = #tpu.dot_dimension_numbers<[1], [0], [0], [1], [0, 0, 1, 1], [], []>, transpose_lhs_hint = false} : vector<1024x128xf32>, vector<128x128xf32>, vector<1024x128xf32> -> vector<1024x128xf32>
    %add3A_27 = arith.addf %dot_general3A_18, %dot_general3A_26 : vector<1024x128xf32>
    %get3A_28 = arith.constant 0 : index
    %get3A_29 = arith.constant 0 : index
    %get3A_30 = vector.load %arg8[%get3A_28, %get3A_29] : memref<1x128xf32, #tpu.memory_space<vmem>>, vector<1x128xf32>
    %add3A_31 = vector.broadcast %get3A_30 : vector<1x128xf32> to vector<1024x128xf32>
    %add3A_32 = arith.addf %add3A_27, %add3A_31 : vector<1024x128xf32>
    %swap3A = arith.constant 0 : index
    %swap3A_33 = arith.constant 0 : index
    %swap3A_34 = vector.load %arg9[%swap3A, %swap3A_33] : memref<1024x128xf32, #tpu.memory_space<vmem>>, vector<1024x128xf32>
    tpu.vector_store %arg9[%swap3A, %swap3A_33], %add3A_32 {strides = array<i32>} : memref<1024x128xf32, #tpu.memory_space<vmem>>, vector<1024x128xf32>,
    return
  }
  func.func @transform_0(%arg0: i32) -> (i32, i32) {
    %c0_i32 = arith.constant 0 : i32
    %c0_i32_0 = arith.constant 0 : i32
    return %arg0, %c0_i32 : i32, i32
  }
  func.func @transform_1(%arg0: i32) -> (i32, i32) {
    %add3A = arith.constant 10 : i32
    %add3A_0 = arith.addi %add3A, %arg0 : i32
    %c0_i32 = arith.constant 0 : i32
    %c0_i32_1 = arith.constant 0 : i32
    return %add3A_0, %c0_i32 : i32, i32
  }
  func.func @transform_2(%arg0: i32) -> (i32, i32) {
    %c0_i32 = arith.constant 0 : i32
    %c0_i32_0 = arith.constant 0 : i32
    return %arg0, %c0_i32 : i32, i32
  }
  func.func @transform_3(%arg0: i32) -> (i32, i32) {
    %add3A = arith.constant 10 : i32
    %add3A_0 = arith.addi %add3A, %arg0 : i32
    %c0_i32 = arith.constant 0 : i32
    %c0_i32_1 = arith.constant 0 : i32
    return %add3A_0, %c0_i32 : i32, i32
  }
  func.func @transform_4(%arg0: i32) -> (i32, i32) {
    %c0_i32 = arith.constant 0 : i32
    %c0_i32_0 = arith.constant 0 : i32
    return %arg0, %c0_i32 : i32, i32
  }
  func.func @transform_5(%arg0: i32) -> (i32, i32) {
    %c0_i32 = arith.constant 0 : i32
    %c0_i32_0 = arith.constant 0 : i32
    %c0_i32_1 = arith.constant 0 : i32
    return %c0_i32, %c0_i32_0 : i32, i32
  }
  func.func @transform_6(%arg0: i32) -> (i32, i32) {
    %c0_i32 = arith.constant 0 : i32
    %c0_i32_0 = arith.constant 0 : i32
    %c0_i32_1 = arith.constant 0 : i32
    return %c0_i32, %c0_i32_0 : i32, i32
  }
  func.func @transform_7(%arg0: i32) -> (i32, i32) {
    %c0_i32 = arith.constant 0 : i32
    %c0_i32_0 = arith.constant 0 : i32
    %c0_i32_1 = arith.constant 0 : i32
    return %c0_i32, %c0_i32_0 : i32, i32
  }
  func.func @transform_8(%arg0: i32) -> (i32, i32) {
    %c0_i32 = arith.constant 0 : i32
    %c0_i32_0 = arith.constant 0 : i32
    return %arg0, %c0_i32 : i32, i32
  }
}

module attributes {stable_mosaic.version = 14 : i64} {
  func.func @body(%arg0: i32, %arg1: memref<4096x16xf32, #tpu.memory_space<vmem>>, %arg2: memref<4096xf32, #tpu.memory_space<vmem>>) attributes {dimension_semantics = [#tpu.dimension_semantics<arbitrary>], iteration_bounds = array<i64: 80>, scalar_prefetch = 0 : i64, scratch_operands = 0 : i64, tpu.core_type = #tpu.core_type<tc>, window_params = [{transform_indices = @transform_0, window_bounds = array<i64: 4096, 16>}, {transform_indices = @transform_1, window_bounds = array<i64: 4096>}]} {
    %get3A = arith.constant 0 : index
    %get3A_0 = arith.constant 0 : index
    %get3A_1 = vector.load %arg1[%get3A, %get3A_0] : memref<4096x16xf32, #tpu.memory_space<vmem>>, vector<4096x16xf32>
    %reduce_sum3A = arith.constant dense<0.000000e+00> : vector<4096xf32>
    %reduce_sum3A_2 = vector.multi_reduction <add>, %get3A_1, %reduce_sum3A [1] : vector<4096x16xf32> to vector<4096xf32>
    %swap3A = arith.constant 0 : index
    %swap3A_3 = vector.load %arg2[%swap3A] : memref<4096xf32, #tpu.memory_space<vmem>>, vector<4096xf32>
    tpu.vector_store %arg2[%swap3A], %reduce_sum3A_2 {strides = array<i32>} : memref<4096xf32, #tpu.memory_space<vmem>>, vector<4096xf32>,
    return
  }
  func.func @transform_0(%arg0: i32) -> (i32, i32) {
    %c0_i32 = arith.constant 0 : i32
    %c0_i32_0 = arith.constant 0 : i32
    return %arg0, %c0_i32 : i32, i32
  }
  func.func @transform_1(%arg0: i32) -> i32 {
    %c0_i32 = arith.constant 0 : i32
    return %arg0 : i32
  }
}

</mosaic_0001>

<sc_bundles>
// kernel: kernel.11.cloned.1.call-start
scs
__scs_entry_jumppad:
0x0: {  	(pc) =	sbr.rel $0x88, $3  }
0x1: {  	(tag) =	ssettag $0x0;
	lr =	simm.s32 $0x1  }
0x2: {  	[smem:$0x3F99] =	sst lr;
	_ =	strace $0xD0000000  }
0x3: {  	_ = 	snop  }
0x4: {  	_ = 	snop  }
0x5: {  	_ = 	snop  }
0x6: {  	_ = 	snop  }
0x7: {  	_ = 	snop  }
__scs_overlays_trampoline_lowered:
0x8: {  	[smem:$0x3FA8] =	sst s0  }
0x9: {  	[smem:$0x3FA9] =	sst s1  }
0xa: {  	[smem:$0x3FAA] =	sst s2  }
0xb: {  	[smem:$0x3FAB] =	sst s3  }
0xc: {  	[smem:$0x3FAC] =	sst s4  }
0xd: {  	[smem:$0x3FAD] =	sst s5  }
0xe: {  	[smem:$0x3FAE] =	sst s6  }
0xf: {  	[smem:$0x3FAF] =	sst s7  }
0x10: {  	[smem:$0x3FB0] =	sst s8  }
0x11: {  	[smem:$0x3FB1] =	sst s9;
	s0 =	simm.s32 @!p0 $0x0  }
0x12: {  	s1 =	sld [smem:$0x3F97];
	s0 =	simm.s32 @p0 $0x1  }
0x13: {  	[smem:$0x3FB2] =	sst s0;
	s0 =	simm.s32 @!p1 $0x0  }
0x14: {  	s2 =	sld [smem:$0x3F96];
	s0 =	simm.s32 @p1 $0x1  }
0x15: {  	[smem:$0x3FB3] =	sst s0;
	s0 =	simm.s32 @!p2 $0x0  }
0x16: {  	s3 =	sld [smem:$0x3FDB];
	s0 =	simm.s32 @p2 $0x1  }
0x17: {  	s4 =	simm.s32 $0x1BF5;
	[smem:$0x3FB5] =	sst s0  }
0x18: {  	s0 =	sld [smem:$0x3F98];
	_ =	swait.ge [sflag:s4], $0x0  }
0x19: {  	s7 =	sld [smem:$0x3F99]  }
0x1a: {  	s8 =	sadd.s32 $0xFFFFE003, lr  }
0x1b: {  	s9 =	sadd.s32 $0xFFFFFEF7, lr;
	s5 =	simm.s32 $0xFFFFFFFF;
	p2 =	slt.u32 s8, $0xFFFFF086  }
0x1c: {  	p1 =	slt.u32 s9, $0xF7A;
	s5 =	simm.s32 @!p2 $0x0  }
0x1d: {  	s5 =	simm.s32 @p1 $0x1;
	p0 =	seq.s32 s7, s2  }
0x1e: {  	s7 =	smul.u32 @!p0 $0xF7A, s2;
	p2 =	seq.s32 @!p0 s5, $0x0  }
0x1f: {  	s9 =	smul.u32 $0xF7A, s1;
	s8 =	simm.s32 @!p0 $0x1BF5;
	p2 =	por !p2, p0  }
0x20: {  	[sflag:s8] =	ssyncset.s32 @!p0 $0xFFFFF086;
	s6 =	sadd.s32 @!p0 s3, s7;
	s7 =	simm.s32 @!p0 $0x108  }
0x21: {  	s3 =	sadd.s32 s3, s9;
	s6 =	sadd.s32 @!p0 $0x88, s6;
	s7 =	simm.s32 @p2 $0x1082  }
0x22: {  	[simem:s7], [sflag:s8] =	dma.local @!p0 [hbm:s6], $0xF7A  }
0x23: {  	s9 =	sor.u32 $0xD0000000, s2;
	s6 =	simm.s32 $0x108;
	_ =	swait.ge @!p0 [sflag:s8], $0x0  }
0x24: {  	s3 =	sadd.s32 $0x88, s3;
	s6 =	simm.s32 @!p1 $0x1082;
	[sflag:s4] =	ssyncset.s32 $0xFFFFF086  }
0x25: {  	[simem:s6], [sflag:s4] =	dma.local [hbm:s3], $0xF7A  }
0x26: {  	[smem:$0x3F99] =	sst s1;
	(tag) =	ssettag s2;
	_ =	strace s9  }
0x27: {  	s1 =	sld [smem:$0x3FA9]  }
0x28: {  	s2 =	sld [smem:$0x3FAA]  }
0x29: {  	s4 =	sld [smem:$0x3FAC]  }
0x2a: {  	p0 =	seq.s32 s5, $0x0;
	s5 =	sld [smem:$0x3FAD]  }
0x2b: {  	s6 =	sld [smem:$0x3FAE]  }
0x2c: {  	s7 =	sld [smem:$0x3FAF]  }
0x2d: {  	s3 =	simm.s32 $0x108;
	s8 =	sld [smem:$0x3FB0]  }
0x2e: {  	s3 =	simm.s32 @!p0 $0x1082;
	s9 =	sld [smem:$0x3FB1]  }
0x2f: {  	lr =	sadd.s32 s0, s3;
	s0 =	sld [smem:$0x3FA8]  }
0x30: {  	s3 =	sld [smem:$0x3FAB]  }
0x31: {  	[smem:$0x3FB4] =	sst s10  }
0x32: {  	s10 =	sld [smem:$0x3FB2];
	_ =	sdelay $0x3  }
0x33: {  	p0 =	seq.s32 s10, $0x1;
	s10 =	sld [smem:$0x3FB4];
	_ =	sdelay $0x3  }
0x34: {  	[smem:$0x3FB4] =	sst s10  }
0x35: {  	s10 =	sld [smem:$0x3FB3];
	_ =	sdelay $0x3  }
0x36: {  	p1 =	seq.s32 s10, $0x1;
	s10 =	sld [smem:$0x3FB4];
	_ =	sdelay $0x3  }
0x37: {  	[smem:$0x3FB4] =	sst s10  }
0x38: {  	s10 =	sld [smem:$0x3FB5]  }
0x39: {  	_ = 	snop;
	(pc) =	sbr.ind lr, $3  }
0x3a: {  	_ = 	snop  }
0x3b: {  	_ = 	snop  }
0x3c: {  	p2 =	seq.s32 s10, $0x1;
	s10 =	sld [smem:$0x3FB4]  }
0x3d: {  	_ =	shalt  }
0x3e: {  	_ =	shalt  }
0x3f: {  	_ =	shalt  }
0x40: {  	_ =	shalt  }
0x41: {  	_ =	shalt  }
0x42: {  	_ =	shalt  }
0x43: {  	_ =	shalt  }
0x44: {  	_ =	shalt  }
0x45: {  	_ =	shalt  }
0x46: {  	_ =	shalt  }
0x47: {  	_ =	shalt  }
0x48: {  	_ =	shalt  }
0x49: {  	_ =	shalt  }
0x4a: {  	_ =	shalt  }
0x4b: {  	_ =	shalt  }
0x4c: {  	_ =	shalt  }
0x4d: {  	_ =	shalt  }
0x4e: {  	_ =	shalt  }
0x4f: {  	_ =	shalt  }
0x50: {  	_ =	shalt  }
0x51: {  	_ =	shalt  }
0x52: {  	_ =	shalt  }
0x53: {  	_ =	shalt  }
0x54: {  	_ =	shalt  }
0x55: {  	_ =	shalt  }
0x56: {  	_ =	shalt  }
0x57: {  	_ =	shalt  }
0x58: {  	_ =	shalt  }
0x59: {  	_ =	shalt  }
0x5a: {  	_ =	shalt  }
0x5b: {  	_ =	shalt  }
0x5c: {  	_ =	shalt  }
0x5d: {  	_ =	shalt  }
0x5e: {  	_ =	shalt  }
0x5f: {  	_ =	shalt  }
0x60: {  	_ =	shalt  }
0x61: {  	_ =	shalt  }
0x62: {  	_ =	shalt  }
0x63: {  	_ =	shalt  }
0x64: {  	_ =	shalt  }
0x65: {  	_ =	shalt  }
0x66: {  	_ =	shalt  }
0x67: {  	_ =	shalt  }
0x68: {  	_ =	shalt  }
0x69: {  	_ =	shalt  }
0x6a: {  	_ =	shalt  }
0x6b: {  	_ =	shalt  }
0x6c: {  	_ =	shalt  }
0x6d: {  	_ =	shalt  }
0x6e: {  	_ =	shalt  }
0x6f: {  	_ =	shalt  }
0x70: {  	_ =	shalt  }
0x71: {  	_ =	shalt  }
0x72: {  	_ =	shalt  }
0x73: {  	_ =	shalt  }
0x74: {  	_ =	shalt  }
0x75: {  	_ =	shalt  }
0x76: {  	_ =	shalt  }
0x77: {  	_ =	shalt  }
0x78: {  	_ =	shalt  }
0x79: {  	_ =	shalt  }
0x7a: {  	_ =	shalt  }
0x7b: {  	_ =	shalt  }
0x7c: {  	_ =	shalt  }
0x7d: {  	_ =	shalt  }
0x7e: {  	_ =	shalt  }
0x7f: {  	_ =	shalt  }
0x80: {  	_ =	shalt  }
0x81: {  	_ =	shalt  }
0x82: {  	_ =	shalt  }
0x83: {  	_ =	shalt  }
0x84: {  	_ =	shalt  }
0x85: {  	_ =	shalt  }
0x86: {  	_ =	shalt  }
0x87: {  	_ =	shalt  }
.Lfunc_end0:
.L_simem_size_0:
called_computation.1_lowered:
.L_overlay_start_0:
0x88: {  	s2 =	sld [smem:$0x3FD9]  }
0x89: {  	s3 =	sld [smem:$0x3FFE];
	_ =	sdelay $0x1  }
0x8a: {  	s1 =	srdreg.scid  }
0x8b: {  	s0 =	sand.u32 $0x1, s1  }
0x8c: {  	s17 =	sshll.u32 s0, $0xA;
	s2 =	sadd.s32 s3, s2  }
0x8d: {  	s2 =	sadd.s32 s2, s17  }
0x8e: {  	[smem:$0x3FC0] =	sst s2  }
0x8f: {  	_ = 	snop  }
0x90: {  	s2 =	sld [smem:$0x3FD0];
	(tm) =	ssettm $0x1  }
0x91: {  	s18 =	sld [smem:$0x3FFB];
	_ =	sdelay $0x3  }
0x92: {  	_ =	strace s18  }
0x93: {  	s3 =	sld [smem:$0x3FFC];
	_ =	sdelay $0x3  }
0x94: {  	_ =	strace s3  }
0x95: {  	s3 =	sld [smem:$0x3FFD];
	_ =	sdelay $0x3  }
0x96: {  	_ =	strace s3  }
0x97: {  	_ =	strace $0x8FFFFFFF  }
0x98: {  	s19 =	sld [smem:$0x3FDB];
	_ =	sdelay $0x1  }
0x99: {  	s4 =	simm.s32 $_scs_section_size  }
0x9a: {  	s5 =	simm.s32 $_size__tile_overlayer_lowered;
	s6 =	simm.s32 $_tile_overlayer_lowered  }
0x9b: {  	s22 =	simm.s32 $0x1BFF;
	s21 =	sshll.u32 s6, $0x1;
	s3 =	sadd.s32 s4, s19  }
0x9c: {  	s7 =	simm.s32 $0x0;
	s20 =	sshll.u32 s5, $0x1;
	s5 =	sadd.s32 s21, s3  }
0x9d: {  	[timem:s7], [sflag:s22] =	dma.local [hbm:s5], s20  }
0x9e: {  	_ =	swait.ge [sflag:s22], s20  }
0x9f: {  	s4 =	ssub.s32 $0x0, s20;
	[sflag:s22] =	ssyncset.done $0x0  }
0xa0: {  	[sflag:s22] =	ssyncadd.s32 s4;
	_ =	sdelay $0x1  }
0xa1: {  	s23 =	simm.s32 $0x1B8B  }
0xa2: {  	_ =	swait.ge [sflag:s23], $0x1  }
0xa3: {  	[sflag:s23] =	ssyncset.done $0x0  }
0xa4: {  	s25 =	simm.s32 $0x1B8E;
	s24 =	sld [smem:$0x3FFE];
	[sflag:s23] =	ssyncadd.s32 $0xFFFFFFFF  }
0xa5: {  	s26 =	simm.s32 $execute0_lowered;
	[smem:$0x3FD2] =	sst s25  }
0xa6: {  	s5 =	sshll.u32 s26, $0x1;
	_ =	strace $0x80000049;
	[dreg:$0x1] =	wrdreg $0xFFFFFFFF  }
0xa7: {  	s28 =	simm.s32 $_size_execute0_lowered;
	s3 =	sadd.s32 s3, s5;
	[dreg:$0x0] =	wrdreg $0x0  }
0xa8: {  	s5 =	sshll.u32 s28, $0x1;
	[dreg:$0x2] =	wrdreg s3  }
0xa9: {  	[dreg:$0x3] =	wrdreg s5  }
0xaa: {  	[dreg:$0x4] =	wrdreg $0xC0  }
0xab: {  	_ =	task [dreg:s7], $0x5FFFF  }
0xac: {  	[dreg:$0x1] =	wrdreg $0xFFFFFFFF  }
0xad: {  	[dreg:$0x0] =	wrdreg $0x60  }
0xae: {  	[dreg:$0x2] =	wrdreg s24  }
0xaf: {  	[dreg:$0x3] =	wrdreg s2  }
0xb0: {  	[dreg:$0x4] =	wrdreg $0xA9000  }
0xb1: {  	[dreg:$0x5] =	wrdreg $0x9  }
0xb2: {  	_ =	task.clear_ibuf [dreg:s7], $0x6FFFF;
	_ =	strace $0x90000049  }
0xb3: {  	s29 =	simm.s32 $0x9;
	_ =	strace $0x8000004B  }
0xb4: {  	_ =	swait.ge [sflag:s29], $0x1  }
0xb5: {  	[sflag:s29] =	ssyncadd.s32 $0xFFFFFFFF  }
0xb6: {  	_ =	strace $0x9000004B  }
0xb7: {  	_ =	sfence  }
0xb8: {  	s30 =	sld [smem:$0x0];
	_ =	sdelay $0x2  }
0xb9: {  	s31 =	sshll.u32 s1, $0xD;
	s1 =	sshrl.u32 s1, $0x2  }
0xba: {  	s3 =	sand.u32 $0x4000, s31;
	s1 =	sadd.s32 s1, s30  }
0xbb: {  	s0 =	sor.u32 s3, s0;
	s1 =	sshll.u32 s1, $0x11  }
0xbc: {  	s0 =	sor.u32 s1, s0  }
0xbd: {  	s0 =	sadd.s32 $0x8F2B, s0  }
0xbe: {  	[sflag:s0] =	ssyncadd.remote.s32 $0x1  }
0xbf: {  	_ =	sfence.sel $0xFFFF  }
0xc0: {  	[dreg:$0x0] =	wrdreg $0xFFFFFFFF;
	(pc) =	sbr.abs _section_cstart, $3  }
0xc1: {  	[dreg:$0x1] =	wrdreg $0xFFFFFFFF  }
0xc2: {  	_ =	task.clear_ibuf [dreg:s7], $0x2FFFF;
	_ =	strace $0x9FFFFFFF  }
0xc3: {  	(tm) =	ssettm $0x7FFFFFFF  }
tec
execute0_lowered:
.L_overlay_start_1:
0x0: {  	(tag) =	ssettag $0x1  }
0x1: {  	s0 =	rddreg [dreg:$0x0];
	s1 =	srdreg.scid  }
0x2: {  	s13 =	stileid.u32;
	s3 =	rddreg [dreg:$0x2]  }
0x3: {  	s4 =	simm.s32 $0x0;
	s28 =	simm.s32 $0x6900;
	s29 =	simm.s32 $0x80  }
0x4: {  	s30 =	simm.s32 $0x2900;
	s31 =	simm.s32 $0x1;
	s6 =	smul.u32 $0x50000, s13  }
0x5: {  	s1 =	sand.u32 $0x1, s1;
	s2 =	sshll.u32 s13, $0x1;
	s8 =	smul.u32 $0x280, s13  }
0x6: {  	[smem:$0x7FF] =	sst s4;
	s5 =	sadd.s32 $0x16E00, s0;
	s20 =	smul.u32 $0xA00, s13  }
0x7: {  	s9 =	sadd.s32 $0xCE00, s0;
	s2 =	sor.u32 s1, s2;
	s11 =	smul.u32 $0x2800, s1  }
0x8: {  	_ =	strace $0x8000004A;
	s7 =	ssub.s32 $0x2, s1;
	s1 =	smul.u32 $0x500, s1  }
0x9: {  	s2 =	smul.u32 $0x500, s2;
	s10 =	sshrl.u32 s7, $0x1;
	s6 =	sshrl.u32 s6, $0x2  }
0xa: {  	s16 =	sadd.s32 $0x80, s8;
	s19 =	sadd.s32 $0x100, s8;
	s22 =	sadd.s32 $0x180, s8  }
0xb: {  	s10 =	ssub.s32 s7, s10;
	s25 =	sadd.s32 s11, s8;
	s7 =	sadd.s32 s6, s3  }
0xc: {  	s17 =	sshll.u32 s16, $0x7;
	s21 =	sshll.u32 s19, $0x7;
	s6 =	smax.u32 s10, $0x1  }
0xd: {  	s23 =	sshll.u32 s22, $0x7;
	s10 =	sadd.s32 $0x4000, s7;
	[dreg:$0x7] =	wrdreg s6  }
0xe: {  	s12 =	sadd.s32 s2, s0;
	s15 =	sadd.s32 $0xC000, s7;
	[dreg:$0x8] =	wrdreg s10  }
0xf: {  	s0 =	sadd.s32 $0x3F600, s0;
	s14 =	sadd.s32 s9, s2;
	[dreg:$0xa] =	wrdreg s15  }
0x10: {  	s26 =	sshll.u32 s25, $0x4;
	s24 =	sadd.s32 $0x2E00, s12;
	[dreg:$0x5] =	wrdreg s14  }
0x11: {  	s8 =	sadd.s32 $0x200, s8;
	s2 =	sadd.s32 s0, s26;
	[dreg:$0x4] =	wrdreg s24  }
0x12: {  	s9 =	sadd.s32 s20, s9;
	s12 =	sadd.s32 $0x8000, s7;
	[dreg:$0x6] =	wrdreg s2  }
0x13: {  	s25 =	sshll.u32 s8, $0x7;
	s6 =	sadd.s32 $0x10000, s7;
	[dreg:$0x9] =	wrdreg s12  }
0x14: {  	s18 =	sadd.s32 $0x10, s14;
	s1 =	sadd.s32 s1, s9;
	[dreg:$0xb] =	wrdreg s6  }
0x15: {  	s9 =	sadd.s32 s23, s3;
	s2 =	sadd.s32 s11, s16;
	[dreg:$0xc] =	wrdreg s18  }
0x16: {  	s6 =	sadd.s32 s17, s3;
	s12 =	sadd.s32 s21, s3;
	s2 =	sshll.u32 s2, $0x4  }
0x17: {  	s24 =	sadd.s32 s11, s8;
	s20 =	sadd.s32 $0x20, s1;
	s2 =	sadd.s32 s0, s2  }
0x18: {  	s21 =	simm.s32 $0x100;
	[dreg:$0xd] =	wrdreg s2;
	s2 =	sadd.s32 s11, s19  }
0x19: {  	s1 =	simm.s32 $0x2;
	s26 =	sshll.u32 s24, $0x4;
	s2 =	sshll.u32 s2, $0x4  }
0x1a: {  	s23 =	sshrl.u32 s12, $0x3;
	s24 =	sshrl.u32 s9, $0x3;
	s2 =	sadd.s32 s0, s2  }
0x1b: {  	s19 =	sadd.s32 s0, s26;
	[dreg:$0xe] =	wrdreg s2;
	s2 =	sadd.s32 s11, s22  }
0x1c: {  	s26 =	simm.s32 $0x5;
	s22 =	sshrl.u32 s6, $0x3;
	s2 =	sshll.u32 s2, $0x4  }
0x1d: {  	s6 =	simm.s32 $0x0;
	s18 =	sadd.s32 s0, s2;
	s2 =	sadd.s32 s25, s3  }
0x1e: {  	s0 =	simm.s32 $0x3;
	s25 =	sshrl.u32 s2, $0x3;
	s2 =	simm.s32 $0x4  }
.LBB2_1:
0x1f: {  	s8 =	rddreg [dreg:$0x4]  }
0x20: {  	[tilespmem:s21], [sflag:$0x5] =	stream.linear.gather [hbm4b:s8+s4], $0x2800, $0x38;
	[tilespmem:$0x1E900] =	vst v63  }
0x21: {  	_ =	swait.ge [sflag:s26], $0x2800  }
0x22: {  	[sflag:s26] =	ssyncset.done $0x0  }
0x23: {  	[sflag:s26] =	ssyncadd.s32 $0xFFFFD800  }
0x24: {  	s17 =	rddreg [dreg:$0x1]  }
0x25: {  	[tilespmem:s28], [sflag:$0x5] =	stream.linear.gather [hbm4b:s17+s4], $0x4000, $0x38;
	[tilespmem:$0x1E900] =	vst v63  }
0x26: {  	_ =	swait.ge [sflag:s26], $0x4000  }
0x27: {  	[sflag:s26] =	ssyncset.done $0x0  }
0x28: {  	[sflag:s26] =	ssyncadd.s32 $0xFFFFC000  }
0x29: {  	[spmem:s7] =	stream.linear.scatter [tilespmem:s28], [sflag:$0x5], $0x4000, $0x38;
	[tilespmem:$0x1E900] =	vst v63  }
0x2a: {  	_ =	swait.ge [sflag:s26], $0x4000  }
0x2b: {  	[sflag:s26] =	ssyncset.done $0x0  }
0x2c: {  	s9 =	rddreg [dreg:$0x8];
	[sflag:s26] =	ssyncadd.s32 $0xFFFFC000  }
0x2d: {  	[spmem:s9] =	stream.linear.scatter [tilespmem:s28], [sflag:$0x5], $0x4000, $0x38;
	[tilespmem:$0x1E900] =	vst v63  }
0x2e: {  	_ =	swait.ge [sflag:s26], $0x4000  }
0x2f: {  	[sflag:s26] =	ssyncset.done $0x0  }
0x30: {  	s10 =	rddreg [dreg:$0x9];
	[sflag:s26] =	ssyncadd.s32 $0xFFFFC000  }
0x31: {  	[spmem:s10] =	stream.linear.scatter [tilespmem:s28], [sflag:$0x5], $0x4000, $0x38;
	[tilespmem:$0x1E900] =	vst v63  }
0x32: {  	_ =	swait.ge [sflag:s26], $0x4000  }
0x33: {  	[sflag:s26] =	ssyncset.done $0x0  }
0x34: {  	s11 =	rddreg [dreg:$0xa];
	[sflag:s26] =	ssyncadd.s32 $0xFFFFC000  }
0x35: {  	[spmem:s11] =	stream.linear.scatter [tilespmem:s28], [sflag:$0x5], $0x4000, $0x38;
	[tilespmem:$0x1E900] =	vst v63  }
0x36: {  	_ =	swait.ge [sflag:s26], $0x4000  }
0x37: {  	[sflag:s26] =	ssyncset.done $0x0  }
0x38: {  	s12 =	rddreg [dreg:$0xb];
	[sflag:s26] =	ssyncadd.s32 $0xFFFFC000  }
0x39: {  	[spmem:s12] =	stream.linear.scatter [tilespmem:s28], [sflag:$0x5], $0x4000, $0x38;
	[tilespmem:$0x1E900] =	vst v63  }
0x3a: {  	_ =	swait.ge [sflag:s26], $0x4000  }
0x3b: {  	[sflag:s26] =	ssyncset.done $0x0  }
0x3c: {  	[sflag:s26] =	ssyncadd.s32 $0xFFFFC000  }
0x3d: {  	[bflag:$0x0] =	sbarrier.arrive $0xFFFF  }
0x3e: {  	s13 =	rddreg [dreg:$0x5]  }
0x3f: {  	[tilespmem:s4], [sflag:$0x5] =	stream.linear.gather [hbm4b:s13+s4], $0x80, $0x38;
	[tilespmem:$0x1E900] =	vst v63  }
0x40: {  	_ =	swait.ge [sflag:s26], $0x80  }
0x41: {  	[sflag:s26] =	ssyncset.done $0x0  }
0x42: {  	[sflag:s26] =	ssyncadd.s32 $0xFFFFFF80  }
0x43: {  	[tilespmem:s30], [sflag:$0x1] =	stream.indirect.gather [hbm4b:s5+s29], $0x80, s4, s29, $0xb8;
	[tilespmem:$0x1E900] =	vst v63  }
0x44: {  	s14 =	rddreg [dreg:$0xc]  }
0x45: {  	[tilespmem:s29], [sflag:$0x5] =	stream.linear.gather [hbm4b:s14+s4], $0x80, $0x38;
	[tilespmem:$0x1E900] =	vst v63  }
0x46: {  	_ =	swait.ge [sflag:s26], $0x80  }
0x47: {  	[sflag:s26] =	ssyncset.done $0x0  }
0x48: {  	[sflag:s26] =	ssyncadd.s32 $0xFFFFFF80  }
0x49: {  	[tilespmem:s28], [sflag:$0x2] =	stream.indirect.gather [hbm4b:s5+s29], $0x80, s29, s29, $0xb8;
	[tilespmem:$0x1E900] =	vst v63  }
0x4a: {  	_ =	swait.ge [sflag:s31], $0x4000  }
0x4b: {  	[sflag:s31] =	ssyncset.done $0x0  }
0x4c: {  	s15 =	sand.u32 $0x1, s1;
	[sflag:s31] =	ssyncadd.s32 $0xFFFFC000  }
0x4d: {  	[spmem:s3] =	stream.indirect.scatter.add.f32 [tilespmem:s30], [sflag:$0x3], $0x80, s21, s29, $0xb8;
	[tilespmem:$0x1E900] =	vst v63  }
0x4e: {  	s10 =	sshll.u32 s15, $0x7  }
0x4f: {  	[tilespmem:s10], [sflag:$0x5] =	stream.linear.gather [hbm4b:s20+s4], $0x80, $0x38;
	[tilespmem:$0x1E900] =	vst v63  }
0x50: {  	_ =	swait.ge [sflag:s26], $0x80  }
0x51: {  	s8 =	sadd.s32 $0x1, s15;
	s9 =	simm.s32 $0x180;
	[sflag:s26] =	ssyncset.done $0x0  }
0x52: {  	s11 =	sadd.s32 $0x3, s15;
	s12 =	sshll.u32 s15, $0xE;
	[sflag:s26] =	ssyncadd.s32 $0xFFFFFF80  }
0x53: {  	s16 =	sor.u32 $0x2900, s12;
	s13 =	simm.s32 $0x1;
	_ =	swait.ge [sflag:s11], $0x4000  }
0x54: {  	s14 =	sand.u32 $0x1, s13;
	s13 =	simm.s32 $0x3;
	[sflag:s11] =	ssyncset.done $0x0  }
0x55: {  	s17 =	sshll.u32 s14, $0xE;
	s12 =	sadd.s32 $0x1, s14;
	[sflag:s11] =	ssyncadd.s32 $0xFFFFC000  }
0x56: {  	[tilespmem:s16], [sflag:s8] =	stream.indirect.gather [hbm4b:s5+s29], $0x80, s10, s29, $0xb8;
	[tilespmem:$0x1E900] =	vst v63  }
0x57: {  	s14 =	sadd.s32 $0x3, s14;
	s11 =	simm.s32 $0x200;
	_ =	swait.ge [sflag:s12], $0x4000  }
0x58: {  	s10 =	sadd.s32 $0x10, s20;
	s8 =	sor.u32 $0x2900, s17;
	[sflag:s12] =	ssyncset.done $0x0  }
.LBB2_2:
0x59: {  	s15 =	sand.u32 $0x1, s13  }
0x5a: {  	[sflag:s12] =	ssyncadd.s32 $0xFFFFC000;
	s12 =	smov.u32 s13;
	s16 =	sadd.s32 $0x1, s13  }
0x5b: {  	[spmem:s3] =	stream.indirect.scatter.add.f32 [tilespmem:s8], [sflag:s14], $0x80, s9, s29, $0xb8;
	[tilespmem:$0x1E900] =	vst v63  }
0x5c: {  	p0 =	sne.s32 s13, $0x4F;
	s8 =	sshll.u32 s15, $0x7;
	s14 =	sshll.u32 s15, $0xE  }
0x5d: {  	[tilespmem:s8], [sflag:$0x5] =	stream.linear.gather [hbm4b:s10+s4], $0x80, $0x38;
	[tilespmem:$0x1E900] =	vst v63  }
0x5e: {  	s9 =	smov.u32 s11;
	_ =	swait.ge [sflag:s26], $0x80  }
0x5f: {  	[sflag:s26] =	ssyncset.done $0x0  }
0x60: {  	s13 =	sadd.s32 $0x3, s15;
	[sflag:s26] =	ssyncadd.s32 $0xFFFFFF80  }
0x61: {  	s12 =	sadd.s32 $0xFFFFFFFF, s12;
	_ =	swait.ge [sflag:s13], $0x4000  }
0x62: {  	s15 =	sadd.s32 $0x1, s15;
	s17 =	sand.u32 $0x1, s12;
	[sflag:s13] =	ssyncset.done $0x0  }
.Ltmp0:
0x63: {  	s12 =	sor.u32 $0x2900, s14;
	[sflag:s13] =	ssyncadd.s32 $0xFFFFC000;
	(pc) =	sbr.rel @p0 .LBB2_2-.Ltmp0, $4  }
0x64: {  	[tilespmem:s12], [sflag:s15] =	stream.indirect.gather [hbm4b:s5+s29], $0x80, s8, s29, $0xb8;
	[tilespmem:$0x1E900] =	vst v63  }
0x65: {  	s11 =	sadd.s32 $0x80, s11;
	s8 =	sshll.u32 s17, $0xE;
	s12 =	sadd.s32 $0x1, s17  }
0x66: {  	s10 =	sadd.s32 $0x10, s10;
	s14 =	sadd.s32 $0x3, s17;
	_ =	swait.ge [sflag:s12], $0x4000  }
0x67: {  	s13 =	smov.u32 s16;
	s8 =	sor.u32 $0x2900, s8;
	[sflag:s12] =	ssyncset.done $0x0  }
0x68: {  	[sflag:s12] =	ssyncadd.s32 $0xFFFFC000  }
0x69: {  	[spmem:s3] =	stream.indirect.scatter.add.f32 [tilespmem:s8], [sflag:s14], $0x80, s9, s29, $0xb8;
	[tilespmem:$0x1E900] =	vst v63  }
0x6a: {  	_ =	swait.ge [sflag:s1], $0x4000  }
0x6b: {  	[sflag:s1] =	ssyncset.done $0x0  }
0x6c: {  	s12 =	simm.s32 $0x2880;
	[sflag:s1] =	ssyncadd.s32 $0xFFFFC000  }
0x6d: {  	[spmem:s3] =	stream.indirect.scatter.add.f32 [tilespmem:s28], [sflag:$0x4], $0x80, s12, s29, $0xb8;
	[tilespmem:$0x1E900] =	vst v63  }
0x6e: {  	_ =	swait.ge [sflag:s0], $0x4000  }
0x6f: {  	[sflag:s0] =	ssyncset.done $0x0  }
0x70: {  	[sflag:s0] =	ssyncadd.s32 $0xFFFFC000  }
0x71: {  	_ =	swait.ge [sflag:s2], $0x4000  }
0x72: {  	[sflag:s2] =	ssyncset.done $0x0  }
0x73: {  	s13 =	stileid.u32;
	[sflag:s2] =	ssyncadd.s32 $0xFFFFC000  }
0x74: {  	s8 =	sshll.u32 s13, $0x6;
	[bflag:$0x0] =	sbarrier.arrive $0xFFFF  }
0x75: {  	s14 =	sshrl.u32 s7, $0x3;
	s8 =	sor.u32 $0x1C05, s8;
	s10 =	rddreg [dreg:$0x6]  }
0x76: {  	[hbm:s10], [sflag:s8] =	dma.local [spmem:s14], $0x800  }
0x77: {  	_ =	swait.ge [sflag:s26], $0x800  }
0x78: {  	[sflag:s26] =	ssyncset.done $0x0  }
0x79: {  	s15 =	rddreg [dreg:$0xd];
	[sflag:s26] =	ssyncadd.s32 $0xFFFFF800  }
0x7a: {  	[hbm:s15], [sflag:s8] =	dma.local [spmem:s22], $0x800  }
0x7b: {  	_ =	swait.ge [sflag:s26], $0x800  }
0x7c: {  	[sflag:s26] =	ssyncset.done $0x0  }
0x7d: {  	s16 =	rddreg [dreg:$0xe];
	[sflag:s26] =	ssyncadd.s32 $0xFFFFF800  }
0x7e: {  	[hbm:s16], [sflag:s8] =	dma.local [spmem:s23], $0x800  }
0x7f: {  	_ =	swait.ge [sflag:s26], $0x800  }
0x80: {  	[sflag:s26] =	ssyncset.done $0x0  }
0x81: {  	[sflag:s26] =	ssyncadd.s32 $0xFFFFF800  }
0x82: {  	[hbm:s18], [sflag:s8] =	dma.local [spmem:s24], $0x800  }
0x83: {  	_ =	swait.ge [sflag:s26], $0x800  }
0x84: {  	[sflag:s26] =	ssyncset.done $0x0  }
0x85: {  	[sflag:s26] =	ssyncadd.s32 $0xFFFFF800  }
0x86: {  	[hbm:s19], [sflag:s8] =	dma.local [spmem:s25], $0x800  }
0x87: {  	_ =	swait.ge [sflag:s26], $0x800  }
0x88: {  	s6 =	sadd.s32 $0x1, s6;
	s17 =	rddreg [dreg:$0x7]  }
0x89: {  	p0 =	sne.s32 s6, s17  }
.Ltmp1:
0x8a: {  	_ = 	snop;
	(pc) =	sbr.rel @p0 .LBB2_1-.Ltmp1, $3  }
0x8b: {  	_ =	sdelay $0x1  }
0x8c: {  	[sflag:s26] =	ssyncset.done $0x0  }
0x8d: {  	[sflag:s26] =	ssyncadd.s32 $0xFFFFF800  }
0x8e: {  	_ =	sfence.sel $0x180000  }
0x8f: {  	[bflag:$0x0] =	sbarrier.arrive $0xFFFF  }
0x90: {  	_ =	strace $0x9000004A  }
0x91: {  	s0 =	stileid.u32;
	[bflag:$0x2] =	sbarrier.arrive $0xFFFF  }
0x92: {  	p0 =	sne.s32 s0, $0x0;
	s0 =	rddreg [dreg:$0x3]  }
0x93: {  	s0 =	sadd.s32 @!p0 $0x100000, s0  }
0x94: {  	[sflag:s0] =	ssyncadd.tile.s32 @!p0 $0x1;
	_ =	shalt  }
.Lfunc_end2:
_tile_overlayer_lowered:
.L_overlay_start_2:
0x95: {  	(tag) =	ssettag $0x2  }
0x96: {  	s0 =	rddreg [dreg:$0x0];
	s2 =	stileid.u32  }
0x97: {  	s1 =	rddreg [dreg:$0x1];
	p0 =	sne.s32 s2, $0x0  }
0x98: {  	s3 =	rddreg [dreg:$0x2];
	[bflag:$0x3] =	sbarrier.arrive $0xFFFF;
	s2 =	simm.s32 @!p0 $0x1C05  }
0x99: {  	[timem:s3], [sflag:s2] =	dma.local @!p0 [hbm:s0], s1  }
0x9a: {  	s0 =	simm.s32 @!p0 $0x5  }
0x9b: {  	_ =	swait.ge @!p0 [sflag:s0], s1  }
0x9c: {  	s1 =	ssub.s32 @!p0 $0x0, s1;
	[sflag:s0] =	ssyncset.done @!p0 $0x0  }
0x9d: {  	[sflag:s0] =	ssyncadd.s32 @!p0 s1  }
0x9e: {  	[bflag:$0x3] =	sbarrier.arrive $0xFFFF  }
0x9f: {  	_ =	shalt  }

// kernel: kernel.14.cloned.1.call-start
scs
__scs_entry_jumppad:
0x0: {  	(pc) =	sbr.rel $0x88, $3  }
0x1: {  	(tag) =	ssettag $0x0;
	lr =	simm.s32 $0x1  }
0x2: {  	[smem:$0x3F99] =	sst lr;
	_ =	strace $0xD0000000  }
0x3: {  	_ = 	snop  }
0x4: {  	_ = 	snop  }
0x5: {  	_ = 	snop  }
0x6: {  	_ = 	snop  }
0x7: {  	_ = 	snop  }
__scs_overlays_trampoline_lowered:
0x8: {  	[smem:$0x3FA8] =	sst s0  }
0x9: {  	[smem:$0x3FA9] =	sst s1  }
0xa: {  	[smem:$0x3FAA] =	sst s2  }
0xb: {  	[smem:$0x3FAB] =	sst s3  }
0xc: {  	[smem:$0x3FAC] =	sst s4  }
0xd: {  	[smem:$0x3FAD] =	sst s5  }
0xe: {  	[smem:$0x3FAE] =	sst s6  }
0xf: {  	[smem:$0x3FAF] =	sst s7  }
0x10: {  	[smem:$0x3FB0] =	sst s8  }
0x11: {  	[smem:$0x3FB1] =	sst s9;
	s0 =	simm.s32 @!p0 $0x0  }
0x12: {  	s1 =	sld [smem:$0x3F97];
	s0 =	simm.s32 @p0 $0x1  }
0x13: {  	[smem:$0x3FB2] =	sst s0;
	s0 =	simm.s32 @!p1 $0x0  }
0x14: {  	s2 =	sld [smem:$0x3F96];
	s0 =	simm.s32 @p1 $0x1  }
0x15: {  	[smem:$0x3FB3] =	sst s0;
	s0 =	simm.s32 @!p2 $0x0  }
0x16: {  	s3 =	sld [smem:$0x3FDB];
	s0 =	simm.s32 @p2 $0x1  }
0x17: {  	s4 =	simm.s32 $0x1BF5;
	[smem:$0x3FB5] =	sst s0  }
0x18: {  	s0 =	sld [smem:$0x3F98];
	_ =	swait.ge [sflag:s4], $0x0  }
0x19: {  	s7 =	sld [smem:$0x3F99]  }
0x1a: {  	s8 =	sadd.s32 $0xFFFFE003, lr  }
0x1b: {  	s9 =	sadd.s32 $0xFFFFFEF7, lr;
	s5 =	simm.s32 $0xFFFFFFFF;
	p2 =	slt.u32 s8, $0xFFFFF086  }
0x1c: {  	p1 =	slt.u32 s9, $0xF7A;
	s5 =	simm.s32 @!p2 $0x0  }
0x1d: {  	s5 =	simm.s32 @p1 $0x1;
	p0 =	seq.s32 s7, s2  }
0x1e: {  	s7 =	smul.u32 @!p0 $0xF7A, s2;
	p2 =	seq.s32 @!p0 s5, $0x0  }
0x1f: {  	s9 =	smul.u32 $0xF7A, s1;
	s8 =	simm.s32 @!p0 $0x1BF5;
	p2 =	por !p2, p0  }
0x20: {  	[sflag:s8] =	ssyncset.s32 @!p0 $0xFFFFF086;
	s6 =	sadd.s32 @!p0 s3, s7;
	s7 =	simm.s32 @!p0 $0x108  }
0x21: {  	s3 =	sadd.s32 s3, s9;
	s6 =	sadd.s32 @!p0 $0x88, s6;
	s7 =	simm.s32 @p2 $0x1082  }
0x22: {  	[simem:s7], [sflag:s8] =	dma.local @!p0 [hbm:s6], $0xF7A  }
0x23: {  	s9 =	sor.u32 $0xD0000000, s2;
	s6 =	simm.s32 $0x108;
	_ =	swait.ge @!p0 [sflag:s8], $0x0  }
0x24: {  	s3 =	sadd.s32 $0x88, s3;
	s6 =	simm.s32 @!p1 $0x1082;
	[sflag:s4] =	ssyncset.s32 $0xFFFFF086  }
0x25: {  	[simem:s6], [sflag:s4] =	dma.local [hbm:s3], $0xF7A  }
0x26: {  	[smem:$0x3F99] =	sst s1;
	(tag) =	ssettag s2;
	_ =	strace s9  }
0x27: {  	s1 =	sld [smem:$0x3FA9]  }
0x28: {  	s2 =	sld [smem:$0x3FAA]  }
0x29: {  	s4 =	sld [smem:$0x3FAC]  }
0x2a: {  	p0 =	seq.s32 s5, $0x0;
	s5 =	sld [smem:$0x3FAD]  }
0x2b: {  	s6 =	sld [smem:$0x3FAE]  }
0x2c: {  	s7 =	sld [smem:$0x3FAF]  }
0x2d: {  	s3 =	simm.s32 $0x108;
	s8 =	sld [smem:$0x3FB0]  }
0x2e: {  	s3 =	simm.s32 @!p0 $0x1082;
	s9 =	sld [smem:$0x3FB1]  }
0x2f: {  	lr =	sadd.s32 s0, s3;
	s0 =	sld [smem:$0x3FA8]  }
0x30: {  	s3 =	sld [smem:$0x3FAB]  }
0x31: {  	[smem:$0x3FB4] =	sst s10  }
0x32: {  	s10 =	sld [smem:$0x3FB2];
	_ =	sdelay $0x3  }
0x33: {  	p0 =	seq.s32 s10, $0x1;
	s10 =	sld [smem:$0x3FB4];
	_ =	sdelay $0x3  }
0x34: {  	[smem:$0x3FB4] =	sst s10  }
0x35: {  	s10 =	sld [smem:$0x3FB3];
	_ =	sdelay $0x3  }
0x36: {  	p1 =	seq.s32 s10, $0x1;
	s10 =	sld [smem:$0x3FB4];
	_ =	sdelay $0x3  }
0x37: {  	[smem:$0x3FB4] =	sst s10  }
0x38: {  	s10 =	sld [smem:$0x3FB5]  }
0x39: {  	_ = 	snop;
	(pc) =	sbr.ind lr, $3  }
0x3a: {  	_ = 	snop  }
0x3b: {  	_ = 	snop  }
0x3c: {  	p2 =	seq.s32 s10, $0x1;
	s10 =	sld [smem:$0x3FB4]  }
0x3d: {  	_ =	shalt  }
0x3e: {  	_ =	shalt  }
0x3f: {  	_ =	shalt  }
0x40: {  	_ =	shalt  }
0x41: {  	_ =	shalt  }
0x42: {  	_ =	shalt  }
0x43: {  	_ =	shalt  }
0x44: {  	_ =	shalt  }
0x45: {  	_ =	shalt  }
0x46: {  	_ =	shalt  }
0x47: {  	_ =	shalt  }
0x48: {  	_ =	shalt  }
0x49: {  	_ =	shalt  }
0x4a: {  	_ =	shalt  }
0x4b: {  	_ =	shalt  }
0x4c: {  	_ =	shalt  }
0x4d: {  	_ =	shalt  }
0x4e: {  	_ =	shalt  }
0x4f: {  	_ =	shalt  }
0x50: {  	_ =	shalt  }
0x51: {  	_ =	shalt  }
0x52: {  	_ =	shalt  }
0x53: {  	_ =	shalt  }
0x54: {  	_ =	shalt  }
0x55: {  	_ =	shalt  }
0x56: {  	_ =	shalt  }
0x57: {  	_ =	shalt  }
0x58: {  	_ =	shalt  }
0x59: {  	_ =	shalt  }
0x5a: {  	_ =	shalt  }
0x5b: {  	_ =	shalt  }
0x5c: {  	_ =	shalt  }
0x5d: {  	_ =	shalt  }
0x5e: {  	_ =	shalt  }
0x5f: {  	_ =	shalt  }
0x60: {  	_ =	shalt  }
0x61: {  	_ =	shalt  }
0x62: {  	_ =	shalt  }
0x63: {  	_ =	shalt  }
0x64: {  	_ =	shalt  }
0x65: {  	_ =	shalt  }
0x66: {  	_ =	shalt  }
0x67: {  	_ =	shalt  }
0x68: {  	_ =	shalt  }
0x69: {  	_ =	shalt  }
0x6a: {  	_ =	shalt  }
0x6b: {  	_ =	shalt  }
0x6c: {  	_ =	shalt  }
0x6d: {  	_ =	shalt  }
0x6e: {  	_ =	shalt  }
0x6f: {  	_ =	shalt  }
0x70: {  	_ =	shalt  }
0x71: {  	_ =	shalt  }
0x72: {  	_ =	shalt  }
0x73: {  	_ =	shalt  }
0x74: {  	_ =	shalt  }
0x75: {  	_ =	shalt  }
0x76: {  	_ =	shalt  }
0x77: {  	_ =	shalt  }
0x78: {  	_ =	shalt  }
0x79: {  	_ =	shalt  }
0x7a: {  	_ =	shalt  }
0x7b: {  	_ =	shalt  }
0x7c: {  	_ =	shalt  }
0x7d: {  	_ =	shalt  }
0x7e: {  	_ =	shalt  }
0x7f: {  	_ =	shalt  }
0x80: {  	_ =	shalt  }
0x81: {  	_ =	shalt  }
0x82: {  	_ =	shalt  }
0x83: {  	_ =	shalt  }
0x84: {  	_ =	shalt  }
0x85: {  	_ =	shalt  }
0x86: {  	_ =	shalt  }
0x87: {  	_ =	shalt  }
.Lfunc_end0:
.L_simem_size_0:
called_computation.2_lowered:
.L_overlay_start_0:
0x88: {  	s2 =	sld [smem:$0x3FD9]  }
0x89: {  	s3 =	sld [smem:$0x3FFE];
	_ =	sdelay $0x1  }
0x8a: {  	s1 =	srdreg.scid  }
0x8b: {  	s0 =	sand.u32 $0x1, s1  }
0x8c: {  	s16 =	sshll.u32 s0, $0xA;
	s2 =	sadd.s32 s3, s2  }
0x8d: {  	s2 =	sadd.s32 s2, s16  }
0x8e: {  	[smem:$0x3FC0] =	sst s2  }
0x8f: {  	_ = 	snop  }
0x90: {  	(tm) =	ssettm $0x1  }
0x91: {  	s17 =	sld [smem:$0x3FFB];
	_ =	sdelay $0x3  }
0x92: {  	_ =	strace s17  }
0x93: {  	s2 =	sld [smem:$0x3FFC];
	_ =	sdelay $0x3  }
0x94: {  	_ =	strace s2  }
0x95: {  	s2 =	sld [smem:$0x3FFD];
	_ =	sdelay $0x3  }
0x96: {  	_ =	strace s2  }
0x97: {  	_ =	strace $0x8FFFFFFF  }
0x98: {  	s18 =	sld [smem:$0x3FDB];
	_ =	sdelay $0x1  }
0x99: {  	s19 =	simm.s32 $_scs_section_size  }
0x9a: {  	s4 =	simm.s32 $_size__tile_overlayer_lowered;
	s5 =	simm.s32 $_tile_overlayer_lowered  }
0x9b: {  	s22 =	simm.s32 $0x1BFF;
	s21 =	sshll.u32 s5, $0x1;
	s2 =	sadd.s32 s19, s18  }
0x9c: {  	s6 =	simm.s32 $0x0;
	s20 =	sshll.u32 s4, $0x1;
	s4 =	sadd.s32 s21, s2  }
0x9d: {  	[timem:s6], [sflag:s22] =	dma.local [hbm:s4], s20  }
0x9e: {  	_ =	swait.ge [sflag:s22], s20  }
0x9f: {  	s3 =	ssub.s32 $0x0, s20;
	[sflag:s22] =	ssyncset.done $0x0  }
0xa0: {  	[sflag:s22] =	ssyncadd.s32 s3;
	_ =	sdelay $0x1  }
0xa1: {  	s23 =	simm.s32 $0x1B8B  }
0xa2: {  	_ =	swait.ge [sflag:s23], $0x1  }
0xa3: {  	[sflag:s23] =	ssyncset.done $0x0  }
0xa4: {  	s25 =	simm.s32 $0x1B8E;
	s24 =	sld [smem:$0x3FFE];
	[sflag:s23] =	ssyncadd.s32 $0xFFFFFFFF  }
0xa5: {  	s26 =	simm.s32 $execute0_lowered;
	[smem:$0x3FD2] =	sst s25  }
0xa6: {  	s4 =	sshll.u32 s26, $0x1;
	_ =	strace $0x8000004C;
	[dreg:$0x1] =	wrdreg $0xFFFFFFFF  }
0xa7: {  	s28 =	simm.s32 $_size_execute0_lowered;
	s2 =	sadd.s32 s2, s4;
	[dreg:$0x0] =	wrdreg $0x0  }
0xa8: {  	s4 =	sshll.u32 s28, $0x1;
	[dreg:$0x2] =	wrdreg s2  }
0xa9: {  	[dreg:$0x3] =	wrdreg s4  }
0xaa: {  	[dreg:$0x4] =	wrdreg $0xC0  }
0xab: {  	_ =	task [dreg:s6], $0x5FFFF  }
0xac: {  	[dreg:$0x1] =	wrdreg $0xFFFFFFFF  }
0xad: {  	[dreg:$0x0] =	wrdreg $0x60  }
0xae: {  	[dreg:$0x2] =	wrdreg s24  }
0xaf: {  	[dreg:$0x3] =	wrdreg $0x9  }
0xb0: {  	_ =	task.clear_ibuf [dreg:s6], $0x4FFFF;
	_ =	strace $0x9000004C  }
0xb1: {  	s29 =	simm.s32 $0x9;
	_ =	strace $0x8000004E  }
0xb2: {  	_ =	swait.ge [sflag:s29], $0x1  }
0xb3: {  	[sflag:s29] =	ssyncadd.s32 $0xFFFFFFFF  }
0xb4: {  	_ =	strace $0x9000004E  }
0xb5: {  	_ =	sfence  }
0xb6: {  	s30 =	sld [smem:$0x0];
	_ =	sdelay $0x2  }
0xb7: {  	s31 =	sshll.u32 s1, $0xD;
	s1 =	sshrl.u32 s1, $0x2  }
0xb8: {  	s3 =	sand.u32 $0x4000, s31;
	s1 =	sadd.s32 s1, s30  }
0xb9: {  	s0 =	sor.u32 s3, s0;
	s1 =	sshll.u32 s1, $0x11  }
0xba: {  	s0 =	sor.u32 s1, s0  }
0xbb: {  	s0 =	sadd.s32 $0x8F2B, s0  }
0xbc: {  	[sflag:s0] =	ssyncadd.remote.s32 $0x1  }
0xbd: {  	_ =	sfence.sel $0xFFFF  }
0xbe: {  	[dreg:$0x0] =	wrdreg $0xFFFFFFFF;
	(pc) =	sbr.abs _section_cstart, $3  }
0xbf: {  	[dreg:$0x1] =	wrdreg $0xFFFFFFFF  }
0xc0: {  	_ =	task.clear_ibuf [dreg:s6], $0x2FFFF;
	_ =	strace $0x9FFFFFFF  }
0xc1: {  	(tm) =	ssettm $0x7FFFFFFF  }
tec
execute0_lowered:
.L_overlay_start_1:
0x0: {  	(tag) =	ssettag $0x1  }
0x1: {  	s1 =	srdreg.scid;
	s0 =	stileid.u32  }
0x2: {  	s4 =	rddreg [dreg:$0x0];
	s2 =	simm.s32 $0x0;
	s10 =	simm.s32 $0x2800  }
0x3: {  	s11 =	simm.s32 $0x80;
	s12 =	simm.s32 $0x5000;
	s13 =	simm.s32 $0xD000  }
0x4: {  	s14 =	simm.s32 $0x5;
	s15 =	simm.s32 $0x6;
	s16 =	simm.s32 $0x0  }
0x5: {  	s3 =	sand.u32 $0x1, s1;
	s5 =	sshll.u32 s0, $0x1;
	s1 =	rddreg [dreg:$0x1]  }
0x6: {  	[smem:$0x7FF] =	sst s2;
	s5 =	sor.u32 s3, s5;
	s7 =	ssub.s32 $0x2, s3  }
0x7: {  	_ =	strace $0x8000004D;
	s6 =	smul.u32 $0x500, s5;
	s8 =	sshrl.u32 s7, $0x1  }
0x8: {  	s3 =	sadd.s32 $0x16E00, s4;
	s5 =	smul.u32 $0x50, s5;
	s8 =	ssub.s32 s7, s8  }
0x9: {  	s9 =	sadd.s32 s6, s4;
	s4 =	sadd.s32 $0x3EE00, s4;
	s8 =	smax.u32 s8, $0x1  }
0xa: {  	s6 =	sadd.s32 $0xCE00, s9;
	s7 =	sadd.s32 $0x2E00, s9;
	s9 =	simm.s32 $0x7  }
.LBB2_1:
0xb: {  	[tilespmem:s2], [sflag:$0x7] =	stream.linear.gather [hbm4b:s6+s2], $0x2800, $0x38;
	[tilespmem:$0x1D000] =	vst v63  }
0xc: {  	_ =	swait.ge [sflag:s9], $0x2800  }
0xd: {  	[sflag:s9] =	ssyncset.done $0x0  }
0xe: {  	[sflag:s9] =	ssyncadd.s32 $0xFFFFD800  }
0xf: {  	[tilespmem:s10], [sflag:$0x7] =	stream.linear.gather [hbm4b:s7+s2], $0x2800, $0x38;
	[tilespmem:$0x1D000] =	vst v63  }
0x10: {  	_ =	swait.ge [sflag:s9], $0x2800  }
0x11: {  	[sflag:s9] =	ssyncset.done $0x0  }
0x12: {  	[sflag:s9] =	ssyncadd.s32 $0xFFFFD800  }
0x13: {  	[tilespmem:s12], [sflag:$0x1] =	stream.indirect.gather [hbm4b:s3+s11], $0x80, s2, s11, $0xb8;
	[tilespmem:$0x1D000] =	vst v63  }
0x14: {  	p0 =	por $0x0, $0x0;
	s18 =	simm.s32 $0x0  }
0x15: {  	[tilespmem:s13], [sflag:$0x3] =	stream.indirect.gather [hbm4b:s3+s11], $0x80, s10, s11, $0xb8;
	[tilespmem:$0x1D000] =	vst v63  }
.LBB2_2:
0x16: {  	s17 =	sadd.s32 $0x1, s18;
	p1 =	seq.s32 s18, $0x4F  }
0x17: {  	s19 =	sand.u32 $0x1, s18;
	s20 =	sand.u32 @!p1 $0x1, s17  }
0x18: {  	s23 =	sshll.u32 @!p1 s17, $0x7;
	s25 =	simm.s32 @!p1 $0x80;
	s21 =	sshll.u32 @!p1 s20, $0xE  }
0x19: {  	s29 =	sadd.s32 $0x1, s19;
	s24 =	sadd.s32 @!p1 $0x1, s20;
	s22 =	sadd.s32 @!p1 $0x5000, s21  }
0x1a: {  	[tilespmem:s22], [sflag:s24] =	stream.indirect.gather @!p1 [hbm4b:s3+s25], $0x80, s23, s25, $0xb8;
	[tilespmem:$0x1D000] =	vst v63  }
0x1b: {  	s20 =	sadd.s32 @!p1 $0x3, s20;
	s21 =	sadd.s32 @!p1 $0xD000, s21;
	s22 =	sadd.s32 @!p1 $0x2800, s23  }
0x1c: {  	[tilespmem:s21], [sflag:s20] =	stream.indirect.gather @!p1 [hbm4b:s3+s25], $0x80, s22, s25, $0xb8;
	[tilespmem:$0x1D000] =	vst v63  }
0x1d: {  	_ =	swait.ge [sflag:s29], $0x4000  }
0x1e: {  	[sflag:s29] =	ssyncset.done $0x0  }
0x1f: {  	s30 =	sadd.s32 $0x3, s19;
	[sflag:s29] =	ssyncadd.s32 $0xFFFFC000  }
0x20: {  	_ =	swait.ge [sflag:s30], $0x4000  }
0x21: {  	p1 =	slt.u32 s18, $0x2;
	[sflag:s30] =	ssyncset.done $0x0  }
0x22: {  	s21 =	simm.s32 $0x1;
	s20 =	sadd.s32 @!p1 $0x5, s19;
	[sflag:s30] =	ssyncadd.s32 $0xFFFFC000  }
0x23: {  	s21 =	simm.s32 @!p0 $0x0;
	_ =	swait.ge @!p1 [sflag:s20], $0x4000  }
0x24: {  	s21 =	sshll.u32 s21, $0xE;
	[sflag:s20] =	ssyncset.done @!p1 $0x0  }
0x25: {  	s31 =	sadd.s32 $0x5200, s21;
	[sflag:s20] =	ssyncadd.s32 @!p1 $0xFFFFC000  }
0x26: {  	s20 =	sadd.s32 $0xD200, s21;
	v0 =	vld [tilespmem:s31+$0x180]  }
0x27: {  	v1 =	vld [tilespmem:s20+$0x180]  }
0x28: {  	v2 =	vld [tilespmem:s31+$0x190]  }
0x29: {  	v3 =	vld [tilespmem:s20+$0x190]  }
0x2a: {  	v4 =	vld [tilespmem:s31+$0x1A0]  }
0x2b: {  	v5 =	vld [tilespmem:s20+$0x1A0]  }
0x2c: {  	v6 =	vld [tilespmem:s31+$0x1B0]  }
0x2d: {  	v7 =	vld [tilespmem:s20+$0x1B0]  }
0x2e: {  	v8 =	vld [tilespmem:s31+$0x1C0]  }
0x2f: {  	v9 =	vld [tilespmem:s20+$0x1C0]  }
0x30: {  	v10 =	vld [tilespmem:s31+$0x1D0]  }
0x31: {  	v11 =	vld [tilespmem:s20+$0x1D0]  }
0x32: {  	v12 =	vld [tilespmem:s31+$0x1E0]  }
0x33: {  	v13 =	vld [tilespmem:s20+$0x1E0]  }
0x34: {  	v14 =	vld [tilespmem:s31+$0x1F0]  }
0x35: {  	v15 =	vld [tilespmem:s20+$0x1F0]  }
0x36: {  	v16 =	vld [tilespmem:s20+$0xFFFFFE00]  }
0x37: {  	v17 =	vld [tilespmem:s31+$0xFFFFFE80]  }
0x38: {  	v18 =	vld [tilespmem:s20+$0xFFFFFE80]  }
0x39: {  	v19 =	vld [tilespmem:s31+$0xFFFFFF00]  }
0x3a: {  	v20 =	vld [tilespmem:s20+$0xFFFFFF00]  }
0x3b: {  	v21 =	vld [tilespmem:s31+$0xFFFFFF80]  }
0x3c: {  	v22 =	vld [tilespmem:s20+$0xFFFFFF80]  }
0x3d: {  	v23 =	vld [tilespmem:s31+$0x0]  }
0x3e: {  	v24 =	vld [tilespmem:s20+$0x0]  }
0x3f: {  	v25 =	vld [tilespmem:s31+$0x80]  }
0x40: {  	v26 =	vld [tilespmem:s20+$0x80]  }
0x41: {  	v27 =	vld [tilespmem:s31+$0x100]  }
0x42: {  	v28 =	vld [tilespmem:s20+$0x100]  }
0x43: {  	v29 =	vld [tilespmem:s31+$0xFFFFFE00]  }
0x44: {  	v30 =	vld [tilespmem:s31+$0xFFFFFE10]  }
0x45: {  	v31 =	vld [tilespmem:s20+$0xFFFFFE10]  }
0x46: {  	v32 =	vld [tilespmem:s31+$0xFFFFFE90]  }
0x47: {  	v33 =	vld [tilespmem:s20+$0xFFFFFE90]  }
0x48: {  	v34 =	vld [tilespmem:s31+$0xFFFFFF10]  }
0x49: {  	v35 =	vld [tilespmem:s20+$0xFFFFFF10]  }
0x4a: {  	v36 =	vld [tilespmem:s31+$0xFFFFFF90]  }
0x4b: {  	v37 =	vld [tilespmem:s20+$0xFFFFFF90]  }
0x4c: {  	v38 =	vld [tilespmem:s31+$0x10]  }
0x4d: {  	v39 =	vld [tilespmem:s20+$0x10]  }
0x4e: {  	v40 =	vld [tilespmem:s31+$0x90]  }
0x4f: {  	v41 =	vld [tilespmem:s20+$0x90]  }
0x50: {  	v42 =	vld [tilespmem:s31+$0x110]  }
0x51: {  	v43 =	vld [tilespmem:s20+$0x110]  }
0x52: {  	v44 =	vld [tilespmem:s31+$0xFFFFFE20]  }
0x53: {  	v45 =	vld [tilespmem:s20+$0xFFFFFE20]  }
0x54: {  	v46 =	vld [tilespmem:s31+$0xFFFFFEA0]  }
0x55: {  	v47 =	vld [tilespmem:s20+$0xFFFFFEA0]  }
0x56: {  	v48 =	vld [tilespmem:s31+$0xFFFFFF20]  }
0x57: {  	v49 =	vld [tilespmem:s20+$0xFFFFFF20]  }
0x58: {  	v50 =	vld [tilespmem:s31+$0xFFFFFFA0]  }
0x59: {  	v51 =	vld [tilespmem:s20+$0xFFFFFFA0]  }
0x5a: {  	v52 =	vld [tilespmem:s31+$0x20]  }
0x5b: {  	v53 =	vld [tilespmem:s20+$0x20]  }
0x5c: {  	v54 =	vld [tilespmem:s31+$0xA0]  }
0x5d: {  	v55 =	vld [tilespmem:s20+$0xA0]  }
0x5e: {  	v56 =	vld [tilespmem:s31+$0x120]  }
0x5f: {  	v62 =	vld [tilespmem:s31+$0xFFFFFF30]  }
0x60: {  	v57 =	vld [tilespmem:s20+$0x120]  }
0x61: {  	v58 =	vld [tilespmem:s31+$0xFFFFFE30]  }
0x62: {  	v59 =	vld [tilespmem:s20+$0xFFFFFE30]  }
0x63: {  	v60 =	vld [tilespmem:s31+$0xFFFFFEB0]  }
0x64: {  	v61 =	vld [tilespmem:s20+$0xFFFFFEB0];
	[tilespmem:$0x1FF00] =	vst v62  }
0x65: {  	v62 =	vld [tilespmem:s31+$0xFFFFFFB0];
	_ =	sdelay $0x4  }
0x66: {  	v63 =	vld [tilespmem:s20+$0xFFFFFF30];
	[tilespmem:$0x1FF10] =	vst v62  }
0x67: {  	v62 =	vld [tilespmem:s20+$0xFFFFFFB0];
	_ =	sdelay $0x4  }
0x68: {  	[tilespmem:$0x1FF20] =	vst v62  }
0x69: {  	v62 =	vld [tilespmem:s31+$0x30];
	_ =	sdelay $0x4  }
0x6a: {  	[tilespmem:$0x1FF30] =	vst v62  }
0x6b: {  	v62 =	vld [tilespmem:s20+$0x30];
	_ =	sdelay $0x4  }
0x6c: {  	[tilespmem:$0x1FF40] =	vst v62  }
0x6d: {  	v62 =	vld [tilespmem:s31+$0xB0];
	_ =	sdelay $0x4  }
0x6e: {  	[tilespmem:$0x1FF50] =	vst v62  }
0x6f: {  	v62 =	vld [tilespmem:s20+$0xB0];
	_ =	sdelay $0x4  }
0x70: {  	[tilespmem:$0x1FF60] =	vst v62  }
0x71: {  	v62 =	vld [tilespmem:s31+$0x130];
	_ =	sdelay $0x4  }
0x72: {  	[tilespmem:$0x1FF70] =	vst v62  }
0x73: {  	v62 =	vld [tilespmem:s20+$0x130];
	_ =	sdelay $0x4  }
0x74: {  	[tilespmem:$0x1FF80] =	vst v62  }
0x75: {  	v62 =	vld [tilespmem:s31+$0xFFFFFE40];
	_ =	sdelay $0x4  }
0x76: {  	[tilespmem:$0x1FF90] =	vst v62  }
0x77: {  	v62 =	vld [tilespmem:s20+$0xFFFFFE40];
	_ =	sdelay $0x4  }
0x78: {  	[tilespmem:$0x1FFA0] =	vst v62  }
0x79: {  	v62 =	vld [tilespmem:s31+$0xFFFFFEC0];
	_ =	sdelay $0x4  }
0x7a: {  	[tilespmem:$0x1FFB0] =	vst v62  }
0x7b: {  	v0 =	vmul.f32 v1, v0;
	v62 =	vld [tilespmem:s20+$0xFFFFFEC0];
	_ =	sdelay $0x1  }
0x7c: {  	v2 =	vmul.f32 v3, v2;
	v0 =	vadd.f32 $0.0e+00, v0  }
0x7d: {  	v40 =	vmul.f32 v41, v40  }
0x7e: {  	v41 =	vmul.f32 v43, v42;
	v0 =	vadd.f32 v2, v0;
	v2 =	vmul.f32 v5, v4  }
0x7f: {  	v42 =	vmul.f32 v45, v44;
	v45 =	vmul.f32 v51, v50;
	v51 =	vld [tilespmem:$0x1FF00];
	[tilespmem:$0x1FFC0] =	vst v62  }
0x80: {  	v0 =	vadd.f32 v2, v0;
	v2 =	vmul.f32 v7, v6;
	v62 =	vld [tilespmem:s31+$0xFFFFFF40]  }
0x81: {  	v43 =	vmul.f32 v47, v46;
	v46 =	vmul.f32 v53, v52;
	v52 =	vld [tilespmem:$0x1FF10]  }
0x82: {  	v0 =	vadd.f32 v2, v0;
	v2 =	vmul.f32 v9, v8;
	v53 =	vld [tilespmem:$0x1FF20]  }
0x83: {  	v47 =	vmul.f32 v55, v54;
	v54 =	vld [tilespmem:$0x1FF30]  }
0x84: {  	v0 =	vadd.f32 v2, v0;
	v2 =	vmul.f32 v11, v10;
	v55 =	vld [tilespmem:$0x1FF40]  }
0x85: {  	v44 =	vmul.f32 v49, v48;
	v48 =	vmul.f32 v57, v56;
	v56 =	vld [tilespmem:$0x1FF50];
	[tilespmem:$0x1FFD0] =	vst v62  }
0x86: {  	v0 =	vadd.f32 v2, v0;
	v2 =	vmul.f32 v13, v12;
	v1 =	vld [tilespmem:s31+$0xFFFFFFC0]  }
0x87: {  	v35 =	vmul.f32 v35, v34;
	v49 =	vmul.f32 v59, v58;
	v57 =	vld [tilespmem:$0x1FF60]  }
0x88: {  	v13 =	vmul.f32 v15, v14;
	v0 =	vadd.f32 v2, v0;
	v2 =	vmul.f32 v20, v19;
	v58 =	vld [tilespmem:$0x1FF70]  }
0x89: {  	v14 =	vmul.f32 v18, v17;
	v17 =	vmul.f32 v22, v21;
	v59 =	vld [tilespmem:$0x1FF80]  }
0x8a: {  	v25 =	vmul.f32 v26, v25;
	v50 =	vmul.f32 v61, v60;
	v2 =	vadd.f32 $0.0e+00, v2;
	v60 =	vld [tilespmem:$0x1FF90]  }
0x8b: {  	v36 =	vmul.f32 v37, v36;
	v37 =	vmul.f32 v28, v27;
	v17 =	vadd.f32 $0.0e+00, v17;
	v62 =	vld [tilespmem:s20+$0xFFFFFF40];
	[tilespmem:$0x1FFE0] =	vst v1  }
0x8c: {  	v25 =	vadd.f32 $0.0e+00, v25;
	v2 =	vadd.f32 v35, v2;
	v1 =	vld [tilespmem:s20+$0xFFFFFFC0]  }
0x8d: {  	v21 =	vadd.f32 $0.0e+00, v37;
	v17 =	vadd.f32 v36, v17;
	v61 =	vld [tilespmem:$0x1FFA0]  }
0x8e: {  	v25 =	vadd.f32 v40, v25;
	v2 =	vadd.f32 v44, v2;
	v44 =	vld [tilespmem:$0x1FFB0]  }
0x8f: {  	v21 =	vadd.f32 v41, v21;
	v17 =	vadd.f32 v45, v17;
	v45 =	vld [tilespmem:$0x1FFC0]  }
0x90: {  	v25 =	vadd.f32 v47, v25;
	v47 =	vld [tilespmem:$0x1FFD0]  }
0x91: {  	v21 =	vadd.f32 v48, v21;
	v48 =	vld [tilespmem:$0x1FFE0];
	[tilespmem:$0x1FFF0] =	vst v1  }
0x92: {  	v3 =	vld [tilespmem:s31+$0x40]  }
0x93: {  	v1 =	vld [tilespmem:s20+$0x40]  }
0x94: {  	v4 =	vld [tilespmem:s31+$0xC0]  }
0x95: {  	v5 =	vld [tilespmem:s20+$0xC0]  }
0x96: {  	v6 =	vld [tilespmem:s31+$0x140]  }
0x97: {  	v7 =	vld [tilespmem:s20+$0x140]  }
0x98: {  	v8 =	vld [tilespmem:s31+$0xFFFFFE50]  }
0x99: {  	v9 =	vld [tilespmem:s20+$0xFFFFFE50]  }
0x9a: {  	v10 =	vld [tilespmem:s31+$0xFFFFFED0]  }
0x9b: {  	v11 =	vld [tilespmem:s20+$0xFFFFFED0]  }
0x9c: {  	v12 =	vld [tilespmem:s31+$0xFFFFFF50]  }
0x9d: {  	v15 =	vld [tilespmem:s20+$0xFFFFFF50]  }
0x9e: {  	v16 =	vmul.f32 v16, v29;
	v18 =	vld [tilespmem:s31+$0xFFFFFFD0]  }
0x9f: {  	v20 =	vld [tilespmem:s20+$0xFFFFFFD0]  }
0xa0: {  	v16 =	vadd.f32 $0.0e+00, v16;
	v22 =	vld [tilespmem:s31+$0x50]  }
0xa1: {  	v19 =	vmul.f32 v24, v23;
	v13 =	vadd.f32 v13, v0;
	v0 =	vmul.f32 v31, v30;
	v24 =	vld [tilespmem:s20+$0x50]  }
0xa2: {  	v30 =	vld [tilespmem:s31+$0xD0]  }
0xa3: {  	v0 =	vadd.f32 v0, v16;
	v16 =	vld [tilespmem:s20+$0xD0]  }
0xa4: {  	v23 =	vld [tilespmem:s31+$0x150]  }
0xa5: {  	v33 =	vmul.f32 v33, v32;
	v14 =	vadd.f32 $0.0e+00, v14;
	v28 =	vld [tilespmem:s20+$0x150]  }
0xa6: {  	v31 =	vld [tilespmem:s31+$0xFFFFFE60]  }
0xa7: {  	v14 =	vadd.f32 v33, v14;
	v33 =	vld [tilespmem:s20+$0xFFFFFE60]  }
0xa8: {  	v29 =	vld [tilespmem:s31+$0xFFFFFEE0]  }
0xa9: {  	v32 =	vld [tilespmem:s20+$0xFFFFFEE0]  }
0xaa: {  	v39 =	vmul.f32 v39, v38;
	v19 =	vadd.f32 $0.0e+00, v19;
	v35 =	vld [tilespmem:s31+$0xFFFFFF60]  }
0xab: {  	v0 =	vadd.f32 v42, v0;
	v37 =	vld [tilespmem:s20+$0xFFFFFF60]  }
0xac: {  	v19 =	vadd.f32 v39, v19;
	v34 =	vld [tilespmem:s31+$0xFFFFFFE0]  }
0xad: {  	v26 =	vmul.f32 v63, v51;
	v14 =	vadd.f32 v43, v14;
	v0 =	vadd.f32 v49, v0;
	v49 =	vld [tilespmem:$0x1FFF0]  }
0xae: {  	v27 =	vmul.f32 v53, v52;
	v19 =	vadd.f32 v46, v19;
	v36 =	vld [tilespmem:s20+$0xFFFFFFE0]  }
0xaf: {  	v14 =	vadd.f32 v50, v14;
	v2 =	vadd.f32 v26, v2;
	v26 =	vmul.f32 v57, v56;
	v39 =	vld [tilespmem:s31+$0x60]  }
0xb0: {  	v17 =	vadd.f32 v27, v17;
	v38 =	vmul.f32 v55, v54;
	v27 =	vmul.f32 v61, v60;
	v41 =	vld [tilespmem:s20+$0x60]  }
0xb1: {  	v25 =	vadd.f32 v26, v25;
	v40 =	vmul.f32 v59, v58;
	v26 =	vmul.f32 v45, v44;
	v63 =	vld [tilespmem:s31+$0xE0]  }
0xb2: {  	v0 =	vadd.f32 v27, v0;
	v27 =	vmul.f32 v62, v47;
	v46 =	vld [tilespmem:s20+$0xE0];
	v42 =	vmul.f32 v49, v48  }
0xb3: {  	v19 =	vadd.f32 v38, v19;
	v50 =	vld [tilespmem:s31+$0x160];
	v1 =	vmul.f32 v1, v3;
	v3 =	vmul.f32 v5, v4  }
0xb4: {  	v21 =	vadd.f32 v40, v21;
	v51 =	vld [tilespmem:s20+$0x160];
	v5 =	vmul.f32 v7, v6;
	v7 =	vmul.f32 v9, v8  }
0xb5: {  	v14 =	vadd.f32 v26, v14;
	v53 =	vld [tilespmem:s20+$0xFFFFFEF0];
	v9 =	vmul.f32 v11, v10;
	v10 =	vmul.f32 v15, v12  }
0xb6: {  	v2 =	vadd.f32 v27, v2;
	v54 =	vld [tilespmem:s31+$0xFFFFFF70];
	v52 =	vmul.f32 v24, v22;
	v56 =	vmul.f32 v32, v29  }
0xb7: {  	v6 =	vld [tilespmem:s31+$0xFFFFFE70];
	v59 =	vmul.f32 v36, v34;
	v4 =	vadd.f32 v42, v17;
	v1 =	vadd.f32 v1, v19  }
0xb8: {  	v8 =	vld [tilespmem:s20+$0xFFFFFE70];
	v3 =	vadd.f32 v3, v25;
	v0 =	vadd.f32 v7, v0;
	v7 =	vmul.f32 v20, v18  }
0xb9: {  	v11 =	vld [tilespmem:s31+$0xFFFFFEF0];
	v5 =	vadd.f32 v5, v21;
	v2 =	vadd.f32 v10, v2;
	v10 =	vmul.f32 v16, v30  }
0xba: {  	v55 =	vld [tilespmem:s20+$0xFFFFFF70];
	v9 =	vadd.f32 v9, v14;
	v7 =	vadd.f32 v7, v4;
	v4 =	vmul.f32 v28, v23  }
0xbb: {  	v57 =	vld [tilespmem:s31+$0xFFFFFFF0];
	v1 =	vadd.f32 v52, v1;
	v10 =	vadd.f32 v10, v3;
	v3 =	vmul.f32 v33, v31  }
0xbc: {  	v60 =	vld [tilespmem:s20+$0xFFFFFFF0];
	v9 =	vadd.f32 v56, v9;
	v58 =	vadd.f32 v4, v5;
	v5 =	vmul.f32 v37, v35  }
0xbd: {  	v8 =	vmul.f32 v8, v6;
	v6 =	vld [tilespmem:s20+$0x70];
	v3 =	vadd.f32 v3, v0;
	v0 =	vadd.f32 v59, v7  }
0xbe: {  	v4 =	vld [tilespmem:s31+$0x70];
	v7 =	vmul.f32 v41, v39;
	v61 =	vadd.f32 v5, v2;
	v2 =	vmul.f32 v53, v11  }
0xbf: {  	s21 =	sadd.s32 $0x15200, s21;
	v12 =	vmul.f32 v55, v54;
	v11 =	vmul.f32 v46, v63;
	v62 =	vadd.f32 v8, v3;
	v5 =	vld [tilespmem:s31+$0xF0]  }
0xc0: {  	[tilespmem:s21+$0x180] =	vst v13;
	v63 =	vmul.f32 v51, v50;
	v8 =	vld [tilespmem:s20+$0xF0];
	v3 =	vadd.f32 v7, v1;
	v9 =	vadd.f32 v2, v9  }
0xc1: {  	v7 =	vld [tilespmem:s31+$0x170];
	v1 =	vadd.f32 v11, v10;
	[tilespmem:s21+$0xFFFFFE00] =	vst v62;
	v10 =	vadd.f32 v12, v61;
	v11 =	vmul.f32 v60, v57  }
0xc2: {  	s22 =	simm.s32 $0x0;
	s23 =	sadd.s32 $0x400, s31;
	v2 =	vadd.f32 v63, v58;
	[tilespmem:s21+$0xFFFFFE80] =	vst v9;
	v9 =	vld [tilespmem:s20+$0x170]  }
.LBB2_3:
0xc3: {  	v12 =	vld [tilespmem:s23+$0x180];
	[tilespmem:s21+$0xFFFFFF00] =	vst v10;
	v0 =	vadd.f32 v11, v0;
	v4 =	vmul.f32 v6, v4;
	s20 =	sadd.s32 $0x400, s20  }
0xc4: {  	s22 =	sadd.s32 $0x8, s22;
	v6 =	vld [tilespmem:s20+$0x180]  }
0xc5: {  	p1 =	slt.u32 s22, $0x78;
	v10 =	vld [tilespmem:s23+$0x190];
	[tilespmem:s21+$0xFFFFFF80] =	vst v0;
	v0 =	vadd.f32 v4, v3;
	v3 =	vmul.f32 v8, v5  }
0xc6: {  	v4 =	vld [tilespmem:s20+$0x190]  }
0xc7: {  	v5 =	vld [tilespmem:s23+$0x1A0];
	[tilespmem:s21+$0x0] =	vst v0;
	v0 =	vadd.f32 v3, v1;
	v1 =	vmul.f32 v9, v7  }
0xc8: {  	v3 =	vld [tilespmem:s20+$0x1A0]  }
0xc9: {  	v6 =	vmul.f32 v6, v12;
	v7 =	vld [tilespmem:s23+$0x1B0];
	[tilespmem:s21+$0x80] =	vst v0;
	v0 =	vadd.f32 v1, v2  }
0xca: {  	v1 =	vld [tilespmem:s20+$0x1B0]  }
0xcb: {  	v2 =	vadd.f32 $0.0e+00, v6;
	v4 =	vmul.f32 v4, v10;
	v6 =	vld [tilespmem:s23+$0x1C0];
	[tilespmem:s21+$0x100] =	vst v0  }
0xcc: {  	v0 =	vld [tilespmem:s20+$0x1C0]  }
0xcd: {  	v2 =	vadd.f32 v4, v2;
	v3 =	vmul.f32 v3, v5;
	v4 =	vld [tilespmem:s23+$0x1D0]  }
0xce: {  	v5 =	vld [tilespmem:s20+$0x1D0]  }
0xcf: {  	v2 =	vadd.f32 v3, v2;
	v1 =	vmul.f32 v1, v7;
	v3 =	vld [tilespmem:s23+$0x1E0]  }
0xd0: {  	v7 =	vld [tilespmem:s20+$0x1E0]  }
0xd1: {  	v1 =	vadd.f32 v1, v2;
	v0 =	vmul.f32 v0, v6;
	v2 =	vld [tilespmem:s23+$0x1F0]  }
0xd2: {  	v6 =	vld [tilespmem:s20+$0x1F0]  }
0xd3: {  	v8 =	vld [tilespmem:s20+$0xFFFFFE00];
	v0 =	vadd.f32 v0, v1;
	v1 =	vmul.f32 v5, v4  }
0xd4: {  	v4 =	vld [tilespmem:s23+$0xFFFFFE80]  }
0xd5: {  	v5 =	vld [tilespmem:s20+$0xFFFFFE80];
	v0 =	vadd.f32 v1, v0;
	v1 =	vmul.f32 v7, v3  }
0xd6: {  	v3 =	vld [tilespmem:s23+$0xFFFFFF00]  }
0xd7: {  	v7 =	vld [tilespmem:s20+$0xFFFFFF00];
	v0 =	vadd.f32 v1, v0;
	v1 =	vmul.f32 v6, v2  }
0xd8: {  	v2 =	vld [tilespmem:s23+$0xFFFFFF80]  }
0xd9: {  	v6 =	vld [tilespmem:s20+$0xFFFFFF80];
	v0 =	vadd.f32 v1, v0  }
0xda: {  	s21 =	sadd.s32 $0x400, s21;
	v1 =	vmul.f32 v5, v4;
	v4 =	vld [tilespmem:s23+$0x0]  }
0xdb: {  	v5 =	vld [tilespmem:s20+$0x0];
	[tilespmem:s21+$0x180] =	vst v0  }
0xdc: {  	v0 =	vadd.f32 $0.0e+00, v1;
	v1 =	vmul.f32 v7, v3;
	v3 =	vld [tilespmem:s23+$0x80]  }
0xdd: {  	v7 =	vld [tilespmem:s20+$0x80]  }
0xde: {  	v1 =	vadd.f32 $0.0e+00, v1;
	v2 =	vmul.f32 v6, v2;
	v6 =	vld [tilespmem:s23+$0x100]  }
0xdf: {  	v9 =	vld [tilespmem:s20+$0x100]  }
0xe0: {  	v10 =	vld [tilespmem:s23+$0xFFFFFE00];
	v2 =	vadd.f32 $0.0e+00, v2;
	v4 =	vmul.f32 v5, v4  }
0xe1: {  	v5 =	vld [tilespmem:s23+$0xFFFFFE10]  }
0xe2: {  	v11 =	vld [tilespmem:s20+$0xFFFFFE10];
	v4 =	vadd.f32 $0.0e+00, v4;
	v3 =	vmul.f32 v7, v3  }
0xe3: {  	v7 =	vld [tilespmem:s23+$0xFFFFFE90]  }
0xe4: {  	v12 =	vld [tilespmem:s20+$0xFFFFFE90];
	v3 =	vadd.f32 $0.0e+00, v3;
	v6 =	vmul.f32 v9, v6  }
0xe5: {  	v8 =	vmul.f32 v8, v10;
	v9 =	vld [tilespmem:s23+$0xFFFFFF10]  }
0xe6: {  	v10 =	vld [tilespmem:s20+$0xFFFFFF10];
	v6 =	vadd.f32 $0.0e+00, v6  }
0xe7: {  	v8 =	vadd.f32 $0.0e+00, v8;
	v5 =	vmul.f32 v11, v5;
	v11 =	vld [tilespmem:s23+$0xFFFFFF90]  }
0xe8: {  	v13 =	vld [tilespmem:s20+$0xFFFFFF90]  }
0xe9: {  	v5 =	vadd.f32 v5, v8;
	v7 =	vmul.f32 v12, v7;
	v8 =	vld [tilespmem:s23+$0x10]  }
0xea: {  	v12 =	vld [tilespmem:s20+$0x10]  }
0xeb: {  	v0 =	vadd.f32 v7, v0;
	v7 =	vmul.f32 v10, v9;
	v9 =	vld [tilespmem:s23+$0x90]  }
0xec: {  	v10 =	vld [tilespmem:s20+$0x90]  }
0xed: {  	v1 =	vadd.f32 v7, v1;
	v7 =	vmul.f32 v13, v11;
	v11 =	vld [tilespmem:s23+$0x110]  }
0xee: {  	v13 =	vld [tilespmem:s20+$0x110]  }
0xef: {  	v14 =	vld [tilespmem:s23+$0xFFFFFE20];
	v2 =	vadd.f32 v7, v2;
	v7 =	vmul.f32 v12, v8  }
0xf0: {  	v8 =	vld [tilespmem:s20+$0xFFFFFE20]  }
0xf1: {  	v12 =	vld [tilespmem:s23+$0xFFFFFEA0];
	v4 =	vadd.f32 v7, v4;
	v7 =	vmul.f32 v10, v9  }
0xf2: {  	v9 =	vld [tilespmem:s20+$0xFFFFFEA0]  }
0xf3: {  	v10 =	vld [tilespmem:s23+$0xFFFFFF20];
	v3 =	vadd.f32 v7, v3;
	v7 =	vmul.f32 v13, v11  }
0xf4: {  	v11 =	vld [tilespmem:s20+$0xFFFFFF20]  }
0xf5: {  	v8 =	vmul.f32 v8, v14;
	v13 =	vld [tilespmem:s23+$0xFFFFFFA0];
	v6 =	vadd.f32 v7, v6  }
0xf6: {  	v7 =	vld [tilespmem:s20+$0xFFFFFFA0]  }
0xf7: {  	v5 =	vadd.f32 v8, v5;
	v8 =	vmul.f32 v9, v12;
	v9 =	vld [tilespmem:s23+$0x20]  }
0xf8: {  	v12 =	vld [tilespmem:s20+$0x20]  }
0xf9: {  	v0 =	vadd.f32 v8, v0;
	v8 =	vmul.f32 v11, v10;
	v10 =	vld [tilespmem:s23+$0xA0]  }
0xfa: {  	v11 =	vld [tilespmem:s20+$0xA0]  }
0xfb: {  	v1 =	vadd.f32 v8, v1;
	v7 =	vmul.f32 v7, v13;
	v8 =	vld [tilespmem:s23+$0x120]  }
0xfc: {  	v13 =	vld [tilespmem:s20+$0x120]  }
0xfd: {  	v14 =	vld [tilespmem:s23+$0xFFFFFE30];
	v2 =	vadd.f32 v7, v2;
	v7 =	vmul.f32 v12, v9  }
0xfe: {  	v9 =	vld [tilespmem:s20+$0xFFFFFE30]  }
0xff: {  	v12 =	vld [tilespmem:s23+$0xFFFFFEB0];
	v4 =	vadd.f32 v7, v4;
	v7 =	vmul.f32 v11, v10  }
0x100: {  	v10 =	vld [tilespmem:s20+$0xFFFFFEB0]  }
0x101: {  	v11 =	vld [tilespmem:s23+$0xFFFFFF30];
	v3 =	vadd.f32 v7, v3;
	v7 =	vmul.f32 v13, v8  }
0x102: {  	v8 =	vld [tilespmem:s20+$0xFFFFFF30]  }
0x103: {  	v9 =	vmul.f32 v9, v14;
	v13 =	vld [tilespmem:s23+$0xFFFFFFB0];
	v6 =	vadd.f32 v7, v6  }
0x104: {  	v7 =	vld [tilespmem:s20+$0xFFFFFFB0]  }
0x105: {  	v5 =	vadd.f32 v9, v5;
	v9 =	vmul.f32 v10, v12;
	v10 =	vld [tilespmem:s23+$0x30]  }
0x106: {  	v12 =	vld [tilespmem:s20+$0x30]  }
0x107: {  	v0 =	vadd.f32 v9, v0;
	v8 =	vmul.f32 v8, v11;
	v9 =	vld [tilespmem:s23+$0xB0]  }
0x108: {  	v11 =	vld [tilespmem:s20+$0xB0]  }
0x109: {  	v1 =	vadd.f32 v8, v1;
	v7 =	vmul.f32 v7, v13;
	v8 =	vld [tilespmem:s23+$0x130]  }
0x10a: {  	v13 =	vld [tilespmem:s20+$0x130]  }
0x10b: {  	v14 =	vld [tilespmem:s23+$0xFFFFFE40];
	v2 =	vadd.f32 v7, v2;
	v7 =	vmul.f32 v12, v10  }
0x10c: {  	v10 =	vld [tilespmem:s20+$0xFFFFFE40]  }
0x10d: {  	v12 =	vld [tilespmem:s23+$0xFFFFFEC0];
	v4 =	vadd.f32 v7, v4;
	v7 =	vmul.f32 v11, v9  }
0x10e: {  	v9 =	vld [tilespmem:s20+$0xFFFFFEC0]  }
0x10f: {  	v11 =	vld [tilespmem:s23+$0xFFFFFF40];
	v3 =	vadd.f32 v7, v3;
	v7 =	vmul.f32 v13, v8  }
0x110: {  	v8 =	vld [tilespmem:s20+$0xFFFFFF40]  }
0x111: {  	v10 =	vmul.f32 v10, v14;
	v13 =	vld [tilespmem:s23+$0xFFFFFFC0];
	v6 =	vadd.f32 v7, v6  }
0x112: {  	v7 =	vld [tilespmem:s20+$0xFFFFFFC0]  }
0x113: {  	v5 =	vadd.f32 v10, v5;
	v9 =	vmul.f32 v9, v12;
	v10 =	vld [tilespmem:s23+$0x40]  }
0x114: {  	v12 =	vld [tilespmem:s20+$0x40]  }
0x115: {  	v0 =	vadd.f32 v9, v0;
	v8 =	vmul.f32 v8, v11;
	v9 =	vld [tilespmem:s23+$0xC0]  }
0x116: {  	v11 =	vld [tilespmem:s20+$0xC0]  }
0x117: {  	v1 =	vadd.f32 v8, v1;
	v7 =	vmul.f32 v7, v13;
	v8 =	vld [tilespmem:s23+$0x140]  }
0x118: {  	v13 =	vld [tilespmem:s20+$0x140]  }
0x119: {  	v14 =	vld [tilespmem:s23+$0xFFFFFE50];
	v2 =	vadd.f32 v7, v2;
	v7 =	vmul.f32 v12, v10  }
0x11a: {  	v10 =	vld [tilespmem:s20+$0xFFFFFE50]  }
0x11b: {  	v12 =	vld [tilespmem:s23+$0xFFFFFED0];
	v4 =	vadd.f32 v7, v4;
	v7 =	vmul.f32 v11, v9  }
0x11c: {  	v9 =	vld [tilespmem:s20+$0xFFFFFED0]  }
0x11d: {  	v11 =	vld [tilespmem:s23+$0xFFFFFF50];
	v3 =	vadd.f32 v7, v3;
	v7 =	vmul.f32 v13, v8  }
0x11e: {  	v8 =	vld [tilespmem:s20+$0xFFFFFF50]  }
0x11f: {  	v10 =	vmul.f32 v10, v14;
	v13 =	vld [tilespmem:s23+$0xFFFFFFD0];
	v6 =	vadd.f32 v7, v6  }
0x120: {  	v7 =	vld [tilespmem:s20+$0xFFFFFFD0]  }
0x121: {  	v5 =	vadd.f32 v10, v5;
	v9 =	vmul.f32 v9, v12;
	v10 =	vld [tilespmem:s23+$0x50]  }
0x122: {  	v12 =	vld [tilespmem:s20+$0x50]  }
0x123: {  	v0 =	vadd.f32 v9, v0;
	v8 =	vmul.f32 v8, v11;
	v9 =	vld [tilespmem:s23+$0xD0]  }
0x124: {  	v11 =	vld [tilespmem:s20+$0xD0]  }
0x125: {  	v1 =	vadd.f32 v8, v1;
	v7 =	vmul.f32 v7, v13;
	v8 =	vld [tilespmem:s23+$0x150]  }
0x126: {  	v13 =	vld [tilespmem:s20+$0x150]  }
0x127: {  	v14 =	vld [tilespmem:s23+$0xFFFFFE60];
	v2 =	vadd.f32 v7, v2;
	v7 =	vmul.f32 v12, v10  }
0x128: {  	v10 =	vld [tilespmem:s20+$0xFFFFFE60]  }
0x129: {  	v12 =	vld [tilespmem:s23+$0xFFFFFEE0];
	v4 =	vadd.f32 v7, v4;
	v7 =	vmul.f32 v11, v9  }
0x12a: {  	v9 =	vld [tilespmem:s20+$0xFFFFFEE0]  }
0x12b: {  	v11 =	vld [tilespmem:s23+$0xFFFFFF60];
	v7 =	vadd.f32 v7, v3;
	v3 =	vmul.f32 v13, v8  }
0x12c: {  	v8 =	vld [tilespmem:s20+$0xFFFFFF60]  }
0x12d: {  	v10 =	vmul.f32 v10, v14;
	v13 =	vld [tilespmem:s23+$0xFFFFFFE0];
	v6 =	vadd.f32 v3, v6  }
0x12e: {  	v3 =	vld [tilespmem:s20+$0xFFFFFFE0]  }
0x12f: {  	v5 =	vadd.f32 v10, v5;
	v9 =	vmul.f32 v9, v12;
	v10 =	vld [tilespmem:s23+$0x60]  }
0x130: {  	v12 =	vld [tilespmem:s20+$0x60]  }
0x131: {  	v9 =	vadd.f32 v9, v0;
	v0 =	vmul.f32 v8, v11;
	v8 =	vld [tilespmem:s23+$0xE0]  }
0x132: {  	v11 =	vld [tilespmem:s20+$0xE0]  }
0x133: {  	v14 =	vadd.f32 v0, v1;
	v0 =	vmul.f32 v3, v13;
	v13 =	vld [tilespmem:s23+$0x160]  }
0x134: {  	v15 =	vld [tilespmem:s20+$0x160]  }
0x135: {  	v16 =	vld [tilespmem:s23+$0xFFFFFE70];
	v0 =	vadd.f32 v0, v2;
	v1 =	vmul.f32 v12, v10  }
0x136: {  	v2 =	vld [tilespmem:s20+$0xFFFFFE70]  }
0x137: {  	v10 =	vld [tilespmem:s23+$0xFFFFFEF0];
	v3 =	vadd.f32 v1, v4;
	v1 =	vmul.f32 v11, v8  }
0x138: {  	v4 =	vld [tilespmem:s20+$0xFFFFFEF0]  }
0x139: {  	v8 =	vld [tilespmem:s23+$0xFFFFFF70];
	v1 =	vadd.f32 v1, v7;
	v7 =	vmul.f32 v15, v13  }
0x13a: {  	v11 =	vld [tilespmem:s20+$0xFFFFFF70]  }
0x13b: {  	v12 =	vmul.f32 v2, v16;
	v13 =	vld [tilespmem:s23+$0xFFFFFFF0];
	v2 =	vadd.f32 v7, v6  }
0x13c: {  	v7 =	vld [tilespmem:s20+$0xFFFFFFF0]  }
0x13d: {  	v5 =	vadd.f32 v12, v5;
	v10 =	vmul.f32 v4, v10;
	v4 =	vld [tilespmem:s23+$0x70]  }
.Ltmp0:
0x13e: {  	v6 =	vld [tilespmem:s20+$0x70];
	(pc) =	sbr.rel @p1 .LBB2_3-.Ltmp0, $4  }
0x13f: {  	[tilespmem:s21+$0xFFFFFE00] =	vst v5;
	v9 =	vadd.f32 v10, v9;
	v10 =	vmul.f32 v11, v8;
	v5 =	vld [tilespmem:s23+$0xF0]  }
0x140: {  	v8 =	vld [tilespmem:s20+$0xF0]  }
0x141: {  	[tilespmem:s21+$0xFFFFFE80] =	vst v9;
	v10 =	vadd.f32 v10, v14;
	v11 =	vmul.f32 v7, v13;
	v7 =	vld [tilespmem:s23+$0x170]  }
0x142: {  	s23 =	sadd.s32 $0x400, s23;
	v9 =	vld [tilespmem:s20+$0x170]  }
0x143: {  	_ =	sdelay $0x1  }
0x144: {  	v4 =	vmul.f32 v6, v4  }
0x145: {  	v0 =	vadd.f32 v11, v0;
	v5 =	vmul.f32 v8, v5  }
0x146: {  	[tilespmem:s21+$0xFFFFFF00] =	vst v10;
	v3 =	vadd.f32 v4, v3;
	v61 =	vmul.f32 v9, v7  }
0x147: {  	p1 =	sne.s32 s17, $0x50;
	[tilespmem:s21+$0xFFFFFF80] =	vst v0;
	v62 =	vadd.f32 v5, v1  }
.Ltmp1:
0x148: {  	s18 =	sadd.s32 s5, s18;
	[tilespmem:s21+$0x0] =	vst v3;
	v63 =	vadd.f32 v61, v2;
	(pc) =	sbr.rel @p1 .LBB2_2-.Ltmp1, $4  }
0x149: {  	s20 =	sshll.u32 s19, $0xE;
	s18 =	sshll.u32 s18, $0xB;
	[tilespmem:s21+$0x80] =	vst v62  }
0x14a: {  	s31 =	sadd.s32 $0x5, s19;
	s20 =	sadd.s32 $0x15000, s20;
	s18 =	sadd.s32 s4, s18;
	[tilespmem:s21+$0x100] =	vst v63  }
0x14b: {  	[hbm4b:s18+s2] =	stream.linear.scatter [tilespmem:s20], [sflag:s31], $0x4000, $0x38;
	[tilespmem:$0x1D000] =	vst v63  }
0x14c: {  	p0 =	por !p0, !p0;
	s18 =	smov.u32 s17  }
0x14d: {  	s16 =	sadd.s32 $0x1, s16  }
0x14e: {  	_ =	swait.ge [sflag:s14], $0x4000;
	p0 =	sne.s32 s16, s8  }
.Ltmp2:
0x14f: {  	[sflag:s14] =	ssyncset.done $0x0;
	(pc) =	sbr.rel @p0 .LBB2_1-.Ltmp2, $4  }
0x150: {  	[sflag:s14] =	ssyncadd.s32 $0xFFFFC000  }
0x151: {  	_ =	swait.ge [sflag:s15], $0x4000  }
0x152: {  	[sflag:s15] =	ssyncset.done $0x0  }
0x153: {  	[sflag:s15] =	ssyncadd.s32 $0xFFFFC000  }
0x154: {  	_ =	sfence.sel $0x180000  }
0x155: {  	[bflag:$0x0] =	sbarrier.arrive $0xFFFF  }
0x156: {  	p0 =	sne.s32 s0, $0x0;
	_ =	strace $0x9000004D  }
0x157: {  	s0 =	sadd.s32 @!p0 $0x100000, s1;
	[bflag:$0x2] =	sbarrier.arrive $0xFFFF  }
0x158: {  	[sflag:s0] =	ssyncadd.tile.s32 @!p0 $0x1;
	_ =	shalt  }
.Lfunc_end2:
_tile_overlayer_lowered:
.L_overlay_start_2:
0x159: {  	(tag) =	ssettag $0x2  }
0x15a: {  	s0 =	rddreg [dreg:$0x0];
	s2 =	stileid.u32  }
0x15b: {  	s1 =	rddreg [dreg:$0x1];
	p0 =	sne.s32 s2, $0x0  }
0x15c: {  	s3 =	rddreg [dreg:$0x2];
	[bflag:$0x3] =	sbarrier.arrive $0xFFFF;
	s2 =	simm.s32 @!p0 $0x1C07  }
0x15d: {  	[timem:s3], [sflag:s2] =	dma.local @!p0 [hbm:s0], s1  }
0x15e: {  	s0 =	simm.s32 @!p0 $0x7  }
0x15f: {  	_ =	swait.ge @!p0 [sflag:s0], s1  }
0x160: {  	s1 =	ssub.s32 @!p0 $0x0, s1;
	[sflag:s0] =	ssyncset.done @!p0 $0x0  }
0x161: {  	[sflag:s0] =	ssyncadd.s32 @!p0 s1  }
0x162: {  	[bflag:$0x3] =	sbarrier.arrive $0xFFFF  }
0x163: {  	_ =	shalt  }

// kernel: kernel.8.cloned.1.call-start
scs
__scs_entry_jumppad:
0x0: {  	(pc) =	sbr.rel $0x88, $3  }
0x1: {  	(tag) =	ssettag $0x0;
	lr =	simm.s32 $0x1  }
0x2: {  	[smem:$0x3F99] =	sst lr;
	_ =	strace $0xD0000000  }
0x3: {  	_ = 	snop  }
0x4: {  	_ = 	snop  }
0x5: {  	_ = 	snop  }
0x6: {  	_ = 	snop  }
0x7: {  	_ = 	snop  }
__scs_overlays_trampoline_lowered:
0x8: {  	[smem:$0x3FA8] =	sst s0  }
0x9: {  	[smem:$0x3FA9] =	sst s1  }
0xa: {  	[smem:$0x3FAA] =	sst s2  }
0xb: {  	[smem:$0x3FAB] =	sst s3  }
0xc: {  	[smem:$0x3FAC] =	sst s4  }
0xd: {  	[smem:$0x3FAD] =	sst s5  }
0xe: {  	[smem:$0x3FAE] =	sst s6  }
0xf: {  	[smem:$0x3FAF] =	sst s7  }
0x10: {  	[smem:$0x3FB0] =	sst s8  }
0x11: {  	[smem:$0x3FB1] =	sst s9;
	s0 =	simm.s32 @!p0 $0x0  }
0x12: {  	s1 =	sld [smem:$0x3F97];
	s0 =	simm.s32 @p0 $0x1  }
0x13: {  	[smem:$0x3FB2] =	sst s0;
	s0 =	simm.s32 @!p1 $0x0  }
0x14: {  	s2 =	sld [smem:$0x3F96];
	s0 =	simm.s32 @p1 $0x1  }
0x15: {  	[smem:$0x3FB3] =	sst s0;
	s0 =	simm.s32 @!p2 $0x0  }
0x16: {  	s3 =	sld [smem:$0x3FDB];
	s0 =	simm.s32 @p2 $0x1  }
0x17: {  	s4 =	simm.s32 $0x1BF5;
	[smem:$0x3FB5] =	sst s0  }
0x18: {  	s0 =	sld [smem:$0x3F98];
	_ =	swait.ge [sflag:s4], $0x0  }
0x19: {  	s7 =	sld [smem:$0x3F99]  }
0x1a: {  	s8 =	sadd.s32 $0xFFFFE003, lr  }
0x1b: {  	s9 =	sadd.s32 $0xFFFFFEF7, lr;
	s5 =	simm.s32 $0xFFFFFFFF;
	p2 =	slt.u32 s8, $0xFFFFF086  }
0x1c: {  	p1 =	slt.u32 s9, $0xF7A;
	s5 =	simm.s32 @!p2 $0x0  }
0x1d: {  	s5 =	simm.s32 @p1 $0x1;
	p0 =	seq.s32 s7, s2  }
0x1e: {  	s7 =	smul.u32 @!p0 $0xF7A, s2;
	p2 =	seq.s32 @!p0 s5, $0x0  }
0x1f: {  	s9 =	smul.u32 $0xF7A, s1;
	s8 =	simm.s32 @!p0 $0x1BF5;
	p2 =	por !p2, p0  }
0x20: {  	[sflag:s8] =	ssyncset.s32 @!p0 $0xFFFFF086;
	s6 =	sadd.s32 @!p0 s3, s7;
	s7 =	simm.s32 @!p0 $0x108  }
0x21: {  	s3 =	sadd.s32 s3, s9;
	s6 =	sadd.s32 @!p0 $0x88, s6;
	s7 =	simm.s32 @p2 $0x1082  }
0x22: {  	[simem:s7], [sflag:s8] =	dma.local @!p0 [hbm:s6], $0xF7A  }
0x23: {  	s9 =	sor.u32 $0xD0000000, s2;
	s6 =	simm.s32 $0x108;
	_ =	swait.ge @!p0 [sflag:s8], $0x0  }
0x24: {  	s3 =	sadd.s32 $0x88, s3;
	s6 =	simm.s32 @!p1 $0x1082;
	[sflag:s4] =	ssyncset.s32 $0xFFFFF086  }
0x25: {  	[simem:s6], [sflag:s4] =	dma.local [hbm:s3], $0xF7A  }
0x26: {  	[smem:$0x3F99] =	sst s1;
	(tag) =	ssettag s2;
	_ =	strace s9  }
0x27: {  	s1 =	sld [smem:$0x3FA9]  }
0x28: {  	s2 =	sld [smem:$0x3FAA]  }
0x29: {  	s4 =	sld [smem:$0x3FAC]  }
0x2a: {  	p0 =	seq.s32 s5, $0x0;
	s5 =	sld [smem:$0x3FAD]  }
0x2b: {  	s6 =	sld [smem:$0x3FAE]  }
0x2c: {  	s7 =	sld [smem:$0x3FAF]  }
0x2d: {  	s3 =	simm.s32 $0x108;
	s8 =	sld [smem:$0x3FB0]  }
0x2e: {  	s3 =	simm.s32 @!p0 $0x1082;
	s9 =	sld [smem:$0x3FB1]  }
0x2f: {  	lr =	sadd.s32 s0, s3;
	s0 =	sld [smem:$0x3FA8]  }
0x30: {  	s3 =	sld [smem:$0x3FAB]  }
0x31: {  	[smem:$0x3FB4] =	sst s10  }
0x32: {  	s10 =	sld [smem:$0x3FB2];
	_ =	sdelay $0x3  }
0x33: {  	p0 =	seq.s32 s10, $0x1;
	s10 =	sld [smem:$0x3FB4];
	_ =	sdelay $0x3  }
0x34: {  	[smem:$0x3FB4] =	sst s10  }
0x35: {  	s10 =	sld [smem:$0x3FB3];
	_ =	sdelay $0x3  }
0x36: {  	p1 =	seq.s32 s10, $0x1;
	s10 =	sld [smem:$0x3FB4];
	_ =	sdelay $0x3  }
0x37: {  	[smem:$0x3FB4] =	sst s10  }
0x38: {  	s10 =	sld [smem:$0x3FB5]  }
0x39: {  	_ = 	snop;
	(pc) =	sbr.ind lr, $3  }
0x3a: {  	_ = 	snop  }
0x3b: {  	_ = 	snop  }
0x3c: {  	p2 =	seq.s32 s10, $0x1;
	s10 =	sld [smem:$0x3FB4]  }
0x3d: {  	_ =	shalt  }
0x3e: {  	_ =	shalt  }
0x3f: {  	_ =	shalt  }
0x40: {  	_ =	shalt  }
0x41: {  	_ =	shalt  }
0x42: {  	_ =	shalt  }
0x43: {  	_ =	shalt  }
0x44: {  	_ =	shalt  }
0x45: {  	_ =	shalt  }
0x46: {  	_ =	shalt  }
0x47: {  	_ =	shalt  }
0x48: {  	_ =	shalt  }
0x49: {  	_ =	shalt  }
0x4a: {  	_ =	shalt  }
0x4b: {  	_ =	shalt  }
0x4c: {  	_ =	shalt  }
0x4d: {  	_ =	shalt  }
0x4e: {  	_ =	shalt  }
0x4f: {  	_ =	shalt  }
0x50: {  	_ =	shalt  }
0x51: {  	_ =	shalt  }
0x52: {  	_ =	shalt  }
0x53: {  	_ =	shalt  }
0x54: {  	_ =	shalt  }
0x55: {  	_ =	shalt  }
0x56: {  	_ =	shalt  }
0x57: {  	_ =	shalt  }
0x58: {  	_ =	shalt  }
0x59: {  	_ =	shalt  }
0x5a: {  	_ =	shalt  }
0x5b: {  	_ =	shalt  }
0x5c: {  	_ =	shalt  }
0x5d: {  	_ =	shalt  }
0x5e: {  	_ =	shalt  }
0x5f: {  	_ =	shalt  }
0x60: {  	_ =	shalt  }
0x61: {  	_ =	shalt  }
0x62: {  	_ =	shalt  }
0x63: {  	_ =	shalt  }
0x64: {  	_ =	shalt  }
0x65: {  	_ =	shalt  }
0x66: {  	_ =	shalt  }
0x67: {  	_ =	shalt  }
0x68: {  	_ =	shalt  }
0x69: {  	_ =	shalt  }
0x6a: {  	_ =	shalt  }
0x6b: {  	_ =	shalt  }
0x6c: {  	_ =	shalt  }
0x6d: {  	_ =	shalt  }
0x6e: {  	_ =	shalt  }
0x6f: {  	_ =	shalt  }
0x70: {  	_ =	shalt  }
0x71: {  	_ =	shalt  }
0x72: {  	_ =	shalt  }
0x73: {  	_ =	shalt  }
0x74: {  	_ =	shalt  }
0x75: {  	_ =	shalt  }
0x76: {  	_ =	shalt  }
0x77: {  	_ =	shalt  }
0x78: {  	_ =	shalt  }
0x79: {  	_ =	shalt  }
0x7a: {  	_ =	shalt  }
0x7b: {  	_ =	shalt  }
0x7c: {  	_ =	shalt  }
0x7d: {  	_ =	shalt  }
0x7e: {  	_ =	shalt  }
0x7f: {  	_ =	shalt  }
0x80: {  	_ =	shalt  }
0x81: {  	_ =	shalt  }
0x82: {  	_ =	shalt  }
0x83: {  	_ =	shalt  }
0x84: {  	_ =	shalt  }
0x85: {  	_ =	shalt  }
0x86: {  	_ =	shalt  }
0x87: {  	_ =	shalt  }
.Lfunc_end0:
.L_simem_size_0:
called_computation_lowered:
.L_overlay_start_0:
0x88: {  	s2 =	sld [smem:$0x3FD9]  }
0x89: {  	s3 =	sld [smem:$0x3FFE];
	_ =	sdelay $0x1  }
0x8a: {  	s1 =	srdreg.scid  }
0x8b: {  	s0 =	sand.u32 $0x1, s1  }
0x8c: {  	s17 =	sshll.u32 s0, $0xA;
	s2 =	sadd.s32 s3, s2  }
0x8d: {  	s2 =	sadd.s32 s2, s17  }
0x8e: {  	[smem:$0x3FC0] =	sst s2  }
0x8f: {  	_ = 	snop  }
0x90: {  	s2 =	sld [smem:$0x3FD0];
	(tm) =	ssettm $0x1  }
0x91: {  	s18 =	sld [smem:$0x3FFB];
	_ =	sdelay $0x3  }
0x92: {  	_ =	strace s18  }
0x93: {  	s3 =	sld [smem:$0x3FFC];
	_ =	sdelay $0x3  }
0x94: {  	_ =	strace s3  }
0x95: {  	s3 =	sld [smem:$0x3FFD];
	_ =	sdelay $0x3  }
0x96: {  	_ =	strace s3  }
0x97: {  	_ =	strace $0x8FFFFFFF  }
0x98: {  	s19 =	sld [smem:$0x3FDB];
	_ =	sdelay $0x1  }
0x99: {  	s4 =	simm.s32 $_scs_section_size  }
0x9a: {  	s5 =	simm.s32 $_size__tile_overlayer_lowered;
	s6 =	simm.s32 $_tile_overlayer_lowered  }
0x9b: {  	s22 =	simm.s32 $0x1BFF;
	s21 =	sshll.u32 s6, $0x1;
	s3 =	sadd.s32 s4, s19  }
0x9c: {  	s7 =	simm.s32 $0x0;
	s20 =	sshll.u32 s5, $0x1;
	s5 =	sadd.s32 s21, s3  }
0x9d: {  	[timem:s7], [sflag:s22] =	dma.local [hbm:s5], s20  }
0x9e: {  	_ =	swait.ge [sflag:s22], s20  }
0x9f: {  	s4 =	ssub.s32 $0x0, s20;
	[sflag:s22] =	ssyncset.done $0x0  }
0xa0: {  	[sflag:s22] =	ssyncadd.s32 s4;
	_ =	sdelay $0x1  }
0xa1: {  	s23 =	simm.s32 $0x1B8B  }
0xa2: {  	_ =	swait.ge [sflag:s23], $0x1  }
0xa3: {  	[sflag:s23] =	ssyncset.done $0x0  }
0xa4: {  	s25 =	simm.s32 $0x1B8E;
	s24 =	sld [smem:$0x3FFE];
	[sflag:s23] =	ssyncadd.s32 $0xFFFFFFFF  }
0xa5: {  	s26 =	simm.s32 $execute0_lowered;
	[smem:$0x3FD2] =	sst s25  }
0xa6: {  	s5 =	sshll.u32 s26, $0x1;
	_ =	strace $0x80000046;
	[dreg:$0x1] =	wrdreg $0xFFFFFFFF  }
0xa7: {  	s28 =	simm.s32 $_size_execute0_lowered;
	s3 =	sadd.s32 s3, s5;
	[dreg:$0x0] =	wrdreg $0x0  }
0xa8: {  	s5 =	sshll.u32 s28, $0x1;
	[dreg:$0x2] =	wrdreg s3  }
0xa9: {  	[dreg:$0x3] =	wrdreg s5  }
0xaa: {  	[dreg:$0x4] =	wrdreg $0xC0  }
0xab: {  	_ =	task [dreg:s7], $0x5FFFF  }
0xac: {  	[dreg:$0x1] =	wrdreg $0xFFFFFFFF  }
0xad: {  	[dreg:$0x0] =	wrdreg $0x60  }
0xae: {  	[dreg:$0x2] =	wrdreg s24  }
0xaf: {  	[dreg:$0x3] =	wrdreg s2  }
0xb0: {  	[dreg:$0x4] =	wrdreg $0xA9000  }
0xb1: {  	[dreg:$0x5] =	wrdreg $0x9  }
0xb2: {  	_ =	task.clear_ibuf [dreg:s7], $0x6FFFF;
	_ =	strace $0x90000046  }
0xb3: {  	s29 =	simm.s32 $0x9;
	_ =	strace $0x80000048  }
0xb4: {  	_ =	swait.ge [sflag:s29], $0x1  }
0xb5: {  	[sflag:s29] =	ssyncadd.s32 $0xFFFFFFFF  }
0xb6: {  	_ =	strace $0x90000048  }
0xb7: {  	_ =	sfence  }
0xb8: {  	s30 =	sld [smem:$0x0];
	_ =	sdelay $0x2  }
0xb9: {  	s31 =	sshll.u32 s1, $0xD;
	s1 =	sshrl.u32 s1, $0x2  }
0xba: {  	s3 =	sand.u32 $0x4000, s31;
	s1 =	sadd.s32 s1, s30  }
0xbb: {  	s0 =	sor.u32 s3, s0;
	s1 =	sshll.u32 s1, $0x11  }
0xbc: {  	s0 =	sor.u32 s1, s0  }
0xbd: {  	s0 =	sadd.s32 $0x8F2B, s0  }
0xbe: {  	[sflag:s0] =	ssyncadd.remote.s32 $0x1  }
0xbf: {  	_ =	sfence.sel $0xFFFF  }
0xc0: {  	[dreg:$0x0] =	wrdreg $0xFFFFFFFF;
	(pc) =	sbr.abs _section_cstart, $3  }
0xc1: {  	[dreg:$0x1] =	wrdreg $0xFFFFFFFF  }
0xc2: {  	_ =	task.clear_ibuf [dreg:s7], $0x2FFFF;
	_ =	strace $0x9FFFFFFF  }
0xc3: {  	(tm) =	ssettm $0x7FFFFFFF  }
tec
execute0_lowered:
.L_overlay_start_1:
0x0: {  	(tag) =	ssettag $0x1  }
0x1: {  	s0 =	rddreg [dreg:$0x0]  }
0x2: {  	s2 =	rddreg [dreg:$0x2];
	s18 =	stileid.u32  }
0x3: {  	s4 =	simm.s32 $0x0;
	s1 =	srdreg.scid;
	s5 =	smul.u32 $0x280, s18  }
0x4: {  	[smem:$0x7FF] =	sst s4;
	s1 =	sand.u32 $0x1, s1;
	s31 =	smul.u32 $0xA00, s18  }
0x5: {  	s3 =	sshll.u32 s18, $0x1;
	s7 =	sadd.s32 $0xCE00, s0;
	s18 =	smul.u32 $0x50000, s18  }
0x6: {  	s8 =	sadd.s32 $0x3F600, s0;
	s9 =	sadd.s32 $0x8F600, s0;
	s6 =	smul.u32 $0x2800, s1  }
0x7: {  	s3 =	sor.u32 s1, s3;
	s10 =	ssub.s32 $0x2, s1;
	s1 =	smul.u32 $0x500, s1  }
0x8: {  	_ =	strace $0x80000047;
	s3 =	smul.u32 $0x500, s3;
	s12 =	sshrl.u32 s10, $0x1  }
0x9: {  	s13 =	sadd.s32 $0x80, s5;
	s24 =	sadd.s32 $0x100, s5;
	s16 =	sadd.s32 $0x180, s5  }
0xa: {  	s20 =	sshrl.u32 s18, $0x2;
	s11 =	sadd.s32 s6, s5;
	s10 =	ssub.s32 s10, s12  }
0xb: {  	s22 =	sadd.s32 s6, s13;
	s25 =	sadd.s32 s6, s24;
	s15 =	sadd.s32 s6, s16  }
0xc: {  	s5 =	sadd.s32 $0x200, s5;
	s11 =	sshll.u32 s11, $0x4;
	s23 =	sshll.u32 s22, $0x4  }
0xd: {  	s15 =	sshll.u32 s15, $0x4;
	s6 =	sadd.s32 s6, s5;
	s21 =	sadd.s32 s8, s11  }
0xe: {  	s22 =	sshll.u32 s13, $0x7;
	s11 =	sadd.s32 s9, s11;
	[dreg:$0x4] =	wrdreg s21  }
0xf: {  	s14 =	sadd.s32 s9, s23;
	s26 =	sadd.s32 s9, s15;
	[dreg:$0x5] =	wrdreg s11  }
0x10: {  	s6 =	sshll.u32 s6, $0x4;
	s15 =	sadd.s32 s8, s15;
	[dreg:$0x6] =	wrdreg s14  }
0x11: {  	s14 =	sshll.u32 s25, $0x4;
	[dreg:$0x8] =	wrdreg s26;
	s11 =	sadd.s32 s8, s23  }
0x12: {  	[dreg:$0xc] =	wrdreg s15;
	s15 =	sadd.s32 $0x16E00, s0;
	s21 =	smax.u32 s10, $0x1  }
0x13: {  	s23 =	sshll.u32 s24, $0x7;
	s24 =	sshll.u32 s16, $0x7;
	[dreg:$0xa] =	wrdreg s11  }
0x14: {  	s26 =	sshll.u32 s5, $0x7;
	s17 =	sadd.s32 s9, s14;
	[dreg:$0x11] =	wrdreg s21  }
0x15: {  	s5 =	simm.s32 $0x2900;
	s9 =	sadd.s32 s9, s6;
	[dreg:$0x7] =	wrdreg s17  }
0x16: {  	s14 =	sadd.s32 s8, s14;
	s6 =	sadd.s32 s8, s6;
	[dreg:$0x9] =	wrdreg s9  }
0x17: {  	s25 =	sadd.s32 s24, s2;
	s8 =	simm.s32 $0x100;
	[dreg:$0xb] =	wrdreg s14  }
0x18: {  	s17 =	sadd.s32 s31, s7;
	[dreg:$0xd] =	wrdreg s6;
	s7 =	sadd.s32 s7, s3  }
0x19: {  	s3 =	sadd.s32 s3, s0;
	s0 =	sadd.s32 $0x3EE00, s0;
	[dreg:$0x14] =	wrdreg s25  }
0x1a: {  	s11 =	simm.s32 $0x0;
	s6 =	simm.s32 $0x80;
	[dreg:$0xf] =	wrdreg s0  }
0x1b: {  	s1 =	sadd.s32 s1, s17;
	s19 =	sadd.s32 $0x2E00, s3;
	[dreg:$0xe] =	wrdreg s7  }
0x1c: {  	s0 =	sadd.s32 s22, s2;
	s31 =	sadd.s32 $0x10, s7;
	[dreg:$0x10] =	wrdreg s19  }
0x1d: {  	s3 =	simm.s32 $0x6900;
	s7 =	simm.s32 $0x3;
	[dreg:$0x12] =	wrdreg s0  }
0x1e: {  	s19 =	sadd.s32 s20, s2;
	s0 =	sadd.s32 s23, s2;
	[dreg:$0x16] =	wrdreg s31  }
0x1f: {  	s25 =	sadd.s32 $0x20, s1;
	s1 =	simm.s32 $0x5;
	[dreg:$0x13] =	wrdreg s0  }
0x20: {  	s0 =	sadd.s32 s26, s2;
	s26 =	sadd.s32 $0x4000, s19;
	s28 =	sadd.s32 $0x8000, s19  }
0x21: {  	s29 =	sadd.s32 $0xC000, s19;
	s30 =	sadd.s32 $0x10000, s19;
	[dreg:$0x15] =	wrdreg s0  }
.LBB2_1:
0x22: {  	s0 =	rddreg [dreg:$0x10]  }
0x23: {  	[tilespmem:s8], [sflag:$0x5] =	stream.linear.gather [hbm4b:s0+s4], $0x2800, $0x38;
	[tilespmem:$0x1E900] =	vst v63  }
0x24: {  	_ =	swait.ge [sflag:s1], $0x2800  }
0x25: {  	[sflag:s1] =	ssyncset.done $0x0  }
0x26: {  	[sflag:s1] =	ssyncadd.s32 $0xFFFFD800  }
0x27: {  	s14 =	rddreg [dreg:$0x1]  }
0x28: {  	[tilespmem:s3], [sflag:$0x5] =	stream.linear.gather [hbm4b:s14+s4], $0x4000, $0x38;
	[tilespmem:$0x1E900] =	vst v63  }
0x29: {  	_ =	swait.ge [sflag:s1], $0x4000  }
0x2a: {  	[sflag:s1] =	ssyncset.done $0x0  }
0x2b: {  	[sflag:s1] =	ssyncadd.s32 $0xFFFFC000  }
0x2c: {  	[spmem:s19] =	stream.linear.scatter [tilespmem:s3], [sflag:$0x5], $0x4000, $0x38;
	[tilespmem:$0x1E900] =	vst v63  }
0x2d: {  	_ =	swait.ge [sflag:s1], $0x4000  }
0x2e: {  	[sflag:s1] =	ssyncset.done $0x0  }
0x2f: {  	[sflag:s1] =	ssyncadd.s32 $0xFFFFC000  }
0x30: {  	[spmem:s26] =	stream.linear.scatter [tilespmem:s3], [sflag:$0x5], $0x4000, $0x38;
	[tilespmem:$0x1E900] =	vst v63  }
0x31: {  	_ =	swait.ge [sflag:s1], $0x4000  }
0x32: {  	[sflag:s1] =	ssyncset.done $0x0  }
0x33: {  	[sflag:s1] =	ssyncadd.s32 $0xFFFFC000  }
0x34: {  	[spmem:s28] =	stream.linear.scatter [tilespmem:s3], [sflag:$0x5], $0x4000, $0x38;
	[tilespmem:$0x1E900] =	vst v63  }
0x35: {  	_ =	swait.ge [sflag:s1], $0x4000  }
0x36: {  	[sflag:s1] =	ssyncset.done $0x0  }
0x37: {  	[sflag:s1] =	ssyncadd.s32 $0xFFFFC000  }
0x38: {  	[spmem:s29] =	stream.linear.scatter [tilespmem:s3], [sflag:$0x5], $0x4000, $0x38;
	[tilespmem:$0x1E900] =	vst v63  }
0x39: {  	_ =	swait.ge [sflag:s1], $0x4000  }
0x3a: {  	[sflag:s1] =	ssyncset.done $0x0  }
0x3b: {  	[sflag:s1] =	ssyncadd.s32 $0xFFFFC000  }
0x3c: {  	[spmem:s30] =	stream.linear.scatter [tilespmem:s3], [sflag:$0x5], $0x4000, $0x38;
	[tilespmem:$0x1E900] =	vst v63  }
0x3d: {  	_ =	swait.ge [sflag:s1], $0x4000  }
0x3e: {  	[sflag:s1] =	ssyncset.done $0x0  }
0x3f: {  	s16 =	rddreg [dreg:$0xf];
	[sflag:s1] =	ssyncadd.s32 $0xFFFFC000  }
0x40: {  	[tilespmem:s5], [sflag:$0x5] =	stream.linear.gather [hbm4b:s16+s4], $0x4000, $0x38;
	[tilespmem:$0x1E900] =	vst v63  }
0x41: {  	_ =	swait.ge [sflag:s1], $0x4000  }
0x42: {  	[sflag:s1] =	ssyncset.done $0x0  }
0x43: {  	[sflag:s1] =	ssyncadd.s32 $0xFFFFC000  }
0x44: {  	s17 =	simm.s32 $0x100;
	[bflag:$0x0] =	sbarrier.arrive $0xFFFF  }
0x45: {  	[spmem:s2] =	stream.indirect.scatter.add.f32 [tilespmem:s5], [sflag:$0x3], $0x80, s17, s6, $0xb8;
	[tilespmem:$0x1E900] =	vst v63  }
0x46: {  	s18 =	simm.s32 $0x180  }
0x47: {  	[spmem:s2] =	stream.indirect.scatter.add.f32 [tilespmem:s5], [sflag:$0x3], $0x80, s18, s6, $0xb8;
	[tilespmem:$0x1E900] =	vst v63  }
0x48: {  	s20 =	simm.s32 $0x200  }
0x49: {  	[spmem:s2] =	stream.indirect.scatter.add.f32 [tilespmem:s5], [sflag:$0x3], $0x80, s20, s6, $0xb8;
	[tilespmem:$0x1E900] =	vst v63  }
0x4a: {  	s21 =	simm.s32 $0x280  }
0x4b: {  	[spmem:s2] =	stream.indirect.scatter.add.f32 [tilespmem:s5], [sflag:$0x3], $0x80, s21, s6, $0xb8;
	[tilespmem:$0x1E900] =	vst v63  }
0x4c: {  	s22 =	simm.s32 $0x300  }
0x4d: {  	[spmem:s2] =	stream.indirect.scatter.add.f32 [tilespmem:s5], [sflag:$0x3], $0x80, s22, s6, $0xb8;
	[tilespmem:$0x1E900] =	vst v63  }
0x4e: {  	s23 =	simm.s32 $0x380  }
0x4f: {  	[spmem:s2] =	stream.indirect.scatter.add.f32 [tilespmem:s5], [sflag:$0x3], $0x80, s23, s6, $0xb8;
	[tilespmem:$0x1E900] =	vst v63  }
0x50: {  	s24 =	simm.s32 $0x400  }
0x51: {  	[spmem:s2] =	stream.indirect.scatter.add.f32 [tilespmem:s5], [sflag:$0x3], $0x80, s24, s6, $0xb8;
	[tilespmem:$0x1E900] =	vst v63  }
0x52: {  	s31 =	simm.s32 $0x480  }
0x53: {  	[spmem:s2] =	stream.indirect.scatter.add.f32 [tilespmem:s5], [sflag:$0x3], $0x80, s31, s6, $0xb8;
	[tilespmem:$0x1E900] =	vst v63  }
0x54: {  	_ =	swait.ge [sflag:s7], $0x4000  }
0x55: {  	[sflag:s7] =	ssyncset.done $0x0  }
0x56: {  	[sflag:s7] =	ssyncadd.s32 $0xFFFFC000  }
0x57: {  	_ =	swait.ge [sflag:s7], $0x4000  }
0x58: {  	[sflag:s7] =	ssyncset.done $0x0  }
0x59: {  	[sflag:s7] =	ssyncadd.s32 $0xFFFFC000  }
0x5a: {  	_ =	swait.ge [sflag:s7], $0x4000  }
0x5b: {  	[sflag:s7] =	ssyncset.done $0x0  }
0x5c: {  	[sflag:s7] =	ssyncadd.s32 $0xFFFFC000  }
0x5d: {  	_ =	swait.ge [sflag:s7], $0x4000  }
0x5e: {  	[sflag:s7] =	ssyncset.done $0x0  }
0x5f: {  	[sflag:s7] =	ssyncadd.s32 $0xFFFFC000  }
0x60: {  	_ =	swait.ge [sflag:s7], $0x4000  }
0x61: {  	[sflag:s7] =	ssyncset.done $0x0  }
0x62: {  	[sflag:s7] =	ssyncadd.s32 $0xFFFFC000  }
0x63: {  	_ =	swait.ge [sflag:s7], $0x4000  }
0x64: {  	[sflag:s7] =	ssyncset.done $0x0  }
0x65: {  	[sflag:s7] =	ssyncadd.s32 $0xFFFFC000  }
0x66: {  	_ =	swait.ge [sflag:s7], $0x4000  }
0x67: {  	[sflag:s7] =	ssyncset.done $0x0  }
0x68: {  	[sflag:s7] =	ssyncadd.s32 $0xFFFFC000  }
0x69: {  	_ =	swait.ge [sflag:s7], $0x4000  }
0x6a: {  	s0 =	simm.s32 $0x2000;
	s14 =	simm.s32 $0x400;
	[sflag:s7] =	ssyncset.done $0x0  }
.LBB2_2:
0x6b: {  	s16 =	sadd.s32 $0x100, s14  }
0x6c: {  	[sflag:s7] =	ssyncadd.s32 $0xFFFFC000;
	s13 =	smov.u32 s0;
	s12 =	sadd.s32 $0x1000, s0  }
0x6d: {  	[spmem:s2] =	stream.indirect.scatter.add.f32 [tilespmem:s5], [sflag:$0x3], $0x80, s16, s6, $0xb8;
	[tilespmem:$0x1E900] =	vst v63  }
0x6e: {  	p0 =	sne.s32 s0, $0x9000;
	s0 =	sadd.s32 $0x180, s14  }
0x6f: {  	[spmem:s2] =	stream.indirect.scatter.add.f32 [tilespmem:s5], [sflag:$0x3], $0x80, s0, s6, $0xb8;
	[tilespmem:$0x1E900] =	vst v63  }
0x70: {  	s0 =	sadd.s32 $0x200, s14  }
0x71: {  	[spmem:s2] =	stream.indirect.scatter.add.f32 [tilespmem:s5], [sflag:$0x3], $0x80, s0, s6, $0xb8;
	[tilespmem:$0x1E900] =	vst v63  }
0x72: {  	s0 =	sadd.s32 $0x280, s14  }
0x73: {  	[spmem:s2] =	stream.indirect.scatter.add.f32 [tilespmem:s5], [sflag:$0x3], $0x80, s0, s6, $0xb8;
	[tilespmem:$0x1E900] =	vst v63  }
0x74: {  	s0 =	sadd.s32 $0x300, s14  }
0x75: {  	[spmem:s2] =	stream.indirect.scatter.add.f32 [tilespmem:s5], [sflag:$0x3], $0x80, s0, s6, $0xb8;
	[tilespmem:$0x1E900] =	vst v63  }
0x76: {  	s0 =	sadd.s32 $0x380, s14  }
0x77: {  	[spmem:s2] =	stream.indirect.scatter.add.f32 [tilespmem:s5], [sflag:$0x3], $0x80, s0, s6, $0xb8;
	[tilespmem:$0x1E900] =	vst v63  }
0x78: {  	s0 =	sadd.s32 $0x400, s14  }
0x79: {  	[spmem:s2] =	stream.indirect.scatter.add.f32 [tilespmem:s5], [sflag:$0x3], $0x80, s0, s6, $0xb8;
	[tilespmem:$0x1E900] =	vst v63  }
0x7a: {  	s0 =	sadd.s32 $0x480, s14  }
0x7b: {  	[spmem:s2] =	stream.indirect.scatter.add.f32 [tilespmem:s5], [sflag:$0x3], $0x80, s0, s6, $0xb8;
	[tilespmem:$0x1E900] =	vst v63  }
0x7c: {  	_ =	swait.ge [sflag:s7], $0x4000  }
0x7d: {  	[sflag:s7] =	ssyncset.done $0x0  }
0x7e: {  	[sflag:s7] =	ssyncadd.s32 $0xFFFFC000  }
0x7f: {  	_ =	swait.ge [sflag:s7], $0x4000  }
0x80: {  	[sflag:s7] =	ssyncset.done $0x0  }
0x81: {  	[sflag:s7] =	ssyncadd.s32 $0xFFFFC000  }
0x82: {  	_ =	swait.ge [sflag:s7], $0x4000  }
0x83: {  	[sflag:s7] =	ssyncset.done $0x0  }
0x84: {  	[sflag:s7] =	ssyncadd.s32 $0xFFFFC000  }
0x85: {  	_ =	swait.ge [sflag:s7], $0x4000  }
0x86: {  	[sflag:s7] =	ssyncset.done $0x0  }
0x87: {  	[sflag:s7] =	ssyncadd.s32 $0xFFFFC000  }
0x88: {  	_ =	swait.ge [sflag:s7], $0x4000  }
0x89: {  	[sflag:s7] =	ssyncset.done $0x0  }
0x8a: {  	[sflag:s7] =	ssyncadd.s32 $0xFFFFC000  }
0x8b: {  	_ =	swait.ge [sflag:s7], $0x4000  }
0x8c: {  	[sflag:s7] =	ssyncset.done $0x0  }
0x8d: {  	[sflag:s7] =	ssyncadd.s32 $0xFFFFC000  }
.Ltmp0:
0x8e: {  	_ =	swait.ge [sflag:s7], $0x4000;
	(pc) =	sbr.rel @p0 .LBB2_2-.Ltmp0, $4  }
0x8f: {  	[sflag:s7] =	ssyncset.done $0x0  }
0x90: {  	[sflag:s7] =	ssyncadd.s32 $0xFFFFC000  }
0x91: {  	_ =	swait.ge [sflag:s7], $0x4000  }
0x92: {  	s14 =	sshra.s32 s13, $0x2;
	s0 =	smov.u32 s12;
	[sflag:s7] =	ssyncset.done $0x0  }
0x93: {  	s0 =	sadd.s32 $0x100, s14;
	[sflag:s7] =	ssyncadd.s32 $0xFFFFC000  }
0x94: {  	[spmem:s2] =	stream.indirect.scatter.add.f32 [tilespmem:s5], [sflag:$0x3], $0x80, s0, s6, $0xb8;
	[tilespmem:$0x1E900] =	vst v63  }
0x95: {  	s9 =	sadd.s32 $0x180, s14  }
0x96: {  	[spmem:s2] =	stream.indirect.scatter.add.f32 [tilespmem:s5], [sflag:$0x3], $0x80, s9, s6, $0xb8;
	[tilespmem:$0x1E900] =	vst v63  }
0x97: {  	s10 =	sadd.s32 $0x200, s14  }
0x98: {  	[spmem:s2] =	stream.indirect.scatter.add.f32 [tilespmem:s5], [sflag:$0x3], $0x80, s10, s6, $0xb8;
	[tilespmem:$0x1E900] =	vst v63  }
0x99: {  	s12 =	sadd.s32 $0x280, s14  }
0x9a: {  	[spmem:s2] =	stream.indirect.scatter.add.f32 [tilespmem:s5], [sflag:$0x3], $0x80, s12, s6, $0xb8;
	[tilespmem:$0x1E900] =	vst v63  }
0x9b: {  	s13 =	sadd.s32 $0x300, s14  }
0x9c: {  	[spmem:s2] =	stream.indirect.scatter.add.f32 [tilespmem:s5], [sflag:$0x3], $0x80, s13, s6, $0xb8;
	[tilespmem:$0x1E900] =	vst v63  }
0x9d: {  	s16 =	sadd.s32 $0x380, s14  }
0x9e: {  	[spmem:s2] =	stream.indirect.scatter.add.f32 [tilespmem:s5], [sflag:$0x3], $0x80, s16, s6, $0xb8;
	[tilespmem:$0x1E900] =	vst v63  }
0x9f: {  	s17 =	sadd.s32 $0x400, s14  }
0xa0: {  	[spmem:s2] =	stream.indirect.scatter.add.f32 [tilespmem:s5], [sflag:$0x3], $0x80, s17, s6, $0xb8;
	[tilespmem:$0x1E900] =	vst v63  }
0xa1: {  	s18 =	sadd.s32 $0x480, s14  }
0xa2: {  	[spmem:s2] =	stream.indirect.scatter.add.f32 [tilespmem:s5], [sflag:$0x3], $0x80, s18, s6, $0xb8;
	[tilespmem:$0x1E900] =	vst v63  }
0xa3: {  	_ =	swait.ge [sflag:s7], $0x4000  }
0xa4: {  	[sflag:s7] =	ssyncset.done $0x0  }
0xa5: {  	[sflag:s7] =	ssyncadd.s32 $0xFFFFC000  }
0xa6: {  	_ =	swait.ge [sflag:s7], $0x4000  }
0xa7: {  	[sflag:s7] =	ssyncset.done $0x0  }
0xa8: {  	[sflag:s7] =	ssyncadd.s32 $0xFFFFC000  }
0xa9: {  	_ =	swait.ge [sflag:s7], $0x4000  }
0xaa: {  	[sflag:s7] =	ssyncset.done $0x0  }
0xab: {  	[sflag:s7] =	ssyncadd.s32 $0xFFFFC000  }
0xac: {  	_ =	swait.ge [sflag:s7], $0x4000  }
0xad: {  	[sflag:s7] =	ssyncset.done $0x0  }
0xae: {  	[sflag:s7] =	ssyncadd.s32 $0xFFFFC000  }
0xaf: {  	_ =	swait.ge [sflag:s7], $0x4000  }
0xb0: {  	[sflag:s7] =	ssyncset.done $0x0  }
0xb1: {  	[sflag:s7] =	ssyncadd.s32 $0xFFFFC000  }
0xb2: {  	_ =	swait.ge [sflag:s7], $0x4000  }
0xb3: {  	[sflag:s7] =	ssyncset.done $0x0  }
0xb4: {  	[sflag:s7] =	ssyncadd.s32 $0xFFFFC000  }
0xb5: {  	_ =	swait.ge [sflag:s7], $0x4000  }
0xb6: {  	[sflag:s7] =	ssyncset.done $0x0  }
0xb7: {  	[sflag:s7] =	ssyncadd.s32 $0xFFFFC000  }
0xb8: {  	_ =	swait.ge [sflag:s7], $0x4000  }
0xb9: {  	[sflag:s7] =	ssyncset.done $0x0  }
0xba: {  	s20 =	stileid.u32;
	[sflag:s7] =	ssyncadd.s32 $0xFFFFC000  }
0xbb: {  	s0 =	sshll.u32 s20, $0x6;
	[bflag:$0x0] =	sbarrier.arrive $0xFFFF  }
0xbc: {  	s12 =	sor.u32 $0x1C05, s0;
	s13 =	sshrl.u32 s19, $0x3;
	s21 =	rddreg [dreg:$0x5]  }
0xbd: {  	[hbm:s21], [sflag:s12] =	dma.local [spmem:s13], $0x800  }
0xbe: {  	_ =	swait.ge [sflag:s1], $0x800  }
0xbf: {  	[sflag:s1] =	ssyncset.done $0x0;
	s22 =	rddreg [dreg:$0x12]  }
0xc0: {  	s23 =	rddreg [dreg:$0x6];
	[sflag:s1] =	ssyncadd.s32 $0xFFFFF800;
	s14 =	sshrl.u32 s22, $0x3  }
0xc1: {  	[hbm:s23], [sflag:s12] =	dma.local [spmem:s14], $0x800  }
0xc2: {  	_ =	swait.ge [sflag:s1], $0x800  }
0xc3: {  	[sflag:s1] =	ssyncset.done $0x0;
	s24 =	rddreg [dreg:$0x13]  }
0xc4: {  	s9 =	rddreg [dreg:$0x7];
	[sflag:s1] =	ssyncadd.s32 $0xFFFFF800;
	s17 =	sshrl.u32 s24, $0x3  }
0xc5: {  	[hbm:s9], [sflag:s12] =	dma.local [spmem:s17], $0x800  }
0xc6: {  	_ =	swait.ge [sflag:s1], $0x800  }
0xc7: {  	[sflag:s1] =	ssyncset.done $0x0;
	s10 =	rddreg [dreg:$0x14]  }
0xc8: {  	s16 =	rddreg [dreg:$0x8];
	[sflag:s1] =	ssyncadd.s32 $0xFFFFF800;
	s18 =	sshrl.u32 s10, $0x3  }
0xc9: {  	[hbm:s16], [sflag:s12] =	dma.local [spmem:s18], $0x800  }
0xca: {  	_ =	swait.ge [sflag:s1], $0x800  }
0xcb: {  	[sflag:s1] =	ssyncset.done $0x0;
	s20 =	rddreg [dreg:$0x15]  }
0xcc: {  	s21 =	rddreg [dreg:$0x9];
	[sflag:s1] =	ssyncadd.s32 $0xFFFFF800;
	s20 =	sshrl.u32 s20, $0x3  }
0xcd: {  	[hbm:s21], [sflag:s12] =	dma.local [spmem:s20], $0x800  }
0xce: {  	_ =	swait.ge [sflag:s1], $0x800  }
0xcf: {  	[sflag:s1] =	ssyncset.done $0x0  }
0xd0: {  	[sflag:s1] =	ssyncadd.s32 $0xFFFFF800  }
0xd1: {  	[spmem:s19] =	stream.linear.scatter [tilespmem:s3], [sflag:$0x5], $0x4000, $0x38;
	[tilespmem:$0x1E900] =	vst v63  }
0xd2: {  	_ =	swait.ge [sflag:s1], $0x4000  }
0xd3: {  	[sflag:s1] =	ssyncset.done $0x0  }
0xd4: {  	[sflag:s1] =	ssyncadd.s32 $0xFFFFC000  }
0xd5: {  	[spmem:s26] =	stream.linear.scatter [tilespmem:s3], [sflag:$0x5], $0x4000, $0x38;
	[tilespmem:$0x1E900] =	vst v63  }
0xd6: {  	_ =	swait.ge [sflag:s1], $0x4000  }
0xd7: {  	[sflag:s1] =	ssyncset.done $0x0  }
0xd8: {  	[sflag:s1] =	ssyncadd.s32 $0xFFFFC000  }
0xd9: {  	[spmem:s28] =	stream.linear.scatter [tilespmem:s3], [sflag:$0x5], $0x4000, $0x38;
	[tilespmem:$0x1E900] =	vst v63  }
0xda: {  	_ =	swait.ge [sflag:s1], $0x4000  }
0xdb: {  	[sflag:s1] =	ssyncset.done $0x0  }
0xdc: {  	[sflag:s1] =	ssyncadd.s32 $0xFFFFC000  }
0xdd: {  	[spmem:s29] =	stream.linear.scatter [tilespmem:s3], [sflag:$0x5], $0x4000, $0x38;
	[tilespmem:$0x1E900] =	vst v63  }
0xde: {  	_ =	swait.ge [sflag:s1], $0x4000  }
0xdf: {  	[sflag:s1] =	ssyncset.done $0x0  }
0xe0: {  	[sflag:s1] =	ssyncadd.s32 $0xFFFFC000  }
0xe1: {  	[spmem:s30] =	stream.linear.scatter [tilespmem:s3], [sflag:$0x5], $0x4000, $0x38;
	[tilespmem:$0x1E900] =	vst v63  }
0xe2: {  	_ =	swait.ge [sflag:s1], $0x4000  }
0xe3: {  	[sflag:s1] =	ssyncset.done $0x0  }
0xe4: {  	[sflag:s1] =	ssyncadd.s32 $0xFFFFC000  }
0xe5: {  	[bflag:$0x0] =	sbarrier.arrive $0xFFFF  }
0xe6: {  	s22 =	rddreg [dreg:$0xe]  }
0xe7: {  	[tilespmem:s4], [sflag:$0x5] =	stream.linear.gather [hbm4b:s22+s4], $0x80, $0x38;
	[tilespmem:$0x1E900] =	vst v63  }
0xe8: {  	_ =	swait.ge [sflag:s1], $0x80  }
0xe9: {  	[sflag:s1] =	ssyncset.done $0x0  }
0xea: {  	[sflag:s1] =	ssyncadd.s32 $0xFFFFFF80  }
0xeb: {  	[tilespmem:s5], [sflag:$0x1] =	stream.indirect.gather [hbm4b:s15+s6], $0x80, s4, s6, $0xb8;
	[tilespmem:$0x1E900] =	vst v63  }
0xec: {  	s23 =	rddreg [dreg:$0x16]  }
0xed: {  	[tilespmem:s6], [sflag:$0x5] =	stream.linear.gather [hbm4b:s23+s4], $0x80, $0x38;
	[tilespmem:$0x1E900] =	vst v63  }
0xee: {  	_ =	swait.ge [sflag:s1], $0x80  }
0xef: {  	[sflag:s1] =	ssyncset.done $0x0  }
0xf0: {  	s24 =	simm.s32 $0x1;
	[sflag:s1] =	ssyncadd.s32 $0xFFFFFF80  }
0xf1: {  	[tilespmem:s3], [sflag:$0x2] =	stream.indirect.gather [hbm4b:s15+s6], $0x80, s6, s6, $0xb8;
	[tilespmem:$0x1E900] =	vst v63  }
0xf2: {  	_ =	swait.ge [sflag:s24], $0x4000  }
0xf3: {  	[sflag:s24] =	ssyncset.done $0x0  }
0xf4: {  	[sflag:s24] =	ssyncadd.s32 $0xFFFFC000  }
0xf5: {  	[spmem:s2] =	stream.indirect.scatter.add.f32 [tilespmem:s5], [sflag:$0x3], $0x80, s8, s6, $0xb8;
	[tilespmem:$0x1E900] =	vst v63  }
0xf6: {  	s8 =	simm.s32 $0x2  }
0xf7: {  	s0 =	sand.u32 $0x1, s8  }
0xf8: {  	s16 =	sshll.u32 s0, $0x7  }
0xf9: {  	[tilespmem:s16], [sflag:$0x5] =	stream.linear.gather [hbm4b:s25+s4], $0x80, $0x38;
	[tilespmem:$0x1E900] =	vst v63  }
0xfa: {  	_ =	swait.ge [sflag:s1], $0x80  }
0xfb: {  	[sflag:s1] =	ssyncset.done $0x0  }
0xfc: {  	s22 =	sadd.s32 $0x3, s0;
	[sflag:s1] =	ssyncadd.s32 $0xFFFFFF80  }
0xfd: {  	s21 =	simm.s32 $0x180;
	s24 =	simm.s32 $0x1;
	_ =	swait.ge [sflag:s22], $0x4000  }
0xfe: {  	s31 =	sand.u32 $0x1, s24;
	s23 =	sshll.u32 s0, $0xE;
	[sflag:s22] =	ssyncset.done $0x0  }
0xff: {  	s0 =	sadd.s32 $0x1, s0;
	s9 =	sor.u32 $0x2900, s23;
	[sflag:s22] =	ssyncadd.s32 $0xFFFFC000  }
0x100: {  	[tilespmem:s9], [sflag:s0] =	stream.indirect.gather [hbm4b:s15+s6], $0x80, s16, s6, $0xb8;
	[tilespmem:$0x1E900] =	vst v63  }
0x101: {  	s24 =	simm.s32 $0x3;
	s10 =	sshll.u32 s31, $0xE;
	s16 =	sadd.s32 $0x1, s31  }
0x102: {  	s23 =	simm.s32 $0x200;
	s22 =	sadd.s32 $0x10, s25;
	_ =	swait.ge [sflag:s16], $0x4000  }
0x103: {  	s0 =	sor.u32 $0x2900, s10;
	s31 =	sadd.s32 $0x3, s31;
	[sflag:s16] =	ssyncset.done $0x0  }
.LBB2_4:
0x104: {  	s8 =	sand.u32 $0x1, s24  }
0x105: {  	[sflag:s16] =	ssyncadd.s32 $0xFFFFC000;
	s16 =	smov.u32 s24;
	s9 =	sadd.s32 $0x1, s24  }
0x106: {  	[spmem:s2] =	stream.indirect.scatter.add.f32 [tilespmem:s0], [sflag:s31], $0x80, s21, s6, $0xb8;
	[tilespmem:$0x1E900] =	vst v63  }
0x107: {  	p0 =	sne.s32 s24, $0x4F;
	s0 =	sshll.u32 s8, $0x7;
	s31 =	sshll.u32 s8, $0xE  }
0x108: {  	[tilespmem:s0], [sflag:$0x5] =	stream.linear.gather [hbm4b:s22+s4], $0x80, $0x38;
	[tilespmem:$0x1E900] =	vst v63  }
0x109: {  	s21 =	smov.u32 s23;
	_ =	swait.ge [sflag:s1], $0x80  }
0x10a: {  	[sflag:s1] =	ssyncset.done $0x0  }
0x10b: {  	s24 =	sadd.s32 $0x3, s8;
	[sflag:s1] =	ssyncadd.s32 $0xFFFFFF80  }
0x10c: {  	s16 =	sadd.s32 $0xFFFFFFFF, s16;
	_ =	swait.ge [sflag:s24], $0x4000  }
0x10d: {  	s8 =	sadd.s32 $0x1, s8;
	s10 =	sand.u32 $0x1, s16;
	[sflag:s24] =	ssyncset.done $0x0  }
.Ltmp1:
0x10e: {  	s16 =	sor.u32 $0x2900, s31;
	[sflag:s24] =	ssyncadd.s32 $0xFFFFC000;
	(pc) =	sbr.rel @p0 .LBB2_4-.Ltmp1, $4  }
0x10f: {  	[tilespmem:s16], [sflag:s8] =	stream.indirect.gather [hbm4b:s15+s6], $0x80, s0, s6, $0xb8;
	[tilespmem:$0x1E900] =	vst v63  }
0x110: {  	s23 =	sadd.s32 $0x80, s23;
	s0 =	sshll.u32 s10, $0xE;
	s16 =	sadd.s32 $0x1, s10  }
0x111: {  	s22 =	sadd.s32 $0x10, s22;
	s31 =	sadd.s32 $0x3, s10;
	_ =	swait.ge [sflag:s16], $0x4000  }
0x112: {  	s24 =	smov.u32 s9;
	s0 =	sor.u32 $0x2900, s0;
	[sflag:s16] =	ssyncset.done $0x0  }
0x113: {  	[sflag:s16] =	ssyncadd.s32 $0xFFFFC000;
	s8 =	simm.s32 $0x2  }
0x114: {  	[spmem:s2] =	stream.indirect.scatter.add.f32 [tilespmem:s0], [sflag:s31], $0x80, s21, s6, $0xb8;
	[tilespmem:$0x1E900] =	vst v63  }
0x115: {  	_ =	swait.ge [sflag:s8], $0x4000  }
0x116: {  	[sflag:s8] =	ssyncset.done $0x0  }
0x117: {  	s9 =	simm.s32 $0x2880;
	[sflag:s8] =	ssyncadd.s32 $0xFFFFC000  }
0x118: {  	[spmem:s2] =	stream.indirect.scatter.add.f32 [tilespmem:s3], [sflag:$0x4], $0x80, s9, s6, $0xb8;
	[tilespmem:$0x1E900] =	vst v63  }
0x119: {  	_ =	swait.ge [sflag:s7], $0x4000  }
0x11a: {  	[sflag:s7] =	ssyncset.done $0x0  }
0x11b: {  	s10 =	simm.s32 $0x4;
	[sflag:s7] =	ssyncadd.s32 $0xFFFFC000  }
0x11c: {  	_ =	swait.ge [sflag:s10], $0x4000  }
0x11d: {  	[sflag:s10] =	ssyncset.done $0x0  }
0x11e: {  	[sflag:s10] =	ssyncadd.s32 $0xFFFFC000  }
0x11f: {  	[bflag:$0x0] =	sbarrier.arrive $0xFFFF  }
0x120: {  	s16 =	rddreg [dreg:$0x4]  }
0x121: {  	[hbm:s16], [sflag:s12] =	dma.local [spmem:s13], $0x800  }
0x122: {  	_ =	swait.ge [sflag:s1], $0x800  }
0x123: {  	[sflag:s1] =	ssyncset.done $0x0  }
0x124: {  	s21 =	rddreg [dreg:$0xa];
	[sflag:s1] =	ssyncadd.s32 $0xFFFFF800  }
0x125: {  	[hbm:s21], [sflag:s12] =	dma.local [spmem:s14], $0x800  }
0x126: {  	_ =	swait.ge [sflag:s1], $0x800  }
0x127: {  	[sflag:s1] =	ssyncset.done $0x0  }
0x128: {  	s22 =	rddreg [dreg:$0xb];
	[sflag:s1] =	ssyncadd.s32 $0xFFFFF800  }
0x129: {  	[hbm:s22], [sflag:s12] =	dma.local [spmem:s17], $0x800  }
0x12a: {  	_ =	swait.ge [sflag:s1], $0x800  }
0x12b: {  	[sflag:s1] =	ssyncset.done $0x0  }
0x12c: {  	s23 =	rddreg [dreg:$0xc];
	[sflag:s1] =	ssyncadd.s32 $0xFFFFF800  }
0x12d: {  	[hbm:s23], [sflag:s12] =	dma.local [spmem:s18], $0x800  }
0x12e: {  	_ =	swait.ge [sflag:s1], $0x800  }
0x12f: {  	[sflag:s1] =	ssyncset.done $0x0  }
0x130: {  	s24 =	rddreg [dreg:$0xd];
	[sflag:s1] =	ssyncadd.s32 $0xFFFFF800  }
0x131: {  	[hbm:s24], [sflag:s12] =	dma.local [spmem:s20], $0x800  }
0x132: {  	_ =	swait.ge [sflag:s1], $0x800  }
0x133: {  	s11 =	sadd.s32 $0x1, s11;
	s31 =	rddreg [dreg:$0x11]  }
0x134: {  	p0 =	sne.s32 s11, s31  }
.Ltmp2:
0x135: {  	_ = 	snop;
	(pc) =	sbr.rel @p0 .LBB2_1-.Ltmp2, $3  }
0x136: {  	_ =	sdelay $0x1  }
0x137: {  	[sflag:s1] =	ssyncset.done $0x0  }
0x138: {  	s8 =	simm.s32 $0x100;
	[sflag:s1] =	ssyncadd.s32 $0xFFFFF800  }
0x139: {  	_ =	sfence.sel $0x180000  }
0x13a: {  	[bflag:$0x0] =	sbarrier.arrive $0xFFFF  }
0x13b: {  	_ =	strace $0x90000047  }
0x13c: {  	s0 =	stileid.u32;
	[bflag:$0x2] =	sbarrier.arrive $0xFFFF  }
0x13d: {  	p0 =	sne.s32 s0, $0x0;
	s0 =	rddreg [dreg:$0x3]  }
0x13e: {  	s0 =	sadd.s32 @!p0 $0x100000, s0  }
0x13f: {  	[sflag:s0] =	ssyncadd.tile.s32 @!p0 $0x1;
	_ =	shalt  }
.Lfunc_end2:
_tile_overlayer_lowered:
.L_overlay_start_2:
0x140: {  	(tag) =	ssettag $0x2  }
0x141: {  	s0 =	rddreg [dreg:$0x0];
	s2 =	stileid.u32  }
0x142: {  	s1 =	rddreg [dreg:$0x1];
	p0 =	sne.s32 s2, $0x0  }
0x143: {  	s3 =	rddreg [dreg:$0x2];
	[bflag:$0x3] =	sbarrier.arrive $0xFFFF;
	s2 =	simm.s32 @!p0 $0x1C05  }
0x144: {  	[timem:s3], [sflag:s2] =	dma.local @!p0 [hbm:s0], s1  }
0x145: {  	s0 =	simm.s32 @!p0 $0x5  }
0x146: {  	_ =	swait.ge @!p0 [sflag:s0], s1  }
0x147: {  	s1 =	ssub.s32 @!p0 $0x0, s1;
	[sflag:s0] =	ssyncset.done @!p0 $0x0  }
0x148: {  	[sflag:s0] =	ssyncadd.s32 @!p0 s1  }
0x149: {  	[bflag:$0x3] =	sbarrier.arrive $0xFFFF  }
0x14a: {  	_ =	shalt  }

</sc_bundles>
